<compile_context>
chip_gen: v7x
topology: tpu7x:2x2x1
jax: 0.10.2.dev20260603
libtpu: 0.0.44.dev20260713+nightly
codegen_flags: <defaults>
</compile_context>

<pallas_src>
import jax
import jax.numpy as jnp
from jax import lax
from jax.experimental import pallas as pl
from jax.experimental.pallas import tpu as pltpu
from jax.experimental.pallas import tpu_sc as plsc

NC = 2
NS = 16
LANES = 128
KE = 64



def _sc_agg_body(x_hbm, src2d, dst2d, agg_out,
                 agg_sh, srci0, dsti0, rows0, srci1, dsti1, rows1,
                 sem0, sem1):
    cid = lax.axis_index("c")
    sid = lax.axis_index("s")
    wid = cid * NS + sid
    np_rows = agg_sh.shape[0]
    stripe = np_rows // NS
    nblk = stripe // KE
    chunks = src2d.shape[0] // (NC * NS)
    npair = chunks // 2
    base = wid * chunks

    z16 = jnp.zeros((16,), jnp.float32)
    d = rows0.shape[1]

    def zero_bufs(i, c):
        for j in range(d // 16):
            rows0[i, pl.ds(j * 16, 16)] = z16
        return c

    lax.fori_loop(0, KE, zero_bufs, 0)

    def zero_stripe(i, c):
        off = sid * stripe + i * KE
        pltpu.sync_copy(rows0, agg_sh.at[pl.ds(off, KE)])
        return c

    lax.fori_loop(0, nblk, zero_stripe, 0)
    plsc.subcore_barrier()

    pltpu.sync_copy(src2d.at[base], srci0)
    pltpu.sync_copy(dst2d.at[base], dsti0)
    pltpu.async_copy(x_hbm.at[srci0], rows0, sem0)

    def pair(p, c):
        r1 = base + 2 * p + 1
        pltpu.sync_copy(src2d.at[r1], srci1)
        pltpu.sync_copy(dst2d.at[r1], dsti1)
        pltpu.async_copy(x_hbm.at[srci1], rows1, sem1)
        pltpu.make_async_copy(x_hbm.at[srci0], rows0, sem0).wait()
        pltpu.sync_copy(rows0, agg_sh.at[dsti0], add=True)

        @pl.when(p < npair - 1)
        def _():
            r0 = base + 2 * p + 2
            pltpu.sync_copy(src2d.at[r0], srci0)
            pltpu.sync_copy(dst2d.at[r0], dsti0)
            pltpu.async_copy(x_hbm.at[srci0], rows0, sem0)

        pltpu.make_async_copy(x_hbm.at[srci1], rows1, sem1).wait()
        pltpu.sync_copy(rows1, agg_sh.at[dsti1], add=True)
        return c

    lax.fori_loop(0, npair, pair, 0)
    plsc.subcore_barrier()

    def writeout(i, c):
        off = sid * stripe + i * KE
        pltpu.sync_copy(agg_sh.at[pl.ds(off, KE)], rows0)
        pltpu.sync_copy(rows0, agg_out.at[pl.ds(cid * np_rows + off, KE)])
        return c

    lax.fori_loop(0, nblk, writeout, 0)


def _sc_agg(x, src2d, dst2d, np_rows):
    d = x.shape[1]
    f = pl.kernel(
        _sc_agg_body,
        out_type=jax.ShapeDtypeStruct((NC * np_rows, d), jnp.float32),
        mesh=plsc.VectorSubcoreMesh(core_axis_name="c", subcore_axis_name="s"),
        scratch_types=[
            pltpu.VMEM_SHARED((np_rows, d), jnp.float32),
            pltpu.VMEM((KE,), jnp.int32),
            pltpu.VMEM((KE,), jnp.int32),
            pltpu.VMEM((KE, d), jnp.float32),
            pltpu.VMEM((KE,), jnp.int32),
            pltpu.VMEM((KE,), jnp.int32),
            pltpu.VMEM((KE, d), jnp.float32),
            pltpu.SemaphoreType.DMA,
            pltpu.SemaphoreType.DMA,
        ],
    )
    return f(x, src2d, dst2d).reshape(NC, np_rows, d)



def _sc_deg_body(dst2d, deg_out, deg_sh, dsti, onesb, sem):
    cid = lax.axis_index("c")
    sid = lax.axis_index("s")
    wid = cid * NS + sid
    np_rows = deg_sh.shape[0]
    stripe = np_rows // NS
    nblk = stripe // KE
    chunks = dst2d.shape[0] // (NC * NS)

    z16 = jnp.zeros((16,), jnp.float32)
    ones16 = jnp.ones((16,), jnp.float32)

    def zero_bufs(i, c):
        for j in range(LANES // 16):
            onesb[i, pl.ds(j * 16, 16)] = z16
        return c

    lax.fori_loop(0, KE, zero_bufs, 0)

    def zero_stripe(i, c):
        off = sid * stripe + i * KE
        pltpu.sync_copy(onesb, deg_sh.at[pl.ds(off, KE)])
        return c

    lax.fori_loop(0, nblk, zero_stripe, 0)

    def fill_ones(i, c):
        for j in range(LANES // 16):
            onesb[i, pl.ds(j * 16, 16)] = ones16
        return c

    lax.fori_loop(0, KE, fill_ones, 0)
    plsc.subcore_barrier()

    def body(k, c):
        r = wid * chunks + k
        pltpu.sync_copy(dst2d.at[r], dsti)
        pltpu.sync_copy(onesb, deg_sh.at[dsti], add=True)
        return c

    lax.fori_loop(0, chunks, body, 0)
    plsc.subcore_barrier()

    def writeout(i, c):
        off = sid * stripe + i * KE
        pltpu.sync_copy(deg_sh.at[pl.ds(off, KE)], onesb)
        pltpu.sync_copy(onesb, deg_out.at[pl.ds(cid * np_rows + off, KE)])
        return c

    lax.fori_loop(0, nblk, writeout, 0)


def _sc_deg(dst2d, np_rows):
    f = pl.kernel(
        _sc_deg_body,
        out_type=jax.ShapeDtypeStruct((NC * np_rows, LANES), jnp.float32),
        mesh=plsc.VectorSubcoreMesh(core_axis_name="c", subcore_axis_name="s"),
        scratch_types=[
            pltpu.VMEM_SHARED((np_rows, LANES), jnp.float32),
            pltpu.VMEM((KE,), jnp.int32),
            pltpu.VMEM((KE, LANES), jnp.float32),
            pltpu.SemaphoreType.DMA,
        ],
    )
    return f(dst2d).reshape(NC, np_rows, LANES)



def _sc_gather_body(h_hbm, idx_hbm, out_hbm, idxv, rowsv, sem):
    cid = lax.axis_index("c")
    sid = lax.axis_index("s")
    wid = cid * NS + sid
    bpw = idxv.shape[0]
    base = wid * bpw
    pltpu.sync_copy(idx_hbm.at[pl.ds(base, bpw)], idxv)
    pltpu.async_copy(h_hbm.at[idxv], rowsv, sem).wait()
    pltpu.sync_copy(rowsv, out_hbm.at[pl.ds(base, bpw)])


def _sc_gather(h, idx):
    b = idx.shape[0]
    d = h.shape[1]
    bpw = b // (NC * NS)
    f = pl.kernel(
        _sc_gather_body,
        out_type=jax.ShapeDtypeStruct((b, d), jnp.float32),
        mesh=plsc.VectorSubcoreMesh(core_axis_name="c", subcore_axis_name="s"),
        scratch_types=[
            pltpu.VMEM((bpw,), jnp.int32),
            pltpu.VMEM((bpw, d), jnp.float32),
            pltpu.SemaphoreType.DMA,
        ],
    )
    return f(h, idx)



def _tc_layer_body(x_ref, a0_ref, a1_ref, d0_ref, d1_ref, ws_ref, wn_ref,
                   b_ref, o_ref):
    x = x_ref[...]
    a = a0_ref[0] + a1_ref[0]
    deg = (d0_ref[0] + d1_ref[0])[:, :1]
    mean = a * (1.0 / jnp.clip(deg, 1.0, None))
    h = jnp.dot(x, ws_ref[...], preferred_element_type=jnp.float32)
    h = h + jnp.dot(mean, wn_ref[...], preferred_element_type=jnp.float32)
    o_ref[...] = jnp.maximum(h + b_ref[...], 0.0)


def _tc_layer(x, aggp, degp, w_self, w_neigh, b):
    n, d = x.shape
    hh = w_self.shape[1]
    br = 512
    grid = (pl.cdiv(n, br),)
    return pl.pallas_call(
        _tc_layer_body,
        grid=grid,
        in_specs=[
            pl.BlockSpec((br, d), lambda i: (i, 0)),
            pl.BlockSpec((1, br, d), lambda i: (0, i, 0)),
            pl.BlockSpec((1, br, d), lambda i: (1, i, 0)),
            pl.BlockSpec((1, br, LANES), lambda i: (0, i, 0)),
            pl.BlockSpec((1, br, LANES), lambda i: (1, i, 0)),
            pl.BlockSpec((hh, hh), lambda i: (0, 0)),
            pl.BlockSpec((hh, hh), lambda i: (0, 0)),
            pl.BlockSpec((1, hh), lambda i: (0, 0)),
        ],
        out_specs=pl.BlockSpec((br, hh), lambda i: (i, 0)),
        out_shape=jax.ShapeDtypeStruct((n, hh), jnp.float32),
    )(x, aggp, aggp, degp, degp, w_self, w_neigh, b.reshape(1, hh))


def _tc_head_body(h_ref, w_ref, b_ref, o_ref):
    logits = jnp.dot(h_ref[...], w_ref[...],
                     preferred_element_type=jnp.float32) + b_ref[...]
    m = jnp.max(logits, axis=1, keepdims=True)
    lse = jnp.log(jnp.sum(jnp.exp(logits - m), axis=1, keepdims=True)) + m
    o_ref[...] = logits - lse


def _tc_head(hb, w_lin, b_lin):
    b, _ = hb.shape
    c = w_lin.shape[1]
    return pl.pallas_call(
        _tc_head_body,
        out_shape=jax.ShapeDtypeStruct((b, c), jnp.float32),
    )(hb, w_lin, b_lin.reshape(1, c))



def kernel(features, edge_index, batch_nodes, W1_self, W1_neigh, b1,
           W2_self, W2_neigh, b2, W_lin, b_lin):
    n, d = features.shape
    e = edge_index.shape[1]

    ce = NC * NS * LANES
    ep = ((e + ce - 1) // ce) * ce
    np_rows = ((n + 1 + 255) // 256) * 256

    src = jnp.concatenate(
        [edge_index[0], jnp.zeros((ep - e,), jnp.int32)]).reshape(-1, KE)
    dst = jnp.concatenate(
        [edge_index[1], jnp.full((ep - e,), n, jnp.int32)]).reshape(-1, KE)

    degp = _sc_deg(dst, np_rows)
    agg1 = _sc_agg(features, src, dst, np_rows)
    h1 = _tc_layer(features, agg1, degp, W1_self, W1_neigh, b1)
    agg2 = _sc_agg(h1, src, dst, np_rows)
    h2 = _tc_layer(h1, agg2, degp, W2_self, W2_neigh, b2)
    hb = _sc_gather(h2, batch_nodes)
    return _tc_head(hb, W_lin, b_lin)

# --- scband reference (transcript-rebuilt; emitter-appended) ---
"""Pipeline reference for scband-sagegraph-37039797961388 (READ-ONLY COPY).

The authoritative reference and input builder live on the scoring server;
editing this copy changes nothing except your own understanding.
"""

import jax, jax.numpy as jnp
import numpy as np

N = 10000
E = 320000
D = 128
H = 128
C = 40
B = 1024


def setup_inputs(seed: int = 0) -> dict:
    key = jax.random.key(seed)
    ks = jax.random.split(key, 12)
    features = jax.random.normal(ks[0], (N, D), dtype=jnp.float32)
    edge_index = jax.random.randint(ks[1], (2, E), 0, N, dtype=jnp.int32)
    batch_nodes = jax.random.randint(ks[2], (B,), 0, N, dtype=jnp.int32)
    s1 = 1.0 / np.sqrt(D)
    s2 = 1.0 / np.sqrt(H)
    W1_self = jax.random.normal(ks[3], (D, H), dtype=jnp.float32) * s1
    W1_neigh = jax.random.normal(ks[4], (D, H), dtype=jnp.float32) * s1
    b1 = jnp.zeros((H,), dtype=jnp.float32)
    W2_self = jax.random.normal(ks[5], (H, H), dtype=jnp.float32) * s2
    W2_neigh = jax.random.normal(ks[6], (H, H), dtype=jnp.float32) * s2
    b2 = jnp.zeros((H,), dtype=jnp.float32)
    W_lin = jax.random.normal(ks[7], (H, C), dtype=jnp.float32) * s2
    b_lin = jnp.zeros((C,), dtype=jnp.float32)
    return {
        "features": features,
        "edge_index": edge_index,
        "batch_nodes": batch_nodes,
        "W1_self": W1_self,
        "W1_neigh": W1_neigh,
        "b1": b1,
        "W2_self": W2_self,
        "W2_neigh": W2_neigh,
        "b2": b2,
        "W_lin": W_lin,
        "b_lin": b_lin,
    }


def _sage_conv(x, edge_index, W_self, W_neigh, b):
    # GraphSAGE mean aggregator: h_v = ReLU(W_self x_v + W_neigh mean_{u in N(v)} x_u + b)
    src = edge_index[0]
    dst = edge_index[1]
    msgs = jnp.take(x, src, axis=0)                      # gather (SparseCore)
    agg = jax.ops.segment_sum(msgs, dst, num_segments=N)  # scatter-add
    deg = jax.ops.segment_sum(jnp.ones((E,), dtype=x.dtype), dst, num_segments=N)
    mean = agg / jnp.clip(deg, 1.0, None)[:, None]
    return jax.nn.relu(x @ W_self + mean @ W_neigh + b)


def reference(features, edge_index, batch_nodes, W1_self, W1_neigh, b1, W2_self, W2_neigh, b2, W_lin, b_lin):
    h = _sage_conv(features, edge_index, W1_self, W1_neigh, b1)
    h = _sage_conv(h, edge_index, W2_self, W2_neigh, b2)
    h = jnp.take(h, batch_nodes, axis=0)  # select minibatch nodes (conv2 batch mode)
    logits = h @ W_lin + b_lin
    return jax.nn.log_softmax(logits, axis=1)

if __name__ == "__main__":
    import jax
    _d = setup_inputs()
    print(jax.jit(kernel)(*tuple(_d.values())))

</pallas_src>

<mosaic_0001>
#map = affine_map<(d0, d1) -> (0, 0)>
module attributes {stable_mosaic.version = 14 : i64} {
  func.func @_sc_deg_body(%arg0: i32, %arg1: i32, %arg2: memref<5056x64xi32, #tpu.memory_space<hbm>>, %arg3: memref<20480x128xf32, #tpu.memory_space<hbm>>, %arg4: memref<10240x128xf32, #tpu.memory_space<vmem_shared>>, %arg5: memref<64xi32, #tpu.memory_space<vmem>>, %arg6: memref<64x128xf32, #tpu.memory_space<vmem>>, %arg7: memref<!tpu.dma_semaphore, #tpu.memory_space<semaphore_mem>>) attributes {dimension_semantics = [#tpu.dimension_semantics<core_parallel>, #tpu.dimension_semantics<subcore_parallel>], iteration_bounds = array<i64: 2, 16>, scalar_prefetch = 0 : i64, scratch_operands = 4 : i64, tpu.core_type = #tpu.core_type<sc_vector_subcore>, window_params = [{transform_indices = #map}, {transform_indices = #map}]} {
    %mul3A = arith.constant 16 : i32
    %mul3A_0 = arith.muli %arg0, %mul3A : i32
    %add3A = arith.addi %mul3A_0, %arg1 : i32
    %broadcast_in_dim3A = arith.constant 0.000000e+00 : f32
    %broadcast_in_dim3A_1 = vector.broadcast %broadcast_in_dim3A : f32 to vector<16xf32>
    %broadcast_in_dim3A_2 = arith.constant 1.000000e+00 : f32
    %broadcast_in_dim3A_3 = vector.broadcast %broadcast_in_dim3A_2 : f32 to vector<16xf32>
    %scan3A = arith.constant 0 : i32
    %scan3A_4 = arith.constant 0 : i32
    %scan3A_5 = arith.constant 64 : i32
    %scan3A_6 = arith.addi %scan3A_4, %scan3A_5 : i32
    %scan3A_7 = arith.constant 1 : i32
    scf.for %scan3A_34 = %scan3A_4 to %scan3A_6 step %scan3A_7  : i32 {
      %swap3A = arith.index_cast %scan3A_34 : i32 to index
      %swap3A_35 = arith.constant 0 : index
      %swap3A_36 = tpu.vector_load %arg6[%swap3A, %swap3A_35] {strides = array<i32>} : memref<64x128xf32, #tpu.memory_space<vmem>>, vector<1x16xf32>,
      %swap3A_37 = vector.shape_cast %swap3A_36 : vector<1x16xf32> to vector<16xf32>
      %swap3A_38 = vector.shape_cast %broadcast_in_dim3A_1 : vector<16xf32> to vector<1x16xf32>
      tpu.vector_store %arg6[%swap3A, %swap3A_35], %swap3A_38 {strides = array<i32>} : memref<64x128xf32, #tpu.memory_space<vmem>>, vector<1x16xf32>,
      %swap3A_39 = arith.index_cast %scan3A_34 : i32 to index
      %swap3A_40 = arith.constant 16 : index
      %swap3A_41 = tpu.vector_load %arg6[%swap3A_39, %swap3A_40] {strides = array<i32>} : memref<64x128xf32, #tpu.memory_space<vmem>>, vector<1x16xf32>,
      %swap3A_42 = vector.shape_cast %swap3A_41 : vector<1x16xf32> to vector<16xf32>
      %swap3A_43 = vector.shape_cast %broadcast_in_dim3A_1 : vector<16xf32> to vector<1x16xf32>
      tpu.vector_store %arg6[%swap3A_39, %swap3A_40], %swap3A_43 {strides = array<i32>} : memref<64x128xf32, #tpu.memory_space<vmem>>, vector<1x16xf32>,
      %swap3A_44 = arith.index_cast %scan3A_34 : i32 to index
      %swap3A_45 = arith.constant 32 : index
      %swap3A_46 = tpu.vector_load %arg6[%swap3A_44, %swap3A_45] {strides = array<i32>} : memref<64x128xf32, #tpu.memory_space<vmem>>, vector<1x16xf32>,
      %swap3A_47 = vector.shape_cast %swap3A_46 : vector<1x16xf32> to vector<16xf32>
      %swap3A_48 = vector.shape_cast %broadcast_in_dim3A_1 : vector<16xf32> to vector<1x16xf32>
      tpu.vector_store %arg6[%swap3A_44, %swap3A_45], %swap3A_48 {strides = array<i32>} : memref<64x128xf32, #tpu.memory_space<vmem>>, vector<1x16xf32>,
      %swap3A_49 = arith.index_cast %scan3A_34 : i32 to index
      %swap3A_50 = arith.constant 48 : index
      %swap3A_51 = tpu.vector_load %arg6[%swap3A_49, %swap3A_50] {strides = array<i32>} : memref<64x128xf32, #tpu.memory_space<vmem>>, vector<1x16xf32>,
      %swap3A_52 = vector.shape_cast %swap3A_51 : vector<1x16xf32> to vector<16xf32>
      %swap3A_53 = vector.shape_cast %broadcast_in_dim3A_1 : vector<16xf32> to vector<1x16xf32>
      tpu.vector_store %arg6[%swap3A_49, %swap3A_50], %swap3A_53 {strides = array<i32>} : memref<64x128xf32, #tpu.memory_space<vmem>>, vector<1x16xf32>,
      %swap3A_54 = arith.index_cast %scan3A_34 : i32 to index
      %swap3A_55 = arith.constant 64 : index
      %swap3A_56 = tpu.vector_load %arg6[%swap3A_54, %swap3A_55] {strides = array<i32>} : memref<64x128xf32, #tpu.memory_space<vmem>>, vector<1x16xf32>,
      %swap3A_57 = vector.shape_cast %swap3A_56 : vector<1x16xf32> to vector<16xf32>
      %swap3A_58 = vector.shape_cast %broadcast_in_dim3A_1 : vector<16xf32> to vector<1x16xf32>
      tpu.vector_store %arg6[%swap3A_54, %swap3A_55], %swap3A_58 {strides = array<i32>} : memref<64x128xf32, #tpu.memory_space<vmem>>, vector<1x16xf32>,
      %swap3A_59 = arith.index_cast %scan3A_34 : i32 to index
      %swap3A_60 = arith.constant 80 : index
      %swap3A_61 = tpu.vector_load %arg6[%swap3A_59, %swap3A_60] {strides = array<i32>} : memref<64x128xf32, #tpu.memory_space<vmem>>, vector<1x16xf32>,
      %swap3A_62 = vector.shape_cast %swap3A_61 : vector<1x16xf32> to vector<16xf32>
      %swap3A_63 = vector.shape_cast %broadcast_in_dim3A_1 : vector<16xf32> to vector<1x16xf32>
      tpu.vector_store %arg6[%swap3A_59, %swap3A_60], %swap3A_63 {strides = array<i32>} : memref<64x128xf32, #tpu.memory_space<vmem>>, vector<1x16xf32>,
      %swap3A_64 = arith.index_cast %scan3A_34 : i32 to index
      %swap3A_65 = arith.constant 96 : index
      %swap3A_66 = tpu.vector_load %arg6[%swap3A_64, %swap3A_65] {strides = array<i32>} : memref<64x128xf32, #tpu.memory_space<vmem>>, vector<1x16xf32>,
      %swap3A_67 = vector.shape_cast %swap3A_66 : vector<1x16xf32> to vector<16xf32>
      %swap3A_68 = vector.shape_cast %broadcast_in_dim3A_1 : vector<16xf32> to vector<1x16xf32>
      tpu.vector_store %arg6[%swap3A_64, %swap3A_65], %swap3A_68 {strides = array<i32>} : memref<64x128xf32, #tpu.memory_space<vmem>>, vector<1x16xf32>,
      %swap3A_69 = arith.index_cast %scan3A_34 : i32 to index
      %swap3A_70 = arith.constant 112 : index
      %swap3A_71 = tpu.vector_load %arg6[%swap3A_69, %swap3A_70] {strides = array<i32>} : memref<64x128xf32, #tpu.memory_space<vmem>>, vector<1x16xf32>,
      %swap3A_72 = vector.shape_cast %swap3A_71 : vector<1x16xf32> to vector<16xf32>
      %swap3A_73 = vector.shape_cast %broadcast_in_dim3A_1 : vector<16xf32> to vector<1x16xf32>
      tpu.vector_store %arg6[%swap3A_69, %swap3A_70], %swap3A_73 {strides = array<i32>} : memref<64x128xf32, #tpu.memory_space<vmem>>, vector<1x16xf32>,
    }
    %scan3A_8 = arith.constant 64 : i32
    %scan3A_9 = arith.constant 0 : i32
    %scan3A_10 = arith.constant 0 : i32
    %scan3A_11 = arith.constant 10 : i32
    %scan3A_12 = arith.addi %scan3A_10, %scan3A_11 : i32
    %scan3A_13 = arith.constant 1 : i32
    scf.for %scan3A_34 = %scan3A_10 to %scan3A_12 step %scan3A_13  : i32 {
      %mul3A_35 = arith.constant 640 : i32
      %mul3A_36 = arith.muli %arg1, %mul3A_35 : i32
      %mul3A_37 = arith.constant 64 : i32
      %mul3A_38 = arith.muli %scan3A_34, %mul3A_37 : i32
      %add3A_39 = arith.addi %mul3A_36, %mul3A_38 : i32
      "tpu.region"() ({
        %run_scoped3A = tpu.sem_alloc : memref<!tpu.dma_semaphore, #tpu.memory_space<semaphore_mem>>
        %dma_start3A = arith.constant 0 : i32
        %dma_start3A_40 = tpu.memref_slice %arg4[%add3A_39, %dma_start3A] : memref<10240x128xf32, #tpu.memory_space<vmem_shared>> -> memref<64x128xf32, #tpu.memory_space<vmem_shared>>
        %dma_start3A_41 = arith.constant 0 : i32
        %dma_start3A_42 = tpu.memref_slice %arg4[%add3A_39, %dma_start3A_41] : memref<10240x128xf32, #tpu.memory_space<vmem_shared>> -> memref<64x128xf32, #tpu.memory_space<vmem_shared>>
        tpu.enqueue_dma source(%arg6 : memref<64x128xf32, #tpu.memory_space<vmem>>) target(%dma_start3A_42 : memref<64x128xf32, #tpu.memory_space<vmem_shared>>) target_semaphore(%run_scoped3A : memref<!tpu.dma_semaphore, #tpu.memory_space<semaphore_mem>>)
        %dma_wait3A = arith.constant 0 : i32
        %dma_wait3A_43 = tpu.memref_slice %arg4[%add3A_39, %dma_wait3A] : memref<10240x128xf32, #tpu.memory_space<vmem_shared>> -> memref<64x128xf32, #tpu.memory_space<vmem_shared>>
        %dma_wait3A_44 = arith.constant 0 : i32
        %dma_wait3A_45 = tpu.memref_slice %arg4[%add3A_39, %dma_wait3A_44] : memref<10240x128xf32, #tpu.memory_space<vmem_shared>> -> memref<64x128xf32, #tpu.memory_space<vmem_shared>>
        tpu.wait_dma2 semaphore(%run_scoped3A : memref<!tpu.dma_semaphore, #tpu.memory_space<semaphore_mem>>) src(%arg6 : memref<64x128xf32, #tpu.memory_space<vmem>>) dst(%dma_wait3A_45 : memref<64x128xf32, #tpu.memory_space<vmem_shared>>)
        tpu.yield
      }) : () -> ()
    }
    %scan3A_14 = arith.constant 10 : i32
    %scan3A_15 = arith.constant 0 : i32
    %scan3A_16 = arith.constant 0 : i32
    %scan3A_17 = arith.constant 64 : i32
    %scan3A_18 = arith.addi %scan3A_16, %scan3A_17 : i32
    %scan3A_19 = arith.constant 1 : i32
    scf.for %scan3A_34 = %scan3A_16 to %scan3A_18 step %scan3A_19  : i32 {
      %swap3A = arith.index_cast %scan3A_34 : i32 to index
      %swap3A_35 = arith.constant 0 : index
      %swap3A_36 = tpu.vector_load %arg6[%swap3A, %swap3A_35] {strides = array<i32>} : memref<64x128xf32, #tpu.memory_space<vmem>>, vector<1x16xf32>,
      %swap3A_37 = vector.shape_cast %swap3A_36 : vector<1x16xf32> to vector<16xf32>
      %swap3A_38 = vector.shape_cast %broadcast_in_dim3A_3 : vector<16xf32> to vector<1x16xf32>
      tpu.vector_store %arg6[%swap3A, %swap3A_35], %swap3A_38 {strides = array<i32>} : memref<64x128xf32, #tpu.memory_space<vmem>>, vector<1x16xf32>,
      %swap3A_39 = arith.index_cast %scan3A_34 : i32 to index
      %swap3A_40 = arith.constant 16 : index
      %swap3A_41 = tpu.vector_load %arg6[%swap3A_39, %swap3A_40] {strides = array<i32>} : memref<64x128xf32, #tpu.memory_space<vmem>>, vector<1x16xf32>,
      %swap3A_42 = vector.shape_cast %swap3A_41 : vector<1x16xf32> to vector<16xf32>
      %swap3A_43 = vector.shape_cast %broadcast_in_dim3A_3 : vector<16xf32> to vector<1x16xf32>
      tpu.vector_store %arg6[%swap3A_39, %swap3A_40], %swap3A_43 {strides = array<i32>} : memref<64x128xf32, #tpu.memory_space<vmem>>, vector<1x16xf32>,
      %swap3A_44 = arith.index_cast %scan3A_34 : i32 to index
      %swap3A_45 = arith.constant 32 : index
      %swap3A_46 = tpu.vector_load %arg6[%swap3A_44, %swap3A_45] {strides = array<i32>} : memref<64x128xf32, #tpu.memory_space<vmem>>, vector<1x16xf32>,
      %swap3A_47 = vector.shape_cast %swap3A_46 : vector<1x16xf32> to vector<16xf32>
      %swap3A_48 = vector.shape_cast %broadcast_in_dim3A_3 : vector<16xf32> to vector<1x16xf32>
      tpu.vector_store %arg6[%swap3A_44, %swap3A_45], %swap3A_48 {strides = array<i32>} : memref<64x128xf32, #tpu.memory_space<vmem>>, vector<1x16xf32>,
      %swap3A_49 = arith.index_cast %scan3A_34 : i32 to index
      %swap3A_50 = arith.constant 48 : index
      %swap3A_51 = tpu.vector_load %arg6[%swap3A_49, %swap3A_50] {strides = array<i32>} : memref<64x128xf32, #tpu.memory_space<vmem>>, vector<1x16xf32>,
      %swap3A_52 = vector.shape_cast %swap3A_51 : vector<1x16xf32> to vector<16xf32>
      %swap3A_53 = vector.shape_cast %broadcast_in_dim3A_3 : vector<16xf32> to vector<1x16xf32>
      tpu.vector_store %arg6[%swap3A_49, %swap3A_50], %swap3A_53 {strides = array<i32>} : memref<64x128xf32, #tpu.memory_space<vmem>>, vector<1x16xf32>,
      %swap3A_54 = arith.index_cast %scan3A_34 : i32 to index
      %swap3A_55 = arith.constant 64 : index
      %swap3A_56 = tpu.vector_load %arg6[%swap3A_54, %swap3A_55] {strides = array<i32>} : memref<64x128xf32, #tpu.memory_space<vmem>>, vector<1x16xf32>,
      %swap3A_57 = vector.shape_cast %swap3A_56 : vector<1x16xf32> to vector<16xf32>
      %swap3A_58 = vector.shape_cast %broadcast_in_dim3A_3 : vector<16xf32> to vector<1x16xf32>
      tpu.vector_store %arg6[%swap3A_54, %swap3A_55], %swap3A_58 {strides = array<i32>} : memref<64x128xf32, #tpu.memory_space<vmem>>, vector<1x16xf32>,
      %swap3A_59 = arith.index_cast %scan3A_34 : i32 to index
      %swap3A_60 = arith.constant 80 : index
      %swap3A_61 = tpu.vector_load %arg6[%swap3A_59, %swap3A_60] {strides = array<i32>} : memref<64x128xf32, #tpu.memory_space<vmem>>, vector<1x16xf32>,
      %swap3A_62 = vector.shape_cast %swap3A_61 : vector<1x16xf32> to vector<16xf32>
      %swap3A_63 = vector.shape_cast %broadcast_in_dim3A_3 : vector<16xf32> to vector<1x16xf32>
      tpu.vector_store %arg6[%swap3A_59, %swap3A_60], %swap3A_63 {strides = array<i32>} : memref<64x128xf32, #tpu.memory_space<vmem>>, vector<1x16xf32>,
      %swap3A_64 = arith.index_cast %scan3A_34 : i32 to index
      %swap3A_65 = arith.constant 96 : index
      %swap3A_66 = tpu.vector_load %arg6[%swap3A_64, %swap3A_65] {strides = array<i32>} : memref<64x128xf32, #tpu.memory_space<vmem>>, vector<1x16xf32>,
      %swap3A_67 = vector.shape_cast %swap3A_66 : vector<1x16xf32> to vector<16xf32>
      %swap3A_68 = vector.shape_cast %broadcast_in_dim3A_3 : vector<16xf32> to vector<1x16xf32>
      tpu.vector_store %arg6[%swap3A_64, %swap3A_65], %swap3A_68 {strides = array<i32>} : memref<64x128xf32, #tpu.memory_space<vmem>>, vector<1x16xf32>,
      %swap3A_69 = arith.index_cast %scan3A_34 : i32 to index
      %swap3A_70 = arith.constant 112 : index
      %swap3A_71 = tpu.vector_load %arg6[%swap3A_69, %swap3A_70] {strides = array<i32>} : memref<64x128xf32, #tpu.memory_space<vmem>>, vector<1x16xf32>,
      %swap3A_72 = vector.shape_cast %swap3A_71 : vector<1x16xf32> to vector<16xf32>
      %swap3A_73 = vector.shape_cast %broadcast_in_dim3A_3 : vector<16xf32> to vector<1x16xf32>
      tpu.vector_store %arg6[%swap3A_69, %swap3A_70], %swap3A_73 {strides = array<i32>} : memref<64x128xf32, #tpu.memory_space<vmem>>, vector<1x16xf32>,
    }
    %scan3A_20 = arith.constant 64 : i32
    %barrier3A = arith.constant 0 : index
    tpu.barrier barrier_id(%barrier3A)
    %scan3A_21 = arith.constant 0 : i32
    %scan3A_22 = arith.constant 0 : i32
    %scan3A_23 = arith.constant 158 : i32
    %scan3A_24 = arith.addi %scan3A_22, %scan3A_23 : i32
    %scan3A_25 = arith.constant 1 : i32
    scf.for %scan3A_34 = %scan3A_22 to %scan3A_24 step %scan3A_25  : i32 {
      %mul3A_35 = arith.constant 158 : i32
      %mul3A_36 = arith.muli %add3A, %mul3A_35 : i32
      %add3A_37 = arith.addi %mul3A_36, %scan3A_34 : i32
      "tpu.region"() ({
        %run_scoped3A = tpu.sem_alloc : memref<!tpu.dma_semaphore, #tpu.memory_space<semaphore_mem>>
        %dma_start3A = arith.constant 0 : i32
        %dma_start3A_38 = tpu.memref_slice %arg2[%add3A_37, %dma_start3A] : memref<5056x64xi32, #tpu.memory_space<hbm>> -> memref<1x64xi32, #tpu.memory_space<hbm>>
        %dma_start3A_39 = tpu.memref_squeeze %dma_start3A_38 : memref<1x64xi32, #tpu.memory_space<hbm>> -> memref<64xi32, #tpu.memory_space<hbm>>
        %dma_start3A_40 = arith.constant 0 : i32
        %dma_start3A_41 = tpu.memref_slice %arg2[%add3A_37, %dma_start3A_40] : memref<5056x64xi32, #tpu.memory_space<hbm>> -> memref<1x64xi32, #tpu.memory_space<hbm>>
        %dma_start3A_42 = tpu.memref_squeeze %dma_start3A_41 : memref<1x64xi32, #tpu.memory_space<hbm>> -> memref<64xi32, #tpu.memory_space<hbm>>
        tpu.enqueue_dma source(%dma_start3A_42 : memref<64xi32, #tpu.memory_space<hbm>>) target(%arg5 : memref<64xi32, #tpu.memory_space<vmem>>) target_semaphore(%run_scoped3A : memref<!tpu.dma_semaphore, #tpu.memory_space<semaphore_mem>>)
        %dma_wait3A = arith.constant 0 : i32
        %dma_wait3A_43 = tpu.memref_slice %arg2[%add3A_37, %dma_wait3A] : memref<5056x64xi32, #tpu.memory_space<hbm>> -> memref<1x64xi32, #tpu.memory_space<hbm>>
        %dma_wait3A_44 = tpu.memref_squeeze %dma_wait3A_43 : memref<1x64xi32, #tpu.memory_space<hbm>> -> memref<64xi32, #tpu.memory_space<hbm>>
        %dma_wait3A_45 = arith.constant 0 : i32
        %dma_wait3A_46 = tpu.memref_slice %arg2[%add3A_37, %dma_wait3A_45] : memref<5056x64xi32, #tpu.memory_space<hbm>> -> memref<1x64xi32, #tpu.memory_space<hbm>>
        %dma_wait3A_47 = tpu.memref_squeeze %dma_wait3A_46 : memref<1x64xi32, #tpu.memory_space<hbm>> -> memref<64xi32, #tpu.memory_space<hbm>>
        tpu.wait_dma2 semaphore(%run_scoped3A : memref<!tpu.dma_semaphore, #tpu.memory_space<semaphore_mem>>) src(%dma_wait3A_47 : memref<64xi32, #tpu.memory_space<hbm>>) dst(%arg5 : memref<64xi32, #tpu.memory_space<vmem>>)
        tpu.yield
      }) : () -> ()
      "tpu.region"() ({
        %run_scoped3A = tpu.sem_alloc : memref<!tpu.dma_semaphore, #tpu.memory_space<semaphore_mem>>
        %dma_start3A = arith.constant 0 : i32
        %dma_start3A_38 = arith.constant 0 : i32
        %dma_start3A_39 = tpu.memref_slice %arg4[%dma_start3A, %dma_start3A_38] : memref<10240x128xf32, #tpu.memory_space<vmem_shared>> -> memref<10240x128xf32, #tpu.memory_space<vmem_shared>>
        tpu.enqueue_indirect_dma source(%arg6 : memref<64x128xf32, #tpu.memory_space<vmem>>) target(%dma_start3A_39 : memref<10240x128xf32, #tpu.memory_space<vmem_shared>>) offsets(%arg5 : memref<64xi32, #tpu.memory_space<vmem>>) semaphore(%run_scoped3A : memref<!tpu.dma_semaphore, #tpu.memory_space<semaphore_mem>>) {add = true}
        %dma_wait3A = arith.constant 0 : i32
        %dma_wait3A_40 = arith.constant 0 : i32
        %dma_wait3A_41 = tpu.memref_slice %arg4[%dma_wait3A, %dma_wait3A_40] : memref<10240x128xf32, #tpu.memory_space<vmem_shared>> -> memref<10240x128xf32, #tpu.memory_space<vmem_shared>>
        tpu.wait_indirect_dma semaphore(%run_scoped3A : memref<!tpu.dma_semaphore, #tpu.memory_space<semaphore_mem>>) src(%arg6 : memref<64x128xf32, #tpu.memory_space<vmem>>) dst(%dma_wait3A_41 : memref<10240x128xf32, #tpu.memory_space<vmem_shared>>)
        tpu.yield
      }) : () -> ()
    }
    %scan3A_26 = arith.constant 158 : i32
    %barrier3A_27 = arith.constant 0 : index
    tpu.barrier barrier_id(%barrier3A_27)
    %scan3A_28 = arith.constant 0 : i32
    %scan3A_29 = arith.constant 0 : i32
    %scan3A_30 = arith.constant 10 : i32
    %scan3A_31 = arith.addi %scan3A_29, %scan3A_30 : i32
    %scan3A_32 = arith.constant 1 : i32
    scf.for %scan3A_34 = %scan3A_29 to %scan3A_31 step %scan3A_32  : i32 {
      %mul3A_35 = arith.constant 640 : i32
      %mul3A_36 = arith.muli %arg1, %mul3A_35 : i32
      %mul3A_37 = arith.constant 64 : i32
      %mul3A_38 = arith.muli %scan3A_34, %mul3A_37 : i32
      %add3A_39 = arith.addi %mul3A_36, %mul3A_38 : i32
      "tpu.region"() ({
        %run_scoped3A = tpu.sem_alloc : memref<!tpu.dma_semaphore, #tpu.memory_space<semaphore_mem>>
        %dma_start3A = arith.constant 0 : i32
        %dma_start3A_43 = tpu.memref_slice %arg4[%add3A_39, %dma_start3A] : memref<10240x128xf32, #tpu.memory_space<vmem_shared>> -> memref<64x128xf32, #tpu.memory_space<vmem_shared>>
        %dma_start3A_44 = arith.constant 0 : i32
        %dma_start3A_45 = tpu.memref_slice %arg4[%add3A_39, %dma_start3A_44] : memref<10240x128xf32, #tpu.memory_space<vmem_shared>> -> memref<64x128xf32, #tpu.memory_space<vmem_shared>>
        tpu.enqueue_dma source(%dma_start3A_45 : memref<64x128xf32, #tpu.memory_space<vmem_shared>>) target(%arg6 : memref<64x128xf32, #tpu.memory_space<vmem>>) target_semaphore(%run_scoped3A : memref<!tpu.dma_semaphore, #tpu.memory_space<semaphore_mem>>)
        %dma_wait3A = arith.constant 0 : i32
        %dma_wait3A_46 = tpu.memref_slice %arg4[%add3A_39, %dma_wait3A] : memref<10240x128xf32, #tpu.memory_space<vmem_shared>> -> memref<64x128xf32, #tpu.memory_space<vmem_shared>>
        %dma_wait3A_47 = arith.constant 0 : i32
        %dma_wait3A_48 = tpu.memref_slice %arg4[%add3A_39, %dma_wait3A_47] : memref<10240x128xf32, #tpu.memory_space<vmem_shared>> -> memref<64x128xf32, #tpu.memory_space<vmem_shared>>
        tpu.wait_dma2 semaphore(%run_scoped3A : memref<!tpu.dma_semaphore, #tpu.memory_space<semaphore_mem>>) src(%dma_wait3A_48 : memref<64x128xf32, #tpu.memory_space<vmem_shared>>) dst(%arg6 : memref<64x128xf32, #tpu.memory_space<vmem>>)
        tpu.yield
      }) : () -> ()
      %mul3A_40 = arith.constant 10240 : i32
      %mul3A_41 = arith.muli %arg0, %mul3A_40 : i32
      %add3A_42 = arith.addi %mul3A_41, %add3A_39 : i32
      "tpu.region"() ({
        %run_scoped3A = tpu.sem_alloc : memref<!tpu.dma_semaphore, #tpu.memory_space<semaphore_mem>>
        %dma_start3A = arith.constant 0 : i32
        %dma_start3A_43 = tpu.memref_slice %arg3[%add3A_42, %dma_start3A] : memref<20480x128xf32, #tpu.memory_space<hbm>> -> memref<64x128xf32, #tpu.memory_space<hbm>>
        %dma_start3A_44 = arith.constant 0 : i32
        %dma_start3A_45 = tpu.memref_slice %arg3[%add3A_42, %dma_start3A_44] : memref<20480x128xf32, #tpu.memory_space<hbm>> -> memref<64x128xf32, #tpu.memory_space<hbm>>
        tpu.enqueue_dma source(%arg6 : memref<64x128xf32, #tpu.memory_space<vmem>>) target(%dma_start3A_45 : memref<64x128xf32, #tpu.memory_space<hbm>>) target_semaphore(%run_scoped3A : memref<!tpu.dma_semaphore, #tpu.memory_space<semaphore_mem>>)
        %dma_wait3A = arith.constant 0 : i32
        %dma_wait3A_46 = tpu.memref_slice %arg3[%add3A_42, %dma_wait3A] : memref<20480x128xf32, #tpu.memory_space<hbm>> -> memref<64x128xf32, #tpu.memory_space<hbm>>
        %dma_wait3A_47 = arith.constant 0 : i32
        %dma_wait3A_48 = tpu.memref_slice %arg3[%add3A_42, %dma_wait3A_47] : memref<20480x128xf32, #tpu.memory_space<hbm>> -> memref<64x128xf32, #tpu.memory_space<hbm>>
        tpu.wait_dma2 semaphore(%run_scoped3A : memref<!tpu.dma_semaphore, #tpu.memory_space<semaphore_mem>>) src(%arg6 : memref<64x128xf32, #tpu.memory_space<vmem>>) dst(%dma_wait3A_48 : memref<64x128xf32, #tpu.memory_space<hbm>>)
        tpu.yield
      }) : () -> ()
    }
    %scan3A_33 = arith.constant 10 : i32
    return
  }
}

#map = affine_map<(d0, d1) -> (0, 0)>
module attributes {stable_mosaic.version = 14 : i64} {
  func.func @_sc_agg_body(%arg0: i32, %arg1: i32, %arg2: memref<10000x128xf32, #tpu.memory_space<hbm>>, %arg3: memref<5056x64xi32, #tpu.memory_space<hbm>>, %arg4: memref<5056x64xi32, #tpu.memory_space<hbm>>, %arg5: memref<20480x128xf32, #tpu.memory_space<hbm>>, %arg6: memref<10240x128xf32, #tpu.memory_space<vmem_shared>>, %arg7: memref<64xi32, #tpu.memory_space<vmem>>, %arg8: memref<64xi32, #tpu.memory_space<vmem>>, %arg9: memref<64x128xf32, #tpu.memory_space<vmem>>, %arg10: memref<64xi32, #tpu.memory_space<vmem>>, %arg11: memref<64xi32, #tpu.memory_space<vmem>>, %arg12: memref<64x128xf32, #tpu.memory_space<vmem>>, %arg13: memref<!tpu.dma_semaphore, #tpu.memory_space<semaphore_mem>>, %arg14: memref<!tpu.dma_semaphore, #tpu.memory_space<semaphore_mem>>) attributes {dimension_semantics = [#tpu.dimension_semantics<core_parallel>, #tpu.dimension_semantics<subcore_parallel>], iteration_bounds = array<i64: 2, 16>, scalar_prefetch = 0 : i64, scratch_operands = 9 : i64, tpu.core_type = #tpu.core_type<sc_vector_subcore>, window_params = [{transform_indices = #map}, {transform_indices = #map}, {transform_indices = #map}, {transform_indices = #map}]} {
    %mul3A = arith.constant 16 : i32
    %mul3A_0 = arith.muli %arg0, %mul3A : i32
    %add3A = arith.addi %mul3A_0, %arg1 : i32
    %mul3A_1 = arith.constant 158 : i32
    %mul3A_2 = arith.muli %add3A, %mul3A_1 : i32
    %broadcast_in_dim3A = arith.constant 0.000000e+00 : f32
    %broadcast_in_dim3A_3 = vector.broadcast %broadcast_in_dim3A : f32 to vector<16xf32>
    %scan3A = arith.constant 0 : i32
    %scan3A_4 = arith.constant 0 : i32
    %scan3A_5 = arith.constant 64 : i32
    %scan3A_6 = arith.addi %scan3A_4, %scan3A_5 : i32
    %scan3A_7 = arith.constant 1 : i32
    scf.for %scan3A_30 = %scan3A_4 to %scan3A_6 step %scan3A_7  : i32 {
      %swap3A = arith.index_cast %scan3A_30 : i32 to index
      %swap3A_31 = arith.constant 0 : index
      %swap3A_32 = tpu.vector_load %arg9[%swap3A, %swap3A_31] {strides = array<i32>} : memref<64x128xf32, #tpu.memory_space<vmem>>, vector<1x16xf32>,
      %swap3A_33 = vector.shape_cast %swap3A_32 : vector<1x16xf32> to vector<16xf32>
      %swap3A_34 = vector.shape_cast %broadcast_in_dim3A_3 : vector<16xf32> to vector<1x16xf32>
      tpu.vector_store %arg9[%swap3A, %swap3A_31], %swap3A_34 {strides = array<i32>} : memref<64x128xf32, #tpu.memory_space<vmem>>, vector<1x16xf32>,
      %swap3A_35 = arith.index_cast %scan3A_30 : i32 to index
      %swap3A_36 = arith.constant 16 : index
      %swap3A_37 = tpu.vector_load %arg9[%swap3A_35, %swap3A_36] {strides = array<i32>} : memref<64x128xf32, #tpu.memory_space<vmem>>, vector<1x16xf32>,
      %swap3A_38 = vector.shape_cast %swap3A_37 : vector<1x16xf32> to vector<16xf32>
      %swap3A_39 = vector.shape_cast %broadcast_in_dim3A_3 : vector<16xf32> to vector<1x16xf32>
      tpu.vector_store %arg9[%swap3A_35, %swap3A_36], %swap3A_39 {strides = array<i32>} : memref<64x128xf32, #tpu.memory_space<vmem>>, vector<1x16xf32>,
      %swap3A_40 = arith.index_cast %scan3A_30 : i32 to index
      %swap3A_41 = arith.constant 32 : index
      %swap3A_42 = tpu.vector_load %arg9[%swap3A_40, %swap3A_41] {strides = array<i32>} : memref<64x128xf32, #tpu.memory_space<vmem>>, vector<1x16xf32>,
      %swap3A_43 = vector.shape_cast %swap3A_42 : vector<1x16xf32> to vector<16xf32>
      %swap3A_44 = vector.shape_cast %broadcast_in_dim3A_3 : vector<16xf32> to vector<1x16xf32>
      tpu.vector_store %arg9[%swap3A_40, %swap3A_41], %swap3A_44 {strides = array<i32>} : memref<64x128xf32, #tpu.memory_space<vmem>>, vector<1x16xf32>,
      %swap3A_45 = arith.index_cast %scan3A_30 : i32 to index
      %swap3A_46 = arith.constant 48 : index
      %swap3A_47 = tpu.vector_load %arg9[%swap3A_45, %swap3A_46] {strides = array<i32>} : memref<64x128xf32, #tpu.memory_space<vmem>>, vector<1x16xf32>,
      %swap3A_48 = vector.shape_cast %swap3A_47 : vector<1x16xf32> to vector<16xf32>
      %swap3A_49 = vector.shape_cast %broadcast_in_dim3A_3 : vector<16xf32> to vector<1x16xf32>
      tpu.vector_store %arg9[%swap3A_45, %swap3A_46], %swap3A_49 {strides = array<i32>} : memref<64x128xf32, #tpu.memory_space<vmem>>, vector<1x16xf32>,
      %swap3A_50 = arith.index_cast %scan3A_30 : i32 to index
      %swap3A_51 = arith.constant 64 : index
      %swap3A_52 = tpu.vector_load %arg9[%swap3A_50, %swap3A_51] {strides = array<i32>} : memref<64x128xf32, #tpu.memory_space<vmem>>, vector<1x16xf32>,
      %swap3A_53 = vector.shape_cast %swap3A_52 : vector<1x16xf32> to vector<16xf32>
      %swap3A_54 = vector.shape_cast %broadcast_in_dim3A_3 : vector<16xf32> to vector<1x16xf32>
      tpu.vector_store %arg9[%swap3A_50, %swap3A_51], %swap3A_54 {strides = array<i32>} : memref<64x128xf32, #tpu.memory_space<vmem>>, vector<1x16xf32>,
      %swap3A_55 = arith.index_cast %scan3A_30 : i32 to index
      %swap3A_56 = arith.constant 80 : index
      %swap3A_57 = tpu.vector_load %arg9[%swap3A_55, %swap3A_56] {strides = array<i32>} : memref<64x128xf32, #tpu.memory_space<vmem>>, vector<1x16xf32>,
      %swap3A_58 = vector.shape_cast %swap3A_57 : vector<1x16xf32> to vector<16xf32>
      %swap3A_59 = vector.shape_cast %broadcast_in_dim3A_3 : vector<16xf32> to vector<1x16xf32>
      tpu.vector_store %arg9[%swap3A_55, %swap3A_56], %swap3A_59 {strides = array<i32>} : memref<64x128xf32, #tpu.memory_space<vmem>>, vector<1x16xf32>,
      %swap3A_60 = arith.index_cast %scan3A_30 : i32 to index
      %swap3A_61 = arith.constant 96 : index
      %swap3A_62 = tpu.vector_load %arg9[%swap3A_60, %swap3A_61] {strides = array<i32>} : memref<64x128xf32, #tpu.memory_space<vmem>>, vector<1x16xf32>,
      %swap3A_63 = vector.shape_cast %swap3A_62 : vector<1x16xf32> to vector<16xf32>
      %swap3A_64 = vector.shape_cast %broadcast_in_dim3A_3 : vector<16xf32> to vector<1x16xf32>
      tpu.vector_store %arg9[%swap3A_60, %swap3A_61], %swap3A_64 {strides = array<i32>} : memref<64x128xf32, #tpu.memory_space<vmem>>, vector<1x16xf32>,
      %swap3A_65 = arith.index_cast %scan3A_30 : i32 to index
      %swap3A_66 = arith.constant 112 : index
      %swap3A_67 = tpu.vector_load %arg9[%swap3A_65, %swap3A_66] {strides = array<i32>} : memref<64x128xf32, #tpu.memory_space<vmem>>, vector<1x16xf32>,
      %swap3A_68 = vector.shape_cast %swap3A_67 : vector<1x16xf32> to vector<16xf32>
      %swap3A_69 = vector.shape_cast %broadcast_in_dim3A_3 : vector<16xf32> to vector<1x16xf32>
      tpu.vector_store %arg9[%swap3A_65, %swap3A_66], %swap3A_69 {strides = array<i32>} : memref<64x128xf32, #tpu.memory_space<vmem>>, vector<1x16xf32>,
    }
    %scan3A_8 = arith.constant 64 : i32
    %scan3A_9 = arith.constant 0 : i32
    %scan3A_10 = arith.constant 0 : i32
    %scan3A_11 = arith.constant 10 : i32
    %scan3A_12 = arith.addi %scan3A_10, %scan3A_11 : i32
    %scan3A_13 = arith.constant 1 : i32
    scf.for %scan3A_30 = %scan3A_10 to %scan3A_12 step %scan3A_13  : i32 {
      %mul3A_31 = arith.constant 640 : i32
      %mul3A_32 = arith.muli %arg1, %mul3A_31 : i32
      %mul3A_33 = arith.constant 64 : i32
      %mul3A_34 = arith.muli %scan3A_30, %mul3A_33 : i32
      %add3A_35 = arith.addi %mul3A_32, %mul3A_34 : i32
      "tpu.region"() ({
        %run_scoped3A = tpu.sem_alloc : memref<!tpu.dma_semaphore, #tpu.memory_space<semaphore_mem>>
        %dma_start3A_36 = arith.constant 0 : i32
        %dma_start3A_37 = tpu.memref_slice %arg6[%add3A_35, %dma_start3A_36] : memref<10240x128xf32, #tpu.memory_space<vmem_shared>> -> memref<64x128xf32, #tpu.memory_space<vmem_shared>>
        %dma_start3A_38 = arith.constant 0 : i32
        %dma_start3A_39 = tpu.memref_slice %arg6[%add3A_35, %dma_start3A_38] : memref<10240x128xf32, #tpu.memory_space<vmem_shared>> -> memref<64x128xf32, #tpu.memory_space<vmem_shared>>
        tpu.enqueue_dma source(%arg9 : memref<64x128xf32, #tpu.memory_space<vmem>>) target(%dma_start3A_39 : memref<64x128xf32, #tpu.memory_space<vmem_shared>>) target_semaphore(%run_scoped3A : memref<!tpu.dma_semaphore, #tpu.memory_space<semaphore_mem>>)
        %dma_wait3A = arith.constant 0 : i32
        %dma_wait3A_40 = tpu.memref_slice %arg6[%add3A_35, %dma_wait3A] : memref<10240x128xf32, #tpu.memory_space<vmem_shared>> -> memref<64x128xf32, #tpu.memory_space<vmem_shared>>
        %dma_wait3A_41 = arith.constant 0 : i32
        %dma_wait3A_42 = tpu.memref_slice %arg6[%add3A_35, %dma_wait3A_41] : memref<10240x128xf32, #tpu.memory_space<vmem_shared>> -> memref<64x128xf32, #tpu.memory_space<vmem_shared>>
        tpu.wait_dma2 semaphore(%run_scoped3A : memref<!tpu.dma_semaphore, #tpu.memory_space<semaphore_mem>>) src(%arg9 : memref<64x128xf32, #tpu.memory_space<vmem>>) dst(%dma_wait3A_42 : memref<64x128xf32, #tpu.memory_space<vmem_shared>>)
        tpu.yield
      }) : () -> ()
    }
    %scan3A_14 = arith.constant 10 : i32
    %barrier3A = arith.constant 0 : index
    tpu.barrier barrier_id(%barrier3A)
    "tpu.region"() ({
      %run_scoped3A = tpu.sem_alloc : memref<!tpu.dma_semaphore, #tpu.memory_space<semaphore_mem>>
      %dma_start3A_30 = arith.constant 0 : i32
      %dma_start3A_31 = tpu.memref_slice %arg3[%mul3A_2, %dma_start3A_30] : memref<5056x64xi32, #tpu.memory_space<hbm>> -> memref<1x64xi32, #tpu.memory_space<hbm>>
      %dma_start3A_32 = tpu.memref_squeeze %dma_start3A_31 : memref<1x64xi32, #tpu.memory_space<hbm>> -> memref<64xi32, #tpu.memory_space<hbm>>
      %dma_start3A_33 = arith.constant 0 : i32
      %dma_start3A_34 = tpu.memref_slice %arg3[%mul3A_2, %dma_start3A_33] : memref<5056x64xi32, #tpu.memory_space<hbm>> -> memref<1x64xi32, #tpu.memory_space<hbm>>
      %dma_start3A_35 = tpu.memref_squeeze %dma_start3A_34 : memref<1x64xi32, #tpu.memory_space<hbm>> -> memref<64xi32, #tpu.memory_space<hbm>>
      tpu.enqueue_dma source(%dma_start3A_35 : memref<64xi32, #tpu.memory_space<hbm>>) target(%arg7 : memref<64xi32, #tpu.memory_space<vmem>>) target_semaphore(%run_scoped3A : memref<!tpu.dma_semaphore, #tpu.memory_space<semaphore_mem>>)
      %dma_wait3A = arith.constant 0 : i32
      %dma_wait3A_36 = tpu.memref_slice %arg3[%mul3A_2, %dma_wait3A] : memref<5056x64xi32, #tpu.memory_space<hbm>> -> memref<1x64xi32, #tpu.memory_space<hbm>>
      %dma_wait3A_37 = tpu.memref_squeeze %dma_wait3A_36 : memref<1x64xi32, #tpu.memory_space<hbm>> -> memref<64xi32, #tpu.memory_space<hbm>>
      %dma_wait3A_38 = arith.constant 0 : i32
      %dma_wait3A_39 = tpu.memref_slice %arg3[%mul3A_2, %dma_wait3A_38] : memref<5056x64xi32, #tpu.memory_space<hbm>> -> memref<1x64xi32, #tpu.memory_space<hbm>>
      %dma_wait3A_40 = tpu.memref_squeeze %dma_wait3A_39 : memref<1x64xi32, #tpu.memory_space<hbm>> -> memref<64xi32, #tpu.memory_space<hbm>>
      tpu.wait_dma2 semaphore(%run_scoped3A : memref<!tpu.dma_semaphore, #tpu.memory_space<semaphore_mem>>) src(%dma_wait3A_40 : memref<64xi32, #tpu.memory_space<hbm>>) dst(%arg7 : memref<64xi32, #tpu.memory_space<vmem>>)
      tpu.yield
    }) : () -> ()
    "tpu.region"() ({
      %run_scoped3A = tpu.sem_alloc : memref<!tpu.dma_semaphore, #tpu.memory_space<semaphore_mem>>
      %dma_start3A_30 = arith.constant 0 : i32
      %dma_start3A_31 = tpu.memref_slice %arg4[%mul3A_2, %dma_start3A_30] : memref<5056x64xi32, #tpu.memory_space<hbm>> -> memref<1x64xi32, #tpu.memory_space<hbm>>
      %dma_start3A_32 = tpu.memref_squeeze %dma_start3A_31 : memref<1x64xi32, #tpu.memory_space<hbm>> -> memref<64xi32, #tpu.memory_space<hbm>>
      %dma_start3A_33 = arith.constant 0 : i32
      %dma_start3A_34 = tpu.memref_slice %arg4[%mul3A_2, %dma_start3A_33] : memref<5056x64xi32, #tpu.memory_space<hbm>> -> memref<1x64xi32, #tpu.memory_space<hbm>>
      %dma_start3A_35 = tpu.memref_squeeze %dma_start3A_34 : memref<1x64xi32, #tpu.memory_space<hbm>> -> memref<64xi32, #tpu.memory_space<hbm>>
      tpu.enqueue_dma source(%dma_start3A_35 : memref<64xi32, #tpu.memory_space<hbm>>) target(%arg8 : memref<64xi32, #tpu.memory_space<vmem>>) target_semaphore(%run_scoped3A : memref<!tpu.dma_semaphore, #tpu.memory_space<semaphore_mem>>)
      %dma_wait3A = arith.constant 0 : i32
      %dma_wait3A_36 = tpu.memref_slice %arg4[%mul3A_2, %dma_wait3A] : memref<5056x64xi32, #tpu.memory_space<hbm>> -> memref<1x64xi32, #tpu.memory_space<hbm>>
      %dma_wait3A_37 = tpu.memref_squeeze %dma_wait3A_36 : memref<1x64xi32, #tpu.memory_space<hbm>> -> memref<64xi32, #tpu.memory_space<hbm>>
      %dma_wait3A_38 = arith.constant 0 : i32
      %dma_wait3A_39 = tpu.memref_slice %arg4[%mul3A_2, %dma_wait3A_38] : memref<5056x64xi32, #tpu.memory_space<hbm>> -> memref<1x64xi32, #tpu.memory_space<hbm>>
      %dma_wait3A_40 = tpu.memref_squeeze %dma_wait3A_39 : memref<1x64xi32, #tpu.memory_space<hbm>> -> memref<64xi32, #tpu.memory_space<hbm>>
      tpu.wait_dma2 semaphore(%run_scoped3A : memref<!tpu.dma_semaphore, #tpu.memory_space<semaphore_mem>>) src(%dma_wait3A_40 : memref<64xi32, #tpu.memory_space<hbm>>) dst(%arg8 : memref<64xi32, #tpu.memory_space<vmem>>)
      tpu.yield
    }) : () -> ()
    %dma_start3A = arith.constant 0 : i32
    %dma_start3A_15 = arith.constant 0 : i32
    %dma_start3A_16 = tpu.memref_slice %arg2[%dma_start3A, %dma_start3A_15] : memref<10000x128xf32, #tpu.memory_space<hbm>> -> memref<10000x128xf32, #tpu.memory_space<hbm>>
    tpu.enqueue_indirect_dma source(%dma_start3A_16 : memref<10000x128xf32, #tpu.memory_space<hbm>>) target(%arg9 : memref<64x128xf32, #tpu.memory_space<vmem>>) offsets(%arg7 : memref<64xi32, #tpu.memory_space<vmem>>) semaphore(%arg13 : memref<!tpu.dma_semaphore, #tpu.memory_space<semaphore_mem>>)
    %scan3A_17 = arith.constant 0 : i32
    %scan3A_18 = arith.constant 0 : i32
    %scan3A_19 = arith.constant 79 : i32
    %scan3A_20 = arith.addi %scan3A_18, %scan3A_19 : i32
    %scan3A_21 = arith.constant 1 : i32
    scf.for %scan3A_30 = %scan3A_18 to %scan3A_20 step %scan3A_21  : i32 {
      %mul3A_31 = arith.constant 2 : i32
      %mul3A_32 = arith.muli %mul3A_31, %scan3A_30 : i32
      %add3A_33 = arith.addi %mul3A_2, %mul3A_32 : i32
      %add3A_34 = arith.constant 1 : i32
      %add3A_35 = arith.addi %add3A_33, %add3A_34 : i32
      "tpu.region"() ({
        %run_scoped3A = tpu.sem_alloc : memref<!tpu.dma_semaphore, #tpu.memory_space<semaphore_mem>>
        %dma_start3A_46 = arith.constant 0 : i32
        %dma_start3A_47 = tpu.memref_slice %arg3[%add3A_35, %dma_start3A_46] : memref<5056x64xi32, #tpu.memory_space<hbm>> -> memref<1x64xi32, #tpu.memory_space<hbm>>
        %dma_start3A_48 = tpu.memref_squeeze %dma_start3A_47 : memref<1x64xi32, #tpu.memory_space<hbm>> -> memref<64xi32, #tpu.memory_space<hbm>>
        %dma_start3A_49 = arith.constant 0 : i32
        %dma_start3A_50 = tpu.memref_slice %arg3[%add3A_35, %dma_start3A_49] : memref<5056x64xi32, #tpu.memory_space<hbm>> -> memref<1x64xi32, #tpu.memory_space<hbm>>
        %dma_start3A_51 = tpu.memref_squeeze %dma_start3A_50 : memref<1x64xi32, #tpu.memory_space<hbm>> -> memref<64xi32, #tpu.memory_space<hbm>>
        tpu.enqueue_dma source(%dma_start3A_51 : memref<64xi32, #tpu.memory_space<hbm>>) target(%arg10 : memref<64xi32, #tpu.memory_space<vmem>>) target_semaphore(%run_scoped3A : memref<!tpu.dma_semaphore, #tpu.memory_space<semaphore_mem>>)
        %dma_wait3A_52 = arith.constant 0 : i32
        %dma_wait3A_53 = tpu.memref_slice %arg3[%add3A_35, %dma_wait3A_52] : memref<5056x64xi32, #tpu.memory_space<hbm>> -> memref<1x64xi32, #tpu.memory_space<hbm>>
        %dma_wait3A_54 = tpu.memref_squeeze %dma_wait3A_53 : memref<1x64xi32, #tpu.memory_space<hbm>> -> memref<64xi32, #tpu.memory_space<hbm>>
        %dma_wait3A_55 = arith.constant 0 : i32
        %dma_wait3A_56 = tpu.memref_slice %arg3[%add3A_35, %dma_wait3A_55] : memref<5056x64xi32, #tpu.memory_space<hbm>> -> memref<1x64xi32, #tpu.memory_space<hbm>>
        %dma_wait3A_57 = tpu.memref_squeeze %dma_wait3A_56 : memref<1x64xi32, #tpu.memory_space<hbm>> -> memref<64xi32, #tpu.memory_space<hbm>>
        tpu.wait_dma2 semaphore(%run_scoped3A : memref<!tpu.dma_semaphore, #tpu.memory_space<semaphore_mem>>) src(%dma_wait3A_57 : memref<64xi32, #tpu.memory_space<hbm>>) dst(%arg10 : memref<64xi32, #tpu.memory_space<vmem>>)
        tpu.yield
      }) : () -> ()
      "tpu.region"() ({
        %run_scoped3A = tpu.sem_alloc : memref<!tpu.dma_semaphore, #tpu.memory_space<semaphore_mem>>
        %dma_start3A_46 = arith.constant 0 : i32
        %dma_start3A_47 = tpu.memref_slice %arg4[%add3A_35, %dma_start3A_46] : memref<5056x64xi32, #tpu.memory_space<hbm>> -> memref<1x64xi32, #tpu.memory_space<hbm>>
        %dma_start3A_48 = tpu.memref_squeeze %dma_start3A_47 : memref<1x64xi32, #tpu.memory_space<hbm>> -> memref<64xi32, #tpu.memory_space<hbm>>
        %dma_start3A_49 = arith.constant 0 : i32
        %dma_start3A_50 = tpu.memref_slice %arg4[%add3A_35, %dma_start3A_49] : memref<5056x64xi32, #tpu.memory_space<hbm>> -> memref<1x64xi32, #tpu.memory_space<hbm>>
        %dma_start3A_51 = tpu.memref_squeeze %dma_start3A_50 : memref<1x64xi32, #tpu.memory_space<hbm>> -> memref<64xi32, #tpu.memory_space<hbm>>
        tpu.enqueue_dma source(%dma_start3A_51 : memref<64xi32, #tpu.memory_space<hbm>>) target(%arg11 : memref<64xi32, #tpu.memory_space<vmem>>) target_semaphore(%run_scoped3A : memref<!tpu.dma_semaphore, #tpu.memory_space<semaphore_mem>>)
        %dma_wait3A_52 = arith.constant 0 : i32
        %dma_wait3A_53 = tpu.memref_slice %arg4[%add3A_35, %dma_wait3A_52] : memref<5056x64xi32, #tpu.memory_space<hbm>> -> memref<1x64xi32, #tpu.memory_space<hbm>>
        %dma_wait3A_54 = tpu.memref_squeeze %dma_wait3A_53 : memref<1x64xi32, #tpu.memory_space<hbm>> -> memref<64xi32, #tpu.memory_space<hbm>>
        %dma_wait3A_55 = arith.constant 0 : i32
        %dma_wait3A_56 = tpu.memref_slice %arg4[%add3A_35, %dma_wait3A_55] : memref<5056x64xi32, #tpu.memory_space<hbm>> -> memref<1x64xi32, #tpu.memory_space<hbm>>
        %dma_wait3A_57 = tpu.memref_squeeze %dma_wait3A_56 : memref<1x64xi32, #tpu.memory_space<hbm>> -> memref<64xi32, #tpu.memory_space<hbm>>
        tpu.wait_dma2 semaphore(%run_scoped3A : memref<!tpu.dma_semaphore, #tpu.memory_space<semaphore_mem>>) src(%dma_wait3A_57 : memref<64xi32, #tpu.memory_space<hbm>>) dst(%arg11 : memref<64xi32, #tpu.memory_space<vmem>>)
        tpu.yield
      }) : () -> ()
      %dma_start3A_36 = arith.constant 0 : i32
      %dma_start3A_37 = arith.constant 0 : i32
      %dma_start3A_38 = tpu.memref_slice %arg2[%dma_start3A_36, %dma_start3A_37] : memref<10000x128xf32, #tpu.memory_space<hbm>> -> memref<10000x128xf32, #tpu.memory_space<hbm>>
      tpu.enqueue_indirect_dma source(%dma_start3A_38 : memref<10000x128xf32, #tpu.memory_space<hbm>>) target(%arg12 : memref<64x128xf32, #tpu.memory_space<vmem>>) offsets(%arg10 : memref<64xi32, #tpu.memory_space<vmem>>) semaphore(%arg14 : memref<!tpu.dma_semaphore, #tpu.memory_space<semaphore_mem>>)
      %dma_wait3A = arith.constant 0 : i32
      %dma_wait3A_39 = arith.constant 0 : i32
      %dma_wait3A_40 = tpu.memref_slice %arg2[%dma_wait3A, %dma_wait3A_39] : memref<10000x128xf32, #tpu.memory_space<hbm>> -> memref<10000x128xf32, #tpu.memory_space<hbm>>
      tpu.wait_indirect_dma semaphore(%arg13 : memref<!tpu.dma_semaphore, #tpu.memory_space<semaphore_mem>>) src(%dma_wait3A_40 : memref<10000x128xf32, #tpu.memory_space<hbm>>) dst(%arg9 : memref<64x128xf32, #tpu.memory_space<vmem>>)
      "tpu.region"() ({
        %run_scoped3A = tpu.sem_alloc : memref<!tpu.dma_semaphore, #tpu.memory_space<semaphore_mem>>
        %dma_start3A_46 = arith.constant 0 : i32
        %dma_start3A_47 = arith.constant 0 : i32
        %dma_start3A_48 = tpu.memref_slice %arg6[%dma_start3A_46, %dma_start3A_47] : memref<10240x128xf32, #tpu.memory_space<vmem_shared>> -> memref<10240x128xf32, #tpu.memory_space<vmem_shared>>
        tpu.enqueue_indirect_dma source(%arg9 : memref<64x128xf32, #tpu.memory_space<vmem>>) target(%dma_start3A_48 : memref<10240x128xf32, #tpu.memory_space<vmem_shared>>) offsets(%arg8 : memref<64xi32, #tpu.memory_space<vmem>>) semaphore(%run_scoped3A : memref<!tpu.dma_semaphore, #tpu.memory_space<semaphore_mem>>) {add = true}
        %dma_wait3A_49 = arith.constant 0 : i32
        %dma_wait3A_50 = arith.constant 0 : i32
        %dma_wait3A_51 = tpu.memref_slice %arg6[%dma_wait3A_49, %dma_wait3A_50] : memref<10240x128xf32, #tpu.memory_space<vmem_shared>> -> memref<10240x128xf32, #tpu.memory_space<vmem_shared>>
        tpu.wait_indirect_dma semaphore(%run_scoped3A : memref<!tpu.dma_semaphore, #tpu.memory_space<semaphore_mem>>) src(%arg9 : memref<64x128xf32, #tpu.memory_space<vmem>>) dst(%dma_wait3A_51 : memref<10240x128xf32, #tpu.memory_space<vmem_shared>>)
        tpu.yield
      }) : () -> ()
      %lt3A = arith.constant 78 : i32
      %lt3A_41 = arith.cmpi slt, %scan3A_30, %lt3A : i32
      %convert_element_type3A = arith.extui %lt3A_41 : i1 to i32
      %cond3A = arith.constant 0 : i32
      %cond3A_42 = arith.cmpi ne, %convert_element_type3A, %cond3A : i32
      scf.if %cond3A_42 {
        %mul3A_46 = arith.constant 2 : i32
        %mul3A_47 = arith.muli %mul3A_46, %scan3A_30 : i32
        %add3A_48 = arith.addi %mul3A_2, %mul3A_47 : i32
        %add3A_49 = arith.constant 2 : i32
        %add3A_50 = arith.addi %add3A_48, %add3A_49 : i32
        "tpu.region"() ({
          %run_scoped3A = tpu.sem_alloc : memref<!tpu.dma_semaphore, #tpu.memory_space<semaphore_mem>>
          %dma_start3A_54 = arith.constant 0 : i32
          %dma_start3A_55 = tpu.memref_slice %arg3[%add3A_50, %dma_start3A_54] : memref<5056x64xi32, #tpu.memory_space<hbm>> -> memref<1x64xi32, #tpu.memory_space<hbm>>
          %dma_start3A_56 = tpu.memref_squeeze %dma_start3A_55 : memref<1x64xi32, #tpu.memory_space<hbm>> -> memref<64xi32, #tpu.memory_space<hbm>>
          %dma_start3A_57 = arith.constant 0 : i32
          %dma_start3A_58 = tpu.memref_slice %arg3[%add3A_50, %dma_start3A_57] : memref<5056x64xi32, #tpu.memory_space<hbm>> -> memref<1x64xi32, #tpu.memory_space<hbm>>
          %dma_start3A_59 = tpu.memref_squeeze %dma_start3A_58 : memref<1x64xi32, #tpu.memory_space<hbm>> -> memref<64xi32, #tpu.memory_space<hbm>>
          tpu.enqueue_dma source(%dma_start3A_59 : memref<64xi32, #tpu.memory_space<hbm>>) target(%arg7 : memref<64xi32, #tpu.memory_space<vmem>>) target_semaphore(%run_scoped3A : memref<!tpu.dma_semaphore, #tpu.memory_space<semaphore_mem>>)
          %dma_wait3A_60 = arith.constant 0 : i32
          %dma_wait3A_61 = tpu.memref_slice %arg3[%add3A_50, %dma_wait3A_60] : memref<5056x64xi32, #tpu.memory_space<hbm>> -> memref<1x64xi32, #tpu.memory_space<hbm>>
          %dma_wait3A_62 = tpu.memref_squeeze %dma_wait3A_61 : memref<1x64xi32, #tpu.memory_space<hbm>> -> memref<64xi32, #tpu.memory_space<hbm>>
          %dma_wait3A_63 = arith.constant 0 : i32
          %dma_wait3A_64 = tpu.memref_slice %arg3[%add3A_50, %dma_wait3A_63] : memref<5056x64xi32, #tpu.memory_space<hbm>> -> memref<1x64xi32, #tpu.memory_space<hbm>>
          %dma_wait3A_65 = tpu.memref_squeeze %dma_wait3A_64 : memref<1x64xi32, #tpu.memory_space<hbm>> -> memref<64xi32, #tpu.memory_space<hbm>>
          tpu.wait_dma2 semaphore(%run_scoped3A : memref<!tpu.dma_semaphore, #tpu.memory_space<semaphore_mem>>) src(%dma_wait3A_65 : memref<64xi32, #tpu.memory_space<hbm>>) dst(%arg7 : memref<64xi32, #tpu.memory_space<vmem>>)
          tpu.yield
        }) : () -> ()
        "tpu.region"() ({
          %run_scoped3A = tpu.sem_alloc : memref<!tpu.dma_semaphore, #tpu.memory_space<semaphore_mem>>
          %dma_start3A_54 = arith.constant 0 : i32
          %dma_start3A_55 = tpu.memref_slice %arg4[%add3A_50, %dma_start3A_54] : memref<5056x64xi32, #tpu.memory_space<hbm>> -> memref<1x64xi32, #tpu.memory_space<hbm>>
          %dma_start3A_56 = tpu.memref_squeeze %dma_start3A_55 : memref<1x64xi32, #tpu.memory_space<hbm>> -> memref<64xi32, #tpu.memory_space<hbm>>
          %dma_start3A_57 = arith.constant 0 : i32
          %dma_start3A_58 = tpu.memref_slice %arg4[%add3A_50, %dma_start3A_57] : memref<5056x64xi32, #tpu.memory_space<hbm>> -> memref<1x64xi32, #tpu.memory_space<hbm>>
          %dma_start3A_59 = tpu.memref_squeeze %dma_start3A_58 : memref<1x64xi32, #tpu.memory_space<hbm>> -> memref<64xi32, #tpu.memory_space<hbm>>
          tpu.enqueue_dma source(%dma_start3A_59 : memref<64xi32, #tpu.memory_space<hbm>>) target(%arg8 : memref<64xi32, #tpu.memory_space<vmem>>) target_semaphore(%run_scoped3A : memref<!tpu.dma_semaphore, #tpu.memory_space<semaphore_mem>>)
          %dma_wait3A_60 = arith.constant 0 : i32
          %dma_wait3A_61 = tpu.memref_slice %arg4[%add3A_50, %dma_wait3A_60] : memref<5056x64xi32, #tpu.memory_space<hbm>> -> memref<1x64xi32, #tpu.memory_space<hbm>>
          %dma_wait3A_62 = tpu.memref_squeeze %dma_wait3A_61 : memref<1x64xi32, #tpu.memory_space<hbm>> -> memref<64xi32, #tpu.memory_space<hbm>>
          %dma_wait3A_63 = arith.constant 0 : i32
          %dma_wait3A_64 = tpu.memref_slice %arg4[%add3A_50, %dma_wait3A_63] : memref<5056x64xi32, #tpu.memory_space<hbm>> -> memref<1x64xi32, #tpu.memory_space<hbm>>
          %dma_wait3A_65 = tpu.memref_squeeze %dma_wait3A_64 : memref<1x64xi32, #tpu.memory_space<hbm>> -> memref<64xi32, #tpu.memory_space<hbm>>
          tpu.wait_dma2 semaphore(%run_scoped3A : memref<!tpu.dma_semaphore, #tpu.memory_space<semaphore_mem>>) src(%dma_wait3A_65 : memref<64xi32, #tpu.memory_space<hbm>>) dst(%arg8 : memref<64xi32, #tpu.memory_space<vmem>>)
          tpu.yield
        }) : () -> ()
        %dma_start3A_51 = arith.constant 0 : i32
        %dma_start3A_52 = arith.constant 0 : i32
        %dma_start3A_53 = tpu.memref_slice %arg2[%dma_start3A_51, %dma_start3A_52] : memref<10000x128xf32, #tpu.memory_space<hbm>> -> memref<10000x128xf32, #tpu.memory_space<hbm>>
        tpu.enqueue_indirect_dma source(%dma_start3A_53 : memref<10000x128xf32, #tpu.memory_space<hbm>>) target(%arg9 : memref<64x128xf32, #tpu.memory_space<vmem>>) offsets(%arg7 : memref<64xi32, #tpu.memory_space<vmem>>) semaphore(%arg13 : memref<!tpu.dma_semaphore, #tpu.memory_space<semaphore_mem>>)
      } else {
      }
      %dma_wait3A_43 = arith.constant 0 : i32
      %dma_wait3A_44 = arith.constant 0 : i32
      %dma_wait3A_45 = tpu.memref_slice %arg2[%dma_wait3A_43, %dma_wait3A_44] : memref<10000x128xf32, #tpu.memory_space<hbm>> -> memref<10000x128xf32, #tpu.memory_space<hbm>>
      tpu.wait_indirect_dma semaphore(%arg14 : memref<!tpu.dma_semaphore, #tpu.memory_space<semaphore_mem>>) src(%dma_wait3A_45 : memref<10000x128xf32, #tpu.memory_space<hbm>>) dst(%arg12 : memref<64x128xf32, #tpu.memory_space<vmem>>)
      "tpu.region"() ({
        %run_scoped3A = tpu.sem_alloc : memref<!tpu.dma_semaphore, #tpu.memory_space<semaphore_mem>>
        %dma_start3A_46 = arith.constant 0 : i32
        %dma_start3A_47 = arith.constant 0 : i32
        %dma_start3A_48 = tpu.memref_slice %arg6[%dma_start3A_46, %dma_start3A_47] : memref<10240x128xf32, #tpu.memory_space<vmem_shared>> -> memref<10240x128xf32, #tpu.memory_space<vmem_shared>>
        tpu.enqueue_indirect_dma source(%arg12 : memref<64x128xf32, #tpu.memory_space<vmem>>) target(%dma_start3A_48 : memref<10240x128xf32, #tpu.memory_space<vmem_shared>>) offsets(%arg11 : memref<64xi32, #tpu.memory_space<vmem>>) semaphore(%run_scoped3A : memref<!tpu.dma_semaphore, #tpu.memory_space<semaphore_mem>>) {add = true}
        %dma_wait3A_49 = arith.constant 0 : i32
        %dma_wait3A_50 = arith.constant 0 : i32
        %dma_wait3A_51 = tpu.memref_slice %arg6[%dma_wait3A_49, %dma_wait3A_50] : memref<10240x128xf32, #tpu.memory_space<vmem_shared>> -> memref<10240x128xf32, #tpu.memory_space<vmem_shared>>
        tpu.wait_indirect_dma semaphore(%run_scoped3A : memref<!tpu.dma_semaphore, #tpu.memory_space<semaphore_mem>>) src(%arg12 : memref<64x128xf32, #tpu.memory_space<vmem>>) dst(%dma_wait3A_51 : memref<10240x128xf32, #tpu.memory_space<vmem_shared>>)
        tpu.yield
      }) : () -> ()
    }
    %scan3A_22 = arith.constant 79 : i32
    %barrier3A_23 = arith.constant 0 : index
    tpu.barrier barrier_id(%barrier3A_23)
    %scan3A_24 = arith.constant 0 : i32
    %scan3A_25 = arith.constant 0 : i32
    %scan3A_26 = arith.constant 10 : i32
    %scan3A_27 = arith.addi %scan3A_25, %scan3A_26 : i32
    %scan3A_28 = arith.constant 1 : i32
    scf.for %scan3A_30 = %scan3A_25 to %scan3A_27 step %scan3A_28  : i32 {
      %mul3A_31 = arith.constant 640 : i32
      %mul3A_32 = arith.muli %arg1, %mul3A_31 : i32
      %mul3A_33 = arith.constant 64 : i32
      %mul3A_34 = arith.muli %scan3A_30, %mul3A_33 : i32
      %add3A_35 = arith.addi %mul3A_32, %mul3A_34 : i32
      "tpu.region"() ({
        %run_scoped3A = tpu.sem_alloc : memref<!tpu.dma_semaphore, #tpu.memory_space<semaphore_mem>>
        %dma_start3A_39 = arith.constant 0 : i32
        %dma_start3A_40 = tpu.memref_slice %arg6[%add3A_35, %dma_start3A_39] : memref<10240x128xf32, #tpu.memory_space<vmem_shared>> -> memref<64x128xf32, #tpu.memory_space<vmem_shared>>
        %dma_start3A_41 = arith.constant 0 : i32
        %dma_start3A_42 = tpu.memref_slice %arg6[%add3A_35, %dma_start3A_41] : memref<10240x128xf32, #tpu.memory_space<vmem_shared>> -> memref<64x128xf32, #tpu.memory_space<vmem_shared>>
        tpu.enqueue_dma source(%dma_start3A_42 : memref<64x128xf32, #tpu.memory_space<vmem_shared>>) target(%arg9 : memref<64x128xf32, #tpu.memory_space<vmem>>) target_semaphore(%run_scoped3A : memref<!tpu.dma_semaphore, #tpu.memory_space<semaphore_mem>>)
        %dma_wait3A = arith.constant 0 : i32
        %dma_wait3A_43 = tpu.memref_slice %arg6[%add3A_35, %dma_wait3A] : memref<10240x128xf32, #tpu.memory_space<vmem_shared>> -> memref<64x128xf32, #tpu.memory_space<vmem_shared>>
        %dma_wait3A_44 = arith.constant 0 : i32
        %dma_wait3A_45 = tpu.memref_slice %arg6[%add3A_35, %dma_wait3A_44] : memref<10240x128xf32, #tpu.memory_space<vmem_shared>> -> memref<64x128xf32, #tpu.memory_space<vmem_shared>>
        tpu.wait_dma2 semaphore(%run_scoped3A : memref<!tpu.dma_semaphore, #tpu.memory_space<semaphore_mem>>) src(%dma_wait3A_45 : memref<64x128xf32, #tpu.memory_space<vmem_shared>>) dst(%arg9 : memref<64x128xf32, #tpu.memory_space<vmem>>)
        tpu.yield
      }) : () -> ()
      %mul3A_36 = arith.constant 10240 : i32
      %mul3A_37 = arith.muli %arg0, %mul3A_36 : i32
      %add3A_38 = arith.addi %mul3A_37, %add3A_35 : i32
      "tpu.region"() ({
        %run_scoped3A = tpu.sem_alloc : memref<!tpu.dma_semaphore, #tpu.memory_space<semaphore_mem>>
        %dma_start3A_39 = arith.constant 0 : i32
        %dma_start3A_40 = tpu.memref_slice %arg5[%add3A_38, %dma_start3A_39] : memref<20480x128xf32, #tpu.memory_space<hbm>> -> memref<64x128xf32, #tpu.memory_space<hbm>>
        %dma_start3A_41 = arith.constant 0 : i32
        %dma_start3A_42 = tpu.memref_slice %arg5[%add3A_38, %dma_start3A_41] : memref<20480x128xf32, #tpu.memory_space<hbm>> -> memref<64x128xf32, #tpu.memory_space<hbm>>
        tpu.enqueue_dma source(%arg9 : memref<64x128xf32, #tpu.memory_space<vmem>>) target(%dma_start3A_42 : memref<64x128xf32, #tpu.memory_space<hbm>>) target_semaphore(%run_scoped3A : memref<!tpu.dma_semaphore, #tpu.memory_space<semaphore_mem>>)
        %dma_wait3A = arith.constant 0 : i32
        %dma_wait3A_43 = tpu.memref_slice %arg5[%add3A_38, %dma_wait3A] : memref<20480x128xf32, #tpu.memory_space<hbm>> -> memref<64x128xf32, #tpu.memory_space<hbm>>
        %dma_wait3A_44 = arith.constant 0 : i32
        %dma_wait3A_45 = tpu.memref_slice %arg5[%add3A_38, %dma_wait3A_44] : memref<20480x128xf32, #tpu.memory_space<hbm>> -> memref<64x128xf32, #tpu.memory_space<hbm>>
        tpu.wait_dma2 semaphore(%run_scoped3A : memref<!tpu.dma_semaphore, #tpu.memory_space<semaphore_mem>>) src(%arg9 : memref<64x128xf32, #tpu.memory_space<vmem>>) dst(%dma_wait3A_45 : memref<64x128xf32, #tpu.memory_space<hbm>>)
        tpu.yield
      }) : () -> ()
    }
    %scan3A_29 = arith.constant 10 : i32
    return
  }
}

#map = affine_map<(d0, d1) -> (0, 0)>
#map1 = affine_map<(d0, d1) -> (0)>
module attributes {stable_mosaic.version = 14 : i64} {
  func.func @_sc_gather_body(%arg0: i32, %arg1: i32, %arg2: memref<10000x128xf32, #tpu.memory_space<hbm>>, %arg3: memref<1024xi32, #tpu.memory_space<hbm>>, %arg4: memref<1024x128xf32, #tpu.memory_space<hbm>>, %arg5: memref<32xi32, #tpu.memory_space<vmem>>, %arg6: memref<32x128xf32, #tpu.memory_space<vmem>>, %arg7: memref<!tpu.dma_semaphore, #tpu.memory_space<semaphore_mem>>) attributes {dimension_semantics = [#tpu.dimension_semantics<core_parallel>, #tpu.dimension_semantics<subcore_parallel>], iteration_bounds = array<i64: 2, 16>, scalar_prefetch = 0 : i64, scratch_operands = 3 : i64, tpu.core_type = #tpu.core_type<sc_vector_subcore>, window_params = [{transform_indices = #map}, {transform_indices = #map1}, {transform_indices = #map}]} {
    %mul3A = arith.constant 16 : i32
    %mul3A_0 = arith.muli %arg0, %mul3A : i32
    %add3A = arith.addi %mul3A_0, %arg1 : i32
    %mul3A_1 = arith.constant 32 : i32
    %mul3A_2 = arith.muli %add3A, %mul3A_1 : i32
    "tpu.region"() ({
      %run_scoped3A = tpu.sem_alloc : memref<!tpu.dma_semaphore, #tpu.memory_space<semaphore_mem>>
      %dma_start3A_7 = tpu.memref_slice %arg3[%mul3A_2] : memref<1024xi32, #tpu.memory_space<hbm>> -> memref<32xi32, #tpu.memory_space<hbm>>
      %dma_start3A_8 = tpu.memref_slice %arg3[%mul3A_2] : memref<1024xi32, #tpu.memory_space<hbm>> -> memref<32xi32, #tpu.memory_space<hbm>>
      tpu.enqueue_dma source(%dma_start3A_8 : memref<32xi32, #tpu.memory_space<hbm>>) target(%arg5 : memref<32xi32, #tpu.memory_space<vmem>>) target_semaphore(%run_scoped3A : memref<!tpu.dma_semaphore, #tpu.memory_space<semaphore_mem>>)
      %dma_wait3A_9 = tpu.memref_slice %arg3[%mul3A_2] : memref<1024xi32, #tpu.memory_space<hbm>> -> memref<32xi32, #tpu.memory_space<hbm>>
      %dma_wait3A_10 = tpu.memref_slice %arg3[%mul3A_2] : memref<1024xi32, #tpu.memory_space<hbm>> -> memref<32xi32, #tpu.memory_space<hbm>>
      tpu.wait_dma2 semaphore(%run_scoped3A : memref<!tpu.dma_semaphore, #tpu.memory_space<semaphore_mem>>) src(%dma_wait3A_10 : memref<32xi32, #tpu.memory_space<hbm>>) dst(%arg5 : memref<32xi32, #tpu.memory_space<vmem>>)
      tpu.yield
    }) : () -> ()
    %dma_start3A = arith.constant 0 : i32
    %dma_start3A_3 = arith.constant 0 : i32
    %dma_start3A_4 = tpu.memref_slice %arg2[%dma_start3A, %dma_start3A_3] : memref<10000x128xf32, #tpu.memory_space<hbm>> -> memref<10000x128xf32, #tpu.memory_space<hbm>>
    tpu.enqueue_indirect_dma source(%dma_start3A_4 : memref<10000x128xf32, #tpu.memory_space<hbm>>) target(%arg6 : memref<32x128xf32, #tpu.memory_space<vmem>>) offsets(%arg5 : memref<32xi32, #tpu.memory_space<vmem>>) semaphore(%arg7 : memref<!tpu.dma_semaphore, #tpu.memory_space<semaphore_mem>>)
    %dma_wait3A = arith.constant 0 : i32
    %dma_wait3A_5 = arith.constant 0 : i32
    %dma_wait3A_6 = tpu.memref_slice %arg2[%dma_wait3A, %dma_wait3A_5] : memref<10000x128xf32, #tpu.memory_space<hbm>> -> memref<10000x128xf32, #tpu.memory_space<hbm>>
    tpu.wait_indirect_dma semaphore(%arg7 : memref<!tpu.dma_semaphore, #tpu.memory_space<semaphore_mem>>) src(%dma_wait3A_6 : memref<10000x128xf32, #tpu.memory_space<hbm>>) dst(%arg6 : memref<32x128xf32, #tpu.memory_space<vmem>>)
    "tpu.region"() ({
      %run_scoped3A = tpu.sem_alloc : memref<!tpu.dma_semaphore, #tpu.memory_space<semaphore_mem>>
      %dma_start3A_7 = arith.constant 0 : i32
      %dma_start3A_8 = tpu.memref_slice %arg4[%mul3A_2, %dma_start3A_7] : memref<1024x128xf32, #tpu.memory_space<hbm>> -> memref<32x128xf32, #tpu.memory_space<hbm>>
      %dma_start3A_9 = arith.constant 0 : i32
      %dma_start3A_10 = tpu.memref_slice %arg4[%mul3A_2, %dma_start3A_9] : memref<1024x128xf32, #tpu.memory_space<hbm>> -> memref<32x128xf32, #tpu.memory_space<hbm>>
      tpu.enqueue_dma source(%arg6 : memref<32x128xf32, #tpu.memory_space<vmem>>) target(%dma_start3A_10 : memref<32x128xf32, #tpu.memory_space<hbm>>) target_semaphore(%run_scoped3A : memref<!tpu.dma_semaphore, #tpu.memory_space<semaphore_mem>>)
      %dma_wait3A_11 = arith.constant 0 : i32
      %dma_wait3A_12 = tpu.memref_slice %arg4[%mul3A_2, %dma_wait3A_11] : memref<1024x128xf32, #tpu.memory_space<hbm>> -> memref<32x128xf32, #tpu.memory_space<hbm>>
      %dma_wait3A_13 = arith.constant 0 : i32
      %dma_wait3A_14 = tpu.memref_slice %arg4[%mul3A_2, %dma_wait3A_13] : memref<1024x128xf32, #tpu.memory_space<hbm>> -> memref<32x128xf32, #tpu.memory_space<hbm>>
      tpu.wait_dma2 semaphore(%run_scoped3A : memref<!tpu.dma_semaphore, #tpu.memory_space<semaphore_mem>>) src(%arg6 : memref<32x128xf32, #tpu.memory_space<vmem>>) dst(%dma_wait3A_14 : memref<32x128xf32, #tpu.memory_space<hbm>>)
      tpu.yield
    }) : () -> ()
    return
  }
}

#map = affine_map<(d0, d1) -> (0, 0)>
module attributes {stable_mosaic.version = 14 : i64} {
  func.func @_sc_agg_body(%arg0: i32, %arg1: i32, %arg2: memref<10000x128xf32, #tpu.memory_space<hbm>>, %arg3: memref<5056x64xi32, #tpu.memory_space<hbm>>, %arg4: memref<5056x64xi32, #tpu.memory_space<hbm>>, %arg5: memref<20480x128xf32, #tpu.memory_space<hbm>>, %arg6: memref<10240x128xf32, #tpu.memory_space<vmem_shared>>, %arg7: memref<64xi32, #tpu.memory_space<vmem>>, %arg8: memref<64xi32, #tpu.memory_space<vmem>>, %arg9: memref<64x128xf32, #tpu.memory_space<vmem>>, %arg10: memref<64xi32, #tpu.memory_space<vmem>>, %arg11: memref<64xi32, #tpu.memory_space<vmem>>, %arg12: memref<64x128xf32, #tpu.memory_space<vmem>>, %arg13: memref<!tpu.dma_semaphore, #tpu.memory_space<semaphore_mem>>, %arg14: memref<!tpu.dma_semaphore, #tpu.memory_space<semaphore_mem>>) attributes {dimension_semantics = [#tpu.dimension_semantics<core_parallel>, #tpu.dimension_semantics<subcore_parallel>], iteration_bounds = array<i64: 2, 16>, scalar_prefetch = 0 : i64, scratch_operands = 9 : i64, tpu.core_type = #tpu.core_type<sc_vector_subcore>, window_params = [{transform_indices = #map}, {transform_indices = #map}, {transform_indices = #map}, {transform_indices = #map}]} {
    %mul3A = arith.constant 16 : i32
    %mul3A_0 = arith.muli %arg0, %mul3A : i32
    %add3A = arith.addi %mul3A_0, %arg1 : i32
    %mul3A_1 = arith.constant 158 : i32
    %mul3A_2 = arith.muli %add3A, %mul3A_1 : i32
    %broadcast_in_dim3A = arith.constant 0.000000e+00 : f32
    %broadcast_in_dim3A_3 = vector.broadcast %broadcast_in_dim3A : f32 to vector<16xf32>
    %scan3A = arith.constant 0 : i32
    %scan3A_4 = arith.constant 0 : i32
    %scan3A_5 = arith.constant 64 : i32
    %scan3A_6 = arith.addi %scan3A_4, %scan3A_5 : i32
    %scan3A_7 = arith.constant 1 : i32
    scf.for %scan3A_30 = %scan3A_4 to %scan3A_6 step %scan3A_7  : i32 {
      %swap3A = arith.index_cast %scan3A_30 : i32 to index
      %swap3A_31 = arith.constant 0 : index
      %swap3A_32 = tpu.vector_load %arg9[%swap3A, %swap3A_31] {strides = array<i32>} : memref<64x128xf32, #tpu.memory_space<vmem>>, vector<1x16xf32>,
      %swap3A_33 = vector.shape_cast %swap3A_32 : vector<1x16xf32> to vector<16xf32>
      %swap3A_34 = vector.shape_cast %broadcast_in_dim3A_3 : vector<16xf32> to vector<1x16xf32>
      tpu.vector_store %arg9[%swap3A, %swap3A_31], %swap3A_34 {strides = array<i32>} : memref<64x128xf32, #tpu.memory_space<vmem>>, vector<1x16xf32>,
      %swap3A_35 = arith.index_cast %scan3A_30 : i32 to index
      %swap3A_36 = arith.constant 16 : index
      %swap3A_37 = tpu.vector_load %arg9[%swap3A_35, %swap3A_36] {strides = array<i32>} : memref<64x128xf32, #tpu.memory_space<vmem>>, vector<1x16xf32>,
      %swap3A_38 = vector.shape_cast %swap3A_37 : vector<1x16xf32> to vector<16xf32>
      %swap3A_39 = vector.shape_cast %broadcast_in_dim3A_3 : vector<16xf32> to vector<1x16xf32>
      tpu.vector_store %arg9[%swap3A_35, %swap3A_36], %swap3A_39 {strides = array<i32>} : memref<64x128xf32, #tpu.memory_space<vmem>>, vector<1x16xf32>,
      %swap3A_40 = arith.index_cast %scan3A_30 : i32 to index
      %swap3A_41 = arith.constant 32 : index
      %swap3A_42 = tpu.vector_load %arg9[%swap3A_40, %swap3A_41] {strides = array<i32>} : memref<64x128xf32, #tpu.memory_space<vmem>>, vector<1x16xf32>,
      %swap3A_43 = vector.shape_cast %swap3A_42 : vector<1x16xf32> to vector<16xf32>
      %swap3A_44 = vector.shape_cast %broadcast_in_dim3A_3 : vector<16xf32> to vector<1x16xf32>
      tpu.vector_store %arg9[%swap3A_40, %swap3A_41], %swap3A_44 {strides = array<i32>} : memref<64x128xf32, #tpu.memory_space<vmem>>, vector<1x16xf32>,
      %swap3A_45 = arith.index_cast %scan3A_30 : i32 to index
      %swap3A_46 = arith.constant 48 : index
      %swap3A_47 = tpu.vector_load %arg9[%swap3A_45, %swap3A_46] {strides = array<i32>} : memref<64x128xf32, #tpu.memory_space<vmem>>, vector<1x16xf32>,
      %swap3A_48 = vector.shape_cast %swap3A_47 : vector<1x16xf32> to vector<16xf32>
      %swap3A_49 = vector.shape_cast %broadcast_in_dim3A_3 : vector<16xf32> to vector<1x16xf32>
      tpu.vector_store %arg9[%swap3A_45, %swap3A_46], %swap3A_49 {strides = array<i32>} : memref<64x128xf32, #tpu.memory_space<vmem>>, vector<1x16xf32>,
      %swap3A_50 = arith.index_cast %scan3A_30 : i32 to index
      %swap3A_51 = arith.constant 64 : index
      %swap3A_52 = tpu.vector_load %arg9[%swap3A_50, %swap3A_51] {strides = array<i32>} : memref<64x128xf32, #tpu.memory_space<vmem>>, vector<1x16xf32>,
      %swap3A_53 = vector.shape_cast %swap3A_52 : vector<1x16xf32> to vector<16xf32>
      %swap3A_54 = vector.shape_cast %broadcast_in_dim3A_3 : vector<16xf32> to vector<1x16xf32>
      tpu.vector_store %arg9[%swap3A_50, %swap3A_51], %swap3A_54 {strides = array<i32>} : memref<64x128xf32, #tpu.memory_space<vmem>>, vector<1x16xf32>,
      %swap3A_55 = arith.index_cast %scan3A_30 : i32 to index
      %swap3A_56 = arith.constant 80 : index
      %swap3A_57 = tpu.vector_load %arg9[%swap3A_55, %swap3A_56] {strides = array<i32>} : memref<64x128xf32, #tpu.memory_space<vmem>>, vector<1x16xf32>,
      %swap3A_58 = vector.shape_cast %swap3A_57 : vector<1x16xf32> to vector<16xf32>
      %swap3A_59 = vector.shape_cast %broadcast_in_dim3A_3 : vector<16xf32> to vector<1x16xf32>
      tpu.vector_store %arg9[%swap3A_55, %swap3A_56], %swap3A_59 {strides = array<i32>} : memref<64x128xf32, #tpu.memory_space<vmem>>, vector<1x16xf32>,
      %swap3A_60 = arith.index_cast %scan3A_30 : i32 to index
      %swap3A_61 = arith.constant 96 : index
      %swap3A_62 = tpu.vector_load %arg9[%swap3A_60, %swap3A_61] {strides = array<i32>} : memref<64x128xf32, #tpu.memory_space<vmem>>, vector<1x16xf32>,
      %swap3A_63 = vector.shape_cast %swap3A_62 : vector<1x16xf32> to vector<16xf32>
      %swap3A_64 = vector.shape_cast %broadcast_in_dim3A_3 : vector<16xf32> to vector<1x16xf32>
      tpu.vector_store %arg9[%swap3A_60, %swap3A_61], %swap3A_64 {strides = array<i32>} : memref<64x128xf32, #tpu.memory_space<vmem>>, vector<1x16xf32>,
      %swap3A_65 = arith.index_cast %scan3A_30 : i32 to index
      %swap3A_66 = arith.constant 112 : index
      %swap3A_67 = tpu.vector_load %arg9[%swap3A_65, %swap3A_66] {strides = array<i32>} : memref<64x128xf32, #tpu.memory_space<vmem>>, vector<1x16xf32>,
      %swap3A_68 = vector.shape_cast %swap3A_67 : vector<1x16xf32> to vector<16xf32>
      %swap3A_69 = vector.shape_cast %broadcast_in_dim3A_3 : vector<16xf32> to vector<1x16xf32>
      tpu.vector_store %arg9[%swap3A_65, %swap3A_66], %swap3A_69 {strides = array<i32>} : memref<64x128xf32, #tpu.memory_space<vmem>>, vector<1x16xf32>,
    }
    %scan3A_8 = arith.constant 64 : i32
    %scan3A_9 = arith.constant 0 : i32
    %scan3A_10 = arith.constant 0 : i32
    %scan3A_11 = arith.constant 10 : i32
    %scan3A_12 = arith.addi %scan3A_10, %scan3A_11 : i32
    %scan3A_13 = arith.constant 1 : i32
    scf.for %scan3A_30 = %scan3A_10 to %scan3A_12 step %scan3A_13  : i32 {
      %mul3A_31 = arith.constant 640 : i32
      %mul3A_32 = arith.muli %arg1, %mul3A_31 : i32
      %mul3A_33 = arith.constant 64 : i32
      %mul3A_34 = arith.muli %scan3A_30, %mul3A_33 : i32
      %add3A_35 = arith.addi %mul3A_32, %mul3A_34 : i32
      "tpu.region"() ({
        %run_scoped3A = tpu.sem_alloc : memref<!tpu.dma_semaphore, #tpu.memory_space<semaphore_mem>>
        %dma_start3A_36 = arith.constant 0 : i32
        %dma_start3A_37 = tpu.memref_slice %arg6[%add3A_35, %dma_start3A_36] : memref<10240x128xf32, #tpu.memory_space<vmem_shared>> -> memref<64x128xf32, #tpu.memory_space<vmem_shared>>
        %dma_start3A_38 = arith.constant 0 : i32
        %dma_start3A_39 = tpu.memref_slice %arg6[%add3A_35, %dma_start3A_38] : memref<10240x128xf32, #tpu.memory_space<vmem_shared>> -> memref<64x128xf32, #tpu.memory_space<vmem_shared>>
        tpu.enqueue_dma source(%arg9 : memref<64x128xf32, #tpu.memory_space<vmem>>) target(%dma_start3A_39 : memref<64x128xf32, #tpu.memory_space<vmem_shared>>) target_semaphore(%run_scoped3A : memref<!tpu.dma_semaphore, #tpu.memory_space<semaphore_mem>>)
        %dma_wait3A = arith.constant 0 : i32
        %dma_wait3A_40 = tpu.memref_slice %arg6[%add3A_35, %dma_wait3A] : memref<10240x128xf32, #tpu.memory_space<vmem_shared>> -> memref<64x128xf32, #tpu.memory_space<vmem_shared>>
        %dma_wait3A_41 = arith.constant 0 : i32
        %dma_wait3A_42 = tpu.memref_slice %arg6[%add3A_35, %dma_wait3A_41] : memref<10240x128xf32, #tpu.memory_space<vmem_shared>> -> memref<64x128xf32, #tpu.memory_space<vmem_shared>>
        tpu.wait_dma2 semaphore(%run_scoped3A : memref<!tpu.dma_semaphore, #tpu.memory_space<semaphore_mem>>) src(%arg9 : memref<64x128xf32, #tpu.memory_space<vmem>>) dst(%dma_wait3A_42 : memref<64x128xf32, #tpu.memory_space<vmem_shared>>)
        tpu.yield
      }) : () -> ()
    }
    %scan3A_14 = arith.constant 10 : i32
    %barrier3A = arith.constant 0 : index
    tpu.barrier barrier_id(%barrier3A)
    "tpu.region"() ({
      %run_scoped3A = tpu.sem_alloc : memref<!tpu.dma_semaphore, #tpu.memory_space<semaphore_mem>>
      %dma_start3A_30 = arith.constant 0 : i32
      %dma_start3A_31 = tpu.memref_slice %arg3[%mul3A_2, %dma_start3A_30] : memref<5056x64xi32, #tpu.memory_space<hbm>> -> memref<1x64xi32, #tpu.memory_space<hbm>>
      %dma_start3A_32 = tpu.memref_squeeze %dma_start3A_31 : memref<1x64xi32, #tpu.memory_space<hbm>> -> memref<64xi32, #tpu.memory_space<hbm>>
      %dma_start3A_33 = arith.constant 0 : i32
      %dma_start3A_34 = tpu.memref_slice %arg3[%mul3A_2, %dma_start3A_33] : memref<5056x64xi32, #tpu.memory_space<hbm>> -> memref<1x64xi32, #tpu.memory_space<hbm>>
      %dma_start3A_35 = tpu.memref_squeeze %dma_start3A_34 : memref<1x64xi32, #tpu.memory_space<hbm>> -> memref<64xi32, #tpu.memory_space<hbm>>
      tpu.enqueue_dma source(%dma_start3A_35 : memref<64xi32, #tpu.memory_space<hbm>>) target(%arg7 : memref<64xi32, #tpu.memory_space<vmem>>) target_semaphore(%run_scoped3A : memref<!tpu.dma_semaphore, #tpu.memory_space<semaphore_mem>>)
      %dma_wait3A = arith.constant 0 : i32
      %dma_wait3A_36 = tpu.memref_slice %arg3[%mul3A_2, %dma_wait3A] : memref<5056x64xi32, #tpu.memory_space<hbm>> -> memref<1x64xi32, #tpu.memory_space<hbm>>
      %dma_wait3A_37 = tpu.memref_squeeze %dma_wait3A_36 : memref<1x64xi32, #tpu.memory_space<hbm>> -> memref<64xi32, #tpu.memory_space<hbm>>
      %dma_wait3A_38 = arith.constant 0 : i32
      %dma_wait3A_39 = tpu.memref_slice %arg3[%mul3A_2, %dma_wait3A_38] : memref<5056x64xi32, #tpu.memory_space<hbm>> -> memref<1x64xi32, #tpu.memory_space<hbm>>
      %dma_wait3A_40 = tpu.memref_squeeze %dma_wait3A_39 : memref<1x64xi32, #tpu.memory_space<hbm>> -> memref<64xi32, #tpu.memory_space<hbm>>
      tpu.wait_dma2 semaphore(%run_scoped3A : memref<!tpu.dma_semaphore, #tpu.memory_space<semaphore_mem>>) src(%dma_wait3A_40 : memref<64xi32, #tpu.memory_space<hbm>>) dst(%arg7 : memref<64xi32, #tpu.memory_space<vmem>>)
      tpu.yield
    }) : () -> ()
    "tpu.region"() ({
      %run_scoped3A = tpu.sem_alloc : memref<!tpu.dma_semaphore, #tpu.memory_space<semaphore_mem>>
      %dma_start3A_30 = arith.constant 0 : i32
      %dma_start3A_31 = tpu.memref_slice %arg4[%mul3A_2, %dma_start3A_30] : memref<5056x64xi32, #tpu.memory_space<hbm>> -> memref<1x64xi32, #tpu.memory_space<hbm>>
      %dma_start3A_32 = tpu.memref_squeeze %dma_start3A_31 : memref<1x64xi32, #tpu.memory_space<hbm>> -> memref<64xi32, #tpu.memory_space<hbm>>
      %dma_start3A_33 = arith.constant 0 : i32
      %dma_start3A_34 = tpu.memref_slice %arg4[%mul3A_2, %dma_start3A_33] : memref<5056x64xi32, #tpu.memory_space<hbm>> -> memref<1x64xi32, #tpu.memory_space<hbm>>
      %dma_start3A_35 = tpu.memref_squeeze %dma_start3A_34 : memref<1x64xi32, #tpu.memory_space<hbm>> -> memref<64xi32, #tpu.memory_space<hbm>>
      tpu.enqueue_dma source(%dma_start3A_35 : memref<64xi32, #tpu.memory_space<hbm>>) target(%arg8 : memref<64xi32, #tpu.memory_space<vmem>>) target_semaphore(%run_scoped3A : memref<!tpu.dma_semaphore, #tpu.memory_space<semaphore_mem>>)
      %dma_wait3A = arith.constant 0 : i32
      %dma_wait3A_36 = tpu.memref_slice %arg4[%mul3A_2, %dma_wait3A] : memref<5056x64xi32, #tpu.memory_space<hbm>> -> memref<1x64xi32, #tpu.memory_space<hbm>>
      %dma_wait3A_37 = tpu.memref_squeeze %dma_wait3A_36 : memref<1x64xi32, #tpu.memory_space<hbm>> -> memref<64xi32, #tpu.memory_space<hbm>>
      %dma_wait3A_38 = arith.constant 0 : i32
      %dma_wait3A_39 = tpu.memref_slice %arg4[%mul3A_2, %dma_wait3A_38] : memref<5056x64xi32, #tpu.memory_space<hbm>> -> memref<1x64xi32, #tpu.memory_space<hbm>>
      %dma_wait3A_40 = tpu.memref_squeeze %dma_wait3A_39 : memref<1x64xi32, #tpu.memory_space<hbm>> -> memref<64xi32, #tpu.memory_space<hbm>>
      tpu.wait_dma2 semaphore(%run_scoped3A : memref<!tpu.dma_semaphore, #tpu.memory_space<semaphore_mem>>) src(%dma_wait3A_40 : memref<64xi32, #tpu.memory_space<hbm>>) dst(%arg8 : memref<64xi32, #tpu.memory_space<vmem>>)
      tpu.yield
    }) : () -> ()
    %dma_start3A = arith.constant 0 : i32
    %dma_start3A_15 = arith.constant 0 : i32
    %dma_start3A_16 = tpu.memref_slice %arg2[%dma_start3A, %dma_start3A_15] : memref<10000x128xf32, #tpu.memory_space<hbm>> -> memref<10000x128xf32, #tpu.memory_space<hbm>>
    tpu.enqueue_indirect_dma source(%dma_start3A_16 : memref<10000x128xf32, #tpu.memory_space<hbm>>) target(%arg9 : memref<64x128xf32, #tpu.memory_space<vmem>>) offsets(%arg7 : memref<64xi32, #tpu.memory_space<vmem>>) semaphore(%arg13 : memref<!tpu.dma_semaphore, #tpu.memory_space<semaphore_mem>>)
    %scan3A_17 = arith.constant 0 : i32
    %scan3A_18 = arith.constant 0 : i32
    %scan3A_19 = arith.constant 79 : i32
    %scan3A_20 = arith.addi %scan3A_18, %scan3A_19 : i32
    %scan3A_21 = arith.constant 1 : i32
    scf.for %scan3A_30 = %scan3A_18 to %scan3A_20 step %scan3A_21  : i32 {
      %mul3A_31 = arith.constant 2 : i32
      %mul3A_32 = arith.muli %mul3A_31, %scan3A_30 : i32
      %add3A_33 = arith.addi %mul3A_2, %mul3A_32 : i32
      %add3A_34 = arith.constant 1 : i32
      %add3A_35 = arith.addi %add3A_33, %add3A_34 : i32
      "tpu.region"() ({
        %run_scoped3A = tpu.sem_alloc : memref<!tpu.dma_semaphore, #tpu.memory_space<semaphore_mem>>
        %dma_start3A_46 = arith.constant 0 : i32
        %dma_start3A_47 = tpu.memref_slice %arg3[%add3A_35, %dma_start3A_46] : memref<5056x64xi32, #tpu.memory_space<hbm>> -> memref<1x64xi32, #tpu.memory_space<hbm>>
        %dma_start3A_48 = tpu.memref_squeeze %dma_start3A_47 : memref<1x64xi32, #tpu.memory_space<hbm>> -> memref<64xi32, #tpu.memory_space<hbm>>
        %dma_start3A_49 = arith.constant 0 : i32
        %dma_start3A_50 = tpu.memref_slice %arg3[%add3A_35, %dma_start3A_49] : memref<5056x64xi32, #tpu.memory_space<hbm>> -> memref<1x64xi32, #tpu.memory_space<hbm>>
        %dma_start3A_51 = tpu.memref_squeeze %dma_start3A_50 : memref<1x64xi32, #tpu.memory_space<hbm>> -> memref<64xi32, #tpu.memory_space<hbm>>
        tpu.enqueue_dma source(%dma_start3A_51 : memref<64xi32, #tpu.memory_space<hbm>>) target(%arg10 : memref<64xi32, #tpu.memory_space<vmem>>) target_semaphore(%run_scoped3A : memref<!tpu.dma_semaphore, #tpu.memory_space<semaphore_mem>>)
        %dma_wait3A_52 = arith.constant 0 : i32
        %dma_wait3A_53 = tpu.memref_slice %arg3[%add3A_35, %dma_wait3A_52] : memref<5056x64xi32, #tpu.memory_space<hbm>> -> memref<1x64xi32, #tpu.memory_space<hbm>>
        %dma_wait3A_54 = tpu.memref_squeeze %dma_wait3A_53 : memref<1x64xi32, #tpu.memory_space<hbm>> -> memref<64xi32, #tpu.memory_space<hbm>>
        %dma_wait3A_55 = arith.constant 0 : i32
        %dma_wait3A_56 = tpu.memref_slice %arg3[%add3A_35, %dma_wait3A_55] : memref<5056x64xi32, #tpu.memory_space<hbm>> -> memref<1x64xi32, #tpu.memory_space<hbm>>
        %dma_wait3A_57 = tpu.memref_squeeze %dma_wait3A_56 : memref<1x64xi32, #tpu.memory_space<hbm>> -> memref<64xi32, #tpu.memory_space<hbm>>
        tpu.wait_dma2 semaphore(%run_scoped3A : memref<!tpu.dma_semaphore, #tpu.memory_space<semaphore_mem>>) src(%dma_wait3A_57 : memref<64xi32, #tpu.memory_space<hbm>>) dst(%arg10 : memref<64xi32, #tpu.memory_space<vmem>>)
        tpu.yield
      }) : () -> ()
      "tpu.region"() ({
        %run_scoped3A = tpu.sem_alloc : memref<!tpu.dma_semaphore, #tpu.memory_space<semaphore_mem>>
        %dma_start3A_46 = arith.constant 0 : i32
        %dma_start3A_47 = tpu.memref_slice %arg4[%add3A_35, %dma_start3A_46] : memref<5056x64xi32, #tpu.memory_space<hbm>> -> memref<1x64xi32, #tpu.memory_space<hbm>>
        %dma_start3A_48 = tpu.memref_squeeze %dma_start3A_47 : memref<1x64xi32, #tpu.memory_space<hbm>> -> memref<64xi32, #tpu.memory_space<hbm>>
        %dma_start3A_49 = arith.constant 0 : i32
        %dma_start3A_50 = tpu.memref_slice %arg4[%add3A_35, %dma_start3A_49] : memref<5056x64xi32, #tpu.memory_space<hbm>> -> memref<1x64xi32, #tpu.memory_space<hbm>>
        %dma_start3A_51 = tpu.memref_squeeze %dma_start3A_50 : memref<1x64xi32, #tpu.memory_space<hbm>> -> memref<64xi32, #tpu.memory_space<hbm>>
        tpu.enqueue_dma source(%dma_start3A_51 : memref<64xi32, #tpu.memory_space<hbm>>) target(%arg11 : memref<64xi32, #tpu.memory_space<vmem>>) target_semaphore(%run_scoped3A : memref<!tpu.dma_semaphore, #tpu.memory_space<semaphore_mem>>)
        %dma_wait3A_52 = arith.constant 0 : i32
        %dma_wait3A_53 = tpu.memref_slice %arg4[%add3A_35, %dma_wait3A_52] : memref<5056x64xi32, #tpu.memory_space<hbm>> -> memref<1x64xi32, #tpu.memory_space<hbm>>
        %dma_wait3A_54 = tpu.memref_squeeze %dma_wait3A_53 : memref<1x64xi32, #tpu.memory_space<hbm>> -> memref<64xi32, #tpu.memory_space<hbm>>
        %dma_wait3A_55 = arith.constant 0 : i32
        %dma_wait3A_56 = tpu.memref_slice %arg4[%add3A_35, %dma_wait3A_55] : memref<5056x64xi32, #tpu.memory_space<hbm>> -> memref<1x64xi32, #tpu.memory_space<hbm>>
        %dma_wait3A_57 = tpu.memref_squeeze %dma_wait3A_56 : memref<1x64xi32, #tpu.memory_space<hbm>> -> memref<64xi32, #tpu.memory_space<hbm>>
        tpu.wait_dma2 semaphore(%run_scoped3A : memref<!tpu.dma_semaphore, #tpu.memory_space<semaphore_mem>>) src(%dma_wait3A_57 : memref<64xi32, #tpu.memory_space<hbm>>) dst(%arg11 : memref<64xi32, #tpu.memory_space<vmem>>)
        tpu.yield
      }) : () -> ()
      %dma_start3A_36 = arith.constant 0 : i32
      %dma_start3A_37 = arith.constant 0 : i32
      %dma_start3A_38 = tpu.memref_slice %arg2[%dma_start3A_36, %dma_start3A_37] : memref<10000x128xf32, #tpu.memory_space<hbm>> -> memref<10000x128xf32, #tpu.memory_space<hbm>>
      tpu.enqueue_indirect_dma source(%dma_start3A_38 : memref<10000x128xf32, #tpu.memory_space<hbm>>) target(%arg12 : memref<64x128xf32, #tpu.memory_space<vmem>>) offsets(%arg10 : memref<64xi32, #tpu.memory_space<vmem>>) semaphore(%arg14 : memref<!tpu.dma_semaphore, #tpu.memory_space<semaphore_mem>>)
      %dma_wait3A = arith.constant 0 : i32
      %dma_wait3A_39 = arith.constant 0 : i32
      %dma_wait3A_40 = tpu.memref_slice %arg2[%dma_wait3A, %dma_wait3A_39] : memref<10000x128xf32, #tpu.memory_space<hbm>> -> memref<10000x128xf32, #tpu.memory_space<hbm>>
      tpu.wait_indirect_dma semaphore(%arg13 : memref<!tpu.dma_semaphore, #tpu.memory_space<semaphore_mem>>) src(%dma_wait3A_40 : memref<10000x128xf32, #tpu.memory_space<hbm>>) dst(%arg9 : memref<64x128xf32, #tpu.memory_space<vmem>>)
      "tpu.region"() ({
        %run_scoped3A = tpu.sem_alloc : memref<!tpu.dma_semaphore, #tpu.memory_space<semaphore_mem>>
        %dma_start3A_46 = arith.constant 0 : i32
        %dma_start3A_47 = arith.constant 0 : i32
        %dma_start3A_48 = tpu.memref_slice %arg6[%dma_start3A_46, %dma_start3A_47] : memref<10240x128xf32, #tpu.memory_space<vmem_shared>> -> memref<10240x128xf32, #tpu.memory_space<vmem_shared>>
        tpu.enqueue_indirect_dma source(%arg9 : memref<64x128xf32, #tpu.memory_space<vmem>>) target(%dma_start3A_48 : memref<10240x128xf32, #tpu.memory_space<vmem_shared>>) offsets(%arg8 : memref<64xi32, #tpu.memory_space<vmem>>) semaphore(%run_scoped3A : memref<!tpu.dma_semaphore, #tpu.memory_space<semaphore_mem>>) {add = true}
        %dma_wait3A_49 = arith.constant 0 : i32
        %dma_wait3A_50 = arith.constant 0 : i32
        %dma_wait3A_51 = tpu.memref_slice %arg6[%dma_wait3A_49, %dma_wait3A_50] : memref<10240x128xf32, #tpu.memory_space<vmem_shared>> -> memref<10240x128xf32, #tpu.memory_space<vmem_shared>>
        tpu.wait_indirect_dma semaphore(%run_scoped3A : memref<!tpu.dma_semaphore, #tpu.memory_space<semaphore_mem>>) src(%arg9 : memref<64x128xf32, #tpu.memory_space<vmem>>) dst(%dma_wait3A_51 : memref<10240x128xf32, #tpu.memory_space<vmem_shared>>)
        tpu.yield
      }) : () -> ()
      %lt3A = arith.constant 78 : i32
      %lt3A_41 = arith.cmpi slt, %scan3A_30, %lt3A : i32
      %convert_element_type3A = arith.extui %lt3A_41 : i1 to i32
      %cond3A = arith.constant 0 : i32
      %cond3A_42 = arith.cmpi ne, %convert_element_type3A, %cond3A : i32
      scf.if %cond3A_42 {
        %mul3A_46 = arith.constant 2 : i32
        %mul3A_47 = arith.muli %mul3A_46, %scan3A_30 : i32
        %add3A_48 = arith.addi %mul3A_2, %mul3A_47 : i32
        %add3A_49 = arith.constant 2 : i32
        %add3A_50 = arith.addi %add3A_48, %add3A_49 : i32
        "tpu.region"() ({
          %run_scoped3A = tpu.sem_alloc : memref<!tpu.dma_semaphore, #tpu.memory_space<semaphore_mem>>
          %dma_start3A_54 = arith.constant 0 : i32
          %dma_start3A_55 = tpu.memref_slice %arg3[%add3A_50, %dma_start3A_54] : memref<5056x64xi32, #tpu.memory_space<hbm>> -> memref<1x64xi32, #tpu.memory_space<hbm>>
          %dma_start3A_56 = tpu.memref_squeeze %dma_start3A_55 : memref<1x64xi32, #tpu.memory_space<hbm>> -> memref<64xi32, #tpu.memory_space<hbm>>
          %dma_start3A_57 = arith.constant 0 : i32
          %dma_start3A_58 = tpu.memref_slice %arg3[%add3A_50, %dma_start3A_57] : memref<5056x64xi32, #tpu.memory_space<hbm>> -> memref<1x64xi32, #tpu.memory_space<hbm>>
          %dma_start3A_59 = tpu.memref_squeeze %dma_start3A_58 : memref<1x64xi32, #tpu.memory_space<hbm>> -> memref<64xi32, #tpu.memory_space<hbm>>
          tpu.enqueue_dma source(%dma_start3A_59 : memref<64xi32, #tpu.memory_space<hbm>>) target(%arg7 : memref<64xi32, #tpu.memory_space<vmem>>) target_semaphore(%run_scoped3A : memref<!tpu.dma_semaphore, #tpu.memory_space<semaphore_mem>>)
          %dma_wait3A_60 = arith.constant 0 : i32
          %dma_wait3A_61 = tpu.memref_slice %arg3[%add3A_50, %dma_wait3A_60] : memref<5056x64xi32, #tpu.memory_space<hbm>> -> memref<1x64xi32, #tpu.memory_space<hbm>>
          %dma_wait3A_62 = tpu.memref_squeeze %dma_wait3A_61 : memref<1x64xi32, #tpu.memory_space<hbm>> -> memref<64xi32, #tpu.memory_space<hbm>>
          %dma_wait3A_63 = arith.constant 0 : i32
          %dma_wait3A_64 = tpu.memref_slice %arg3[%add3A_50, %dma_wait3A_63] : memref<5056x64xi32, #tpu.memory_space<hbm>> -> memref<1x64xi32, #tpu.memory_space<hbm>>
          %dma_wait3A_65 = tpu.memref_squeeze %dma_wait3A_64 : memref<1x64xi32, #tpu.memory_space<hbm>> -> memref<64xi32, #tpu.memory_space<hbm>>
          tpu.wait_dma2 semaphore(%run_scoped3A : memref<!tpu.dma_semaphore, #tpu.memory_space<semaphore_mem>>) src(%dma_wait3A_65 : memref<64xi32, #tpu.memory_space<hbm>>) dst(%arg7 : memref<64xi32, #tpu.memory_space<vmem>>)
          tpu.yield
        }) : () -> ()
        "tpu.region"() ({
          %run_scoped3A = tpu.sem_alloc : memref<!tpu.dma_semaphore, #tpu.memory_space<semaphore_mem>>
          %dma_start3A_54 = arith.constant 0 : i32
          %dma_start3A_55 = tpu.memref_slice %arg4[%add3A_50, %dma_start3A_54] : memref<5056x64xi32, #tpu.memory_space<hbm>> -> memref<1x64xi32, #tpu.memory_space<hbm>>
          %dma_start3A_56 = tpu.memref_squeeze %dma_start3A_55 : memref<1x64xi32, #tpu.memory_space<hbm>> -> memref<64xi32, #tpu.memory_space<hbm>>
          %dma_start3A_57 = arith.constant 0 : i32
          %dma_start3A_58 = tpu.memref_slice %arg4[%add3A_50, %dma_start3A_57] : memref<5056x64xi32, #tpu.memory_space<hbm>> -> memref<1x64xi32, #tpu.memory_space<hbm>>
          %dma_start3A_59 = tpu.memref_squeeze %dma_start3A_58 : memref<1x64xi32, #tpu.memory_space<hbm>> -> memref<64xi32, #tpu.memory_space<hbm>>
          tpu.enqueue_dma source(%dma_start3A_59 : memref<64xi32, #tpu.memory_space<hbm>>) target(%arg8 : memref<64xi32, #tpu.memory_space<vmem>>) target_semaphore(%run_scoped3A : memref<!tpu.dma_semaphore, #tpu.memory_space<semaphore_mem>>)
          %dma_wait3A_60 = arith.constant 0 : i32
          %dma_wait3A_61 = tpu.memref_slice %arg4[%add3A_50, %dma_wait3A_60] : memref<5056x64xi32, #tpu.memory_space<hbm>> -> memref<1x64xi32, #tpu.memory_space<hbm>>
          %dma_wait3A_62 = tpu.memref_squeeze %dma_wait3A_61 : memref<1x64xi32, #tpu.memory_space<hbm>> -> memref<64xi32, #tpu.memory_space<hbm>>
          %dma_wait3A_63 = arith.constant 0 : i32
          %dma_wait3A_64 = tpu.memref_slice %arg4[%add3A_50, %dma_wait3A_63] : memref<5056x64xi32, #tpu.memory_space<hbm>> -> memref<1x64xi32, #tpu.memory_space<hbm>>
          %dma_wait3A_65 = tpu.memref_squeeze %dma_wait3A_64 : memref<1x64xi32, #tpu.memory_space<hbm>> -> memref<64xi32, #tpu.memory_space<hbm>>
          tpu.wait_dma2 semaphore(%run_scoped3A : memref<!tpu.dma_semaphore, #tpu.memory_space<semaphore_mem>>) src(%dma_wait3A_65 : memref<64xi32, #tpu.memory_space<hbm>>) dst(%arg8 : memref<64xi32, #tpu.memory_space<vmem>>)
          tpu.yield
        }) : () -> ()
        %dma_start3A_51 = arith.constant 0 : i32
        %dma_start3A_52 = arith.constant 0 : i32
        %dma_start3A_53 = tpu.memref_slice %arg2[%dma_start3A_51, %dma_start3A_52] : memref<10000x128xf32, #tpu.memory_space<hbm>> -> memref<10000x128xf32, #tpu.memory_space<hbm>>
        tpu.enqueue_indirect_dma source(%dma_start3A_53 : memref<10000x128xf32, #tpu.memory_space<hbm>>) target(%arg9 : memref<64x128xf32, #tpu.memory_space<vmem>>) offsets(%arg7 : memref<64xi32, #tpu.memory_space<vmem>>) semaphore(%arg13 : memref<!tpu.dma_semaphore, #tpu.memory_space<semaphore_mem>>)
      } else {
      }
      %dma_wait3A_43 = arith.constant 0 : i32
      %dma_wait3A_44 = arith.constant 0 : i32
      %dma_wait3A_45 = tpu.memref_slice %arg2[%dma_wait3A_43, %dma_wait3A_44] : memref<10000x128xf32, #tpu.memory_space<hbm>> -> memref<10000x128xf32, #tpu.memory_space<hbm>>
      tpu.wait_indirect_dma semaphore(%arg14 : memref<!tpu.dma_semaphore, #tpu.memory_space<semaphore_mem>>) src(%dma_wait3A_45 : memref<10000x128xf32, #tpu.memory_space<hbm>>) dst(%arg12 : memref<64x128xf32, #tpu.memory_space<vmem>>)
      "tpu.region"() ({
        %run_scoped3A = tpu.sem_alloc : memref<!tpu.dma_semaphore, #tpu.memory_space<semaphore_mem>>
        %dma_start3A_46 = arith.constant 0 : i32
        %dma_start3A_47 = arith.constant 0 : i32
        %dma_start3A_48 = tpu.memref_slice %arg6[%dma_start3A_46, %dma_start3A_47] : memref<10240x128xf32, #tpu.memory_space<vmem_shared>> -> memref<10240x128xf32, #tpu.memory_space<vmem_shared>>
        tpu.enqueue_indirect_dma source(%arg12 : memref<64x128xf32, #tpu.memory_space<vmem>>) target(%dma_start3A_48 : memref<10240x128xf32, #tpu.memory_space<vmem_shared>>) offsets(%arg11 : memref<64xi32, #tpu.memory_space<vmem>>) semaphore(%run_scoped3A : memref<!tpu.dma_semaphore, #tpu.memory_space<semaphore_mem>>) {add = true}
        %dma_wait3A_49 = arith.constant 0 : i32
        %dma_wait3A_50 = arith.constant 0 : i32
        %dma_wait3A_51 = tpu.memref_slice %arg6[%dma_wait3A_49, %dma_wait3A_50] : memref<10240x128xf32, #tpu.memory_space<vmem_shared>> -> memref<10240x128xf32, #tpu.memory_space<vmem_shared>>
        tpu.wait_indirect_dma semaphore(%run_scoped3A : memref<!tpu.dma_semaphore, #tpu.memory_space<semaphore_mem>>) src(%arg12 : memref<64x128xf32, #tpu.memory_space<vmem>>) dst(%dma_wait3A_51 : memref<10240x128xf32, #tpu.memory_space<vmem_shared>>)
        tpu.yield
      }) : () -> ()
    }
    %scan3A_22 = arith.constant 79 : i32
    %barrier3A_23 = arith.constant 0 : index
    tpu.barrier barrier_id(%barrier3A_23)
    %scan3A_24 = arith.constant 0 : i32
    %scan3A_25 = arith.constant 0 : i32
    %scan3A_26 = arith.constant 10 : i32
    %scan3A_27 = arith.addi %scan3A_25, %scan3A_26 : i32
    %scan3A_28 = arith.constant 1 : i32
    scf.for %scan3A_30 = %scan3A_25 to %scan3A_27 step %scan3A_28  : i32 {
      %mul3A_31 = arith.constant 640 : i32
      %mul3A_32 = arith.muli %arg1, %mul3A_31 : i32
      %mul3A_33 = arith.constant 64 : i32
      %mul3A_34 = arith.muli %scan3A_30, %mul3A_33 : i32
      %add3A_35 = arith.addi %mul3A_32, %mul3A_34 : i32
      "tpu.region"() ({
        %run_scoped3A = tpu.sem_alloc : memref<!tpu.dma_semaphore, #tpu.memory_space<semaphore_mem>>
        %dma_start3A_39 = arith.constant 0 : i32
        %dma_start3A_40 = tpu.memref_slice %arg6[%add3A_35, %dma_start3A_39] : memref<10240x128xf32, #tpu.memory_space<vmem_shared>> -> memref<64x128xf32, #tpu.memory_space<vmem_shared>>
        %dma_start3A_41 = arith.constant 0 : i32
        %dma_start3A_42 = tpu.memref_slice %arg6[%add3A_35, %dma_start3A_41] : memref<10240x128xf32, #tpu.memory_space<vmem_shared>> -> memref<64x128xf32, #tpu.memory_space<vmem_shared>>
        tpu.enqueue_dma source(%dma_start3A_42 : memref<64x128xf32, #tpu.memory_space<vmem_shared>>) target(%arg9 : memref<64x128xf32, #tpu.memory_space<vmem>>) target_semaphore(%run_scoped3A : memref<!tpu.dma_semaphore, #tpu.memory_space<semaphore_mem>>)
        %dma_wait3A = arith.constant 0 : i32
        %dma_wait3A_43 = tpu.memref_slice %arg6[%add3A_35, %dma_wait3A] : memref<10240x128xf32, #tpu.memory_space<vmem_shared>> -> memref<64x128xf32, #tpu.memory_space<vmem_shared>>
        %dma_wait3A_44 = arith.constant 0 : i32
        %dma_wait3A_45 = tpu.memref_slice %arg6[%add3A_35, %dma_wait3A_44] : memref<10240x128xf32, #tpu.memory_space<vmem_shared>> -> memref<64x128xf32, #tpu.memory_space<vmem_shared>>
        tpu.wait_dma2 semaphore(%run_scoped3A : memref<!tpu.dma_semaphore, #tpu.memory_space<semaphore_mem>>) src(%dma_wait3A_45 : memref<64x128xf32, #tpu.memory_space<vmem_shared>>) dst(%arg9 : memref<64x128xf32, #tpu.memory_space<vmem>>)
        tpu.yield
      }) : () -> ()
      %mul3A_36 = arith.constant 10240 : i32
      %mul3A_37 = arith.muli %arg0, %mul3A_36 : i32
      %add3A_38 = arith.addi %mul3A_37, %add3A_35 : i32
      "tpu.region"() ({
        %run_scoped3A = tpu.sem_alloc : memref<!tpu.dma_semaphore, #tpu.memory_space<semaphore_mem>>
        %dma_start3A_39 = arith.constant 0 : i32
        %dma_start3A_40 = tpu.memref_slice %arg5[%add3A_38, %dma_start3A_39] : memref<20480x128xf32, #tpu.memory_space<hbm>> -> memref<64x128xf32, #tpu.memory_space<hbm>>
        %dma_start3A_41 = arith.constant 0 : i32
        %dma_start3A_42 = tpu.memref_slice %arg5[%add3A_38, %dma_start3A_41] : memref<20480x128xf32, #tpu.memory_space<hbm>> -> memref<64x128xf32, #tpu.memory_space<hbm>>
        tpu.enqueue_dma source(%arg9 : memref<64x128xf32, #tpu.memory_space<vmem>>) target(%dma_start3A_42 : memref<64x128xf32, #tpu.memory_space<hbm>>) target_semaphore(%run_scoped3A : memref<!tpu.dma_semaphore, #tpu.memory_space<semaphore_mem>>)
        %dma_wait3A = arith.constant 0 : i32
        %dma_wait3A_43 = tpu.memref_slice %arg5[%add3A_38, %dma_wait3A] : memref<20480x128xf32, #tpu.memory_space<hbm>> -> memref<64x128xf32, #tpu.memory_space<hbm>>
        %dma_wait3A_44 = arith.constant 0 : i32
        %dma_wait3A_45 = tpu.memref_slice %arg5[%add3A_38, %dma_wait3A_44] : memref<20480x128xf32, #tpu.memory_space<hbm>> -> memref<64x128xf32, #tpu.memory_space<hbm>>
        tpu.wait_dma2 semaphore(%run_scoped3A : memref<!tpu.dma_semaphore, #tpu.memory_space<semaphore_mem>>) src(%arg9 : memref<64x128xf32, #tpu.memory_space<vmem>>) dst(%dma_wait3A_45 : memref<64x128xf32, #tpu.memory_space<hbm>>)
        tpu.yield
      }) : () -> ()
    }
    %scan3A_29 = arith.constant 10 : i32
    return
  }
}

module attributes {stable_mosaic.version = 14 : i64} {
  func.func @_tc_layer_body(%arg0: i32, %arg1: memref<512x128xf32, #tpu.memory_space<vmem>>, %arg2: memref<1x512x128xf32, #tpu.memory_space<vmem>>, %arg3: memref<1x512x128xf32, #tpu.memory_space<vmem>>, %arg4: memref<1x512x128xf32, #tpu.memory_space<vmem>>, %arg5: memref<1x512x128xf32, #tpu.memory_space<vmem>>, %arg6: memref<128x128xf32, #tpu.memory_space<vmem>>, %arg7: memref<128x128xf32, #tpu.memory_space<vmem>>, %arg8: memref<1x128xf32, #tpu.memory_space<vmem>>, %arg9: memref<512x128xf32, #tpu.memory_space<vmem>>) attributes {dimension_semantics = [#tpu.dimension_semantics<arbitrary>], iteration_bounds = array<i64: 20>, scalar_prefetch = 0 : i64, scratch_operands = 0 : i64, tpu.core_type = #tpu.core_type<tc>, window_params = [{transform_indices = @transform_0, window_bounds = array<i64: 512, 128>}, {transform_indices = @transform_1, window_bounds = array<i64: 1, 512, 128>}, {transform_indices = @transform_2, window_bounds = array<i64: 1, 512, 128>}, {transform_indices = @transform_3, window_bounds = array<i64: 1, 512, 128>}, {transform_indices = @transform_4, window_bounds = array<i64: 1, 512, 128>}, {pipeline_mode = #tpu.pipeline_mode<synchronous>, transform_indices = @transform_5, window_bounds = array<i64: 128, 128>}, {pipeline_mode = #tpu.pipeline_mode<synchronous>, transform_indices = @transform_6, window_bounds = array<i64: 128, 128>}, {pipeline_mode = #tpu.pipeline_mode<synchronous>, transform_indices = @transform_7, window_bounds = array<i64: 1, 128>}, {transform_indices = @transform_8, window_bounds = array<i64: 512, 128>}]} {
    %get3A = arith.constant 0 : index
    %get3A_0 = arith.constant 0 : index
    %get3A_1 = vector.load %arg1[%get3A, %get3A_0] : memref<512x128xf32, #tpu.memory_space<vmem>>, vector<512x128xf32>
    %get3A_2 = arith.constant 0 : index
    %get3A_3 = arith.constant 0 : index
    %get3A_4 = arith.constant 0 : index
    %get3A_5 = vector.load %arg2[%get3A_2, %get3A_3, %get3A_4] : memref<1x512x128xf32, #tpu.memory_space<vmem>>, vector<1x512x128xf32>
    %get3A_6 = vector.shape_cast %get3A_5 : vector<1x512x128xf32> to vector<512x128xf32>
    %get3A_7 = arith.constant 0 : index
    %get3A_8 = arith.constant 0 : index
    %get3A_9 = arith.constant 0 : index
    %get3A_10 = vector.load %arg3[%get3A_7, %get3A_8, %get3A_9] : memref<1x512x128xf32, #tpu.memory_space<vmem>>, vector<1x512x128xf32>
    %get3A_11 = vector.shape_cast %get3A_10 : vector<1x512x128xf32> to vector<512x128xf32>
    %add3A = arith.addf %get3A_6, %get3A_11 : vector<512x128xf32>
    %get3A_12 = arith.constant 0 : index
    %get3A_13 = arith.constant 0 : index
    %get3A_14 = arith.constant 0 : index
    %get3A_15 = vector.load %arg4[%get3A_12, %get3A_13, %get3A_14] : memref<1x512x128xf32, #tpu.memory_space<vmem>>, vector<1x512x128xf32>
    %get3A_16 = vector.shape_cast %get3A_15 : vector<1x512x128xf32> to vector<512x128xf32>
    %get3A_17 = arith.constant 0 : index
    %get3A_18 = arith.constant 0 : index
    %get3A_19 = arith.constant 0 : index
    %get3A_20 = vector.load %arg5[%get3A_17, %get3A_18, %get3A_19] : memref<1x512x128xf32, #tpu.memory_space<vmem>>, vector<1x512x128xf32>
    %get3A_21 = vector.shape_cast %get3A_20 : vector<1x512x128xf32> to vector<512x128xf32>
    %add3A_22 = arith.addf %get3A_16, %get3A_21 : vector<512x128xf32>
    %slice3A = vector.extract_strided_slice %add3A_22 {offsets = [0, 0], sizes = [512, 1], strides = [1, 1]} : vector<512x128xf32> to vector<512x1xf32>
    %jit3A = arith.constant 1.000000e+00 : f32
    %max3A = vector.broadcast %jit3A : f32 to vector<512x1xf32>
    %max3A_23 = arith.maximumf %max3A, %slice3A : vector<512x1xf32>
    %div3A = arith.constant 1.000000e+00 : f32
    %div3A_24 = vector.broadcast %div3A : f32 to vector<512x1xf32>
    %div3A_25 = arith.divf %div3A_24, %max3A_23 : vector<512x1xf32>
    %mul3A = vector.broadcast %div3A_25 : vector<512x1xf32> to vector<512x128xf32>
    %mul3A_26 = arith.mulf %add3A, %mul3A : vector<512x128xf32>
    %get3A_27 = arith.constant 0 : index
    %get3A_28 = arith.constant 0 : index
    %get3A_29 = vector.load %arg6[%get3A_27, %get3A_28] : memref<128x128xf32, #tpu.memory_space<vmem>>, vector<128x128xf32>
    %dot_general3A = arith.constant dense<0.000000e+00> : vector<512x128xf32>
    %dot_general3A_30 = tpu.matmul %get3A_1, %get3A_29, %dot_general3A {dimension_numbers = #tpu.dot_dimension_numbers<[1], [0], [0], [1], [0, 0, 1, 1], [], []>, transpose_lhs_hint = false} : vector<512x128xf32>, vector<128x128xf32>, vector<512x128xf32> -> vector<512x128xf32>
    %get3A_31 = arith.constant 0 : index
    %get3A_32 = arith.constant 0 : index
    %get3A_33 = vector.load %arg7[%get3A_31, %get3A_32] : memref<128x128xf32, #tpu.memory_space<vmem>>, vector<128x128xf32>
    %dot_general3A_34 = arith.constant dense<0.000000e+00> : vector<512x128xf32>
    %dot_general3A_35 = tpu.matmul %mul3A_26, %get3A_33, %dot_general3A_34 {dimension_numbers = #tpu.dot_dimension_numbers<[1], [0], [0], [1], [0, 0, 1, 1], [], []>, transpose_lhs_hint = false} : vector<512x128xf32>, vector<128x128xf32>, vector<512x128xf32> -> vector<512x128xf32>
    %add3A_36 = arith.addf %dot_general3A_30, %dot_general3A_35 : vector<512x128xf32>
    %get3A_37 = arith.constant 0 : index
    %get3A_38 = arith.constant 0 : index
    %get3A_39 = vector.load %arg8[%get3A_37, %get3A_38] : memref<1x128xf32, #tpu.memory_space<vmem>>, vector<1x128xf32>
    %add3A_40 = vector.broadcast %get3A_39 : vector<1x128xf32> to vector<512x128xf32>
    %add3A_41 = arith.addf %add3A_36, %add3A_40 : vector<512x128xf32>
    %max3A_42 = arith.constant 0.000000e+00 : f32
    %max3A_43 = vector.broadcast %max3A_42 : f32 to vector<512x128xf32>
    %max3A_44 = arith.maximumf %add3A_41, %max3A_43 : vector<512x128xf32>
    %swap3A = arith.constant 0 : index
    %swap3A_45 = arith.constant 0 : index
    %swap3A_46 = vector.load %arg9[%swap3A, %swap3A_45] : memref<512x128xf32, #tpu.memory_space<vmem>>, vector<512x128xf32>
    tpu.vector_store %arg9[%swap3A, %swap3A_45], %max3A_44 {strides = array<i32>} : memref<512x128xf32, #tpu.memory_space<vmem>>, vector<512x128xf32>,
    return
  }
  func.func @transform_0(%arg0: i32) -> (i32, i32) {
    %c0_i32 = arith.constant 0 : i32
    %c0_i32_0 = arith.constant 0 : i32
    return %arg0, %c0_i32 : i32, i32
  }
  func.func @transform_1(%arg0: i32) -> (i32, i32, i32) {
    %c0_i32 = arith.constant 0 : i32
    %c0_i32_0 = arith.constant 0 : i32
    %c0_i32_1 = arith.constant 0 : i32
    return %c0_i32, %arg0, %c0_i32_0 : i32, i32, i32
  }
  func.func @transform_2(%arg0: i32) -> (i32, i32, i32) {
    %c1_i32 = arith.constant 1 : i32
    %c0_i32 = arith.constant 0 : i32
    %c0_i32_0 = arith.constant 0 : i32
    return %c1_i32, %arg0, %c0_i32 : i32, i32, i32
  }
  func.func @transform_3(%arg0: i32) -> (i32, i32, i32) {
    %c0_i32 = arith.constant 0 : i32
    %c0_i32_0 = arith.constant 0 : i32
    %c0_i32_1 = arith.constant 0 : i32
    return %c0_i32, %arg0, %c0_i32_0 : i32, i32, i32
  }
  func.func @transform_4(%arg0: i32) -> (i32, i32, i32) {
    %c1_i32 = arith.constant 1 : i32
    %c0_i32 = arith.constant 0 : i32
    %c0_i32_0 = arith.constant 0 : i32
    return %c1_i32, %arg0, %c0_i32 : i32, i32, i32
  }
  func.func @transform_5(%arg0: i32) -> (i32, i32) {
    %c0_i32 = arith.constant 0 : i32
    %c0_i32_0 = arith.constant 0 : i32
    %c0_i32_1 = arith.constant 0 : i32
    return %c0_i32, %c0_i32_0 : i32, i32
  }
  func.func @transform_6(%arg0: i32) -> (i32, i32) {
    %c0_i32 = arith.constant 0 : i32
    %c0_i32_0 = arith.constant 0 : i32
    %c0_i32_1 = arith.constant 0 : i32
    return %c0_i32, %c0_i32_0 : i32, i32
  }
  func.func @transform_7(%arg0: i32) -> (i32, i32) {
    %c0_i32 = arith.constant 0 : i32
    %c0_i32_0 = arith.constant 0 : i32
    %c0_i32_1 = arith.constant 0 : i32
    return %c0_i32, %c0_i32_0 : i32, i32
  }
  func.func @transform_8(%arg0: i32) -> (i32, i32) {
    %c0_i32 = arith.constant 0 : i32
    %c0_i32_0 = arith.constant 0 : i32
    return %arg0, %c0_i32 : i32, i32
  }
}

module attributes {stable_mosaic.version = 14 : i64} {
  func.func @_tc_head_body(%arg0: memref<1024x128xf32, #tpu.memory_space<vmem>>, %arg1: memref<128x40xf32, #tpu.memory_space<vmem>>, %arg2: memref<1x40xf32, #tpu.memory_space<vmem>>, %arg3: memref<1024x40xf32, #tpu.memory_space<vmem>>) attributes {dimension_semantics = [], scalar_prefetch = 0 : i64, scratch_operands = 0 : i64, tpu.core_type = #tpu.core_type<tc>} {
    %get3A = arith.constant 0 : index
    %get3A_0 = arith.constant 0 : index
    %get3A_1 = vector.load %arg0[%get3A, %get3A_0] : memref<1024x128xf32, #tpu.memory_space<vmem>>, vector<1024x128xf32>
    %get3A_2 = arith.constant 0 : index
    %get3A_3 = arith.constant 0 : index
    %get3A_4 = vector.load %arg1[%get3A_2, %get3A_3] : memref<128x40xf32, #tpu.memory_space<vmem>>, vector<128x40xf32>
    %dot_general3A = arith.constant dense<0.000000e+00> : vector<1024x40xf32>
    %dot_general3A_5 = tpu.matmul %get3A_1, %get3A_4, %dot_general3A {dimension_numbers = #tpu.dot_dimension_numbers<[1], [0], [0], [1], [0, 0, 1, 1], [], []>, transpose_lhs_hint = false} : vector<1024x128xf32>, vector<128x40xf32>, vector<1024x40xf32> -> vector<1024x40xf32>
    %get3A_6 = arith.constant 0 : index
    %get3A_7 = arith.constant 0 : index
    %get3A_8 = vector.load %arg2[%get3A_6, %get3A_7] : memref<1x40xf32, #tpu.memory_space<vmem>>, vector<1x40xf32>
    %add3A = vector.broadcast %get3A_8 : vector<1x40xf32> to vector<1024x40xf32>
    %add3A_9 = arith.addf %dot_general3A_5, %add3A : vector<1024x40xf32>
    %reduce_max3A = arith.constant dense<0xFF800000> : vector<1024xf32>
    %reduce_max3A_10 = vector.multi_reduction <maximumf>, %add3A_9, %reduce_max3A [1] : vector<1024x40xf32> to vector<1024xf32>
    %broadcast_in_dim3A = vector.shape_cast %reduce_max3A_10 : vector<1024xf32> to vector<1024x1xf32>
    %sub3A = vector.broadcast %broadcast_in_dim3A : vector<1024x1xf32> to vector<1024x40xf32>
    %sub3A_11 = arith.subf %add3A_9, %sub3A : vector<1024x40xf32>
    %exp3A = math.exp %sub3A_11 : vector<1024x40xf32>
    %reduce_sum3A = arith.constant dense<0.000000e+00> : vector<1024xf32>
    %reduce_sum3A_12 = vector.multi_reduction <add>, %exp3A, %reduce_sum3A [1] : vector<1024x40xf32> to vector<1024xf32>
    %broadcast_in_dim3A_13 = vector.shape_cast %reduce_sum3A_12 : vector<1024xf32> to vector<1024x1xf32>
    %log3A = math.log %broadcast_in_dim3A_13 : vector<1024x1xf32>
    %add3A_14 = arith.addf %log3A, %broadcast_in_dim3A : vector<1024x1xf32>
    %sub3A_15 = vector.broadcast %add3A_14 : vector<1024x1xf32> to vector<1024x40xf32>
    %sub3A_16 = arith.subf %add3A_9, %sub3A_15 : vector<1024x40xf32>
    %swap3A = arith.constant 0 : index
    %swap3A_17 = arith.constant 0 : index
    %swap3A_18 = vector.load %arg3[%swap3A, %swap3A_17] : memref<1024x40xf32, #tpu.memory_space<vmem>>, vector<1024x40xf32>
    tpu.vector_store %arg3[%swap3A, %swap3A_17], %sub3A_16 {strides = array<i32>} : memref<1024x40xf32, #tpu.memory_space<vmem>>, vector<1024x40xf32>,
    return
  }
}

</mosaic_0001>

<sc_bundles>
// kernel: kernel.12.cloned.1.call-start
scs
__scs_entry_jumppad:
0x0: {  	(pc) =	sbr.rel $0x88, $3  }
0x1: {  	(tag) =	ssettag $0x0;
	lr =	simm.s32 $0x1  }
0x2: {  	[smem:$0x3F96] =	sst lr;
	_ =	strace $0xD0000000  }
0x3: {  	_ = 	snop  }
0x4: {  	_ = 	snop  }
0x5: {  	_ = 	snop  }
0x6: {  	_ = 	snop  }
0x7: {  	_ = 	snop  }
__scs_overlays_trampoline_lowered:
0x8: {  	[smem:$0x3FA5] =	sst s0  }
0x9: {  	[smem:$0x3FA6] =	sst s1  }
0xa: {  	[smem:$0x3FA7] =	sst s2  }
0xb: {  	[smem:$0x3FA8] =	sst s3  }
0xc: {  	[smem:$0x3FA9] =	sst s4  }
0xd: {  	[smem:$0x3FAA] =	sst s5  }
0xe: {  	[smem:$0x3FAB] =	sst s6  }
0xf: {  	[smem:$0x3FAC] =	sst s7  }
0x10: {  	[smem:$0x3FAD] =	sst s8  }
0x11: {  	[smem:$0x3FAE] =	sst s9;
	s0 =	simm.s32 @!p0 $0x0  }
0x12: {  	s1 =	sld [smem:$0x3F94];
	s0 =	simm.s32 @p0 $0x1  }
0x13: {  	[smem:$0x3FAF] =	sst s0;
	s0 =	simm.s32 @!p1 $0x0  }
0x14: {  	s2 =	sld [smem:$0x3F93];
	s0 =	simm.s32 @p1 $0x1  }
0x15: {  	[smem:$0x3FB0] =	sst s0;
	s0 =	simm.s32 @!p2 $0x0  }
0x16: {  	s3 =	sld [smem:$0x3FDB];
	s0 =	simm.s32 @p2 $0x1  }
0x17: {  	s4 =	simm.s32 $0x1BF5;
	[smem:$0x3FB2] =	sst s0  }
0x18: {  	s0 =	sld [smem:$0x3F95];
	_ =	swait.ge [sflag:s4], $0x0  }
0x19: {  	s7 =	sld [smem:$0x3F96]  }
0x1a: {  	s8 =	sadd.s32 $0xFFFFE003, lr  }
0x1b: {  	s9 =	sadd.s32 $0xFFFFFEF7, lr;
	s5 =	simm.s32 $0xFFFFFFFF;
	p2 =	slt.u32 s8, $0xFFFFF086  }
0x1c: {  	p1 =	slt.u32 s9, $0xF7A;
	s5 =	simm.s32 @!p2 $0x0  }
0x1d: {  	s5 =	simm.s32 @p1 $0x1;
	p0 =	seq.s32 s7, s2  }
0x1e: {  	s7 =	smul.u32 @!p0 $0xF7A, s2;
	p2 =	seq.s32 @!p0 s5, $0x0  }
0x1f: {  	s9 =	smul.u32 $0xF7A, s1;
	s8 =	simm.s32 @!p0 $0x1BF5;
	p2 =	por !p2, p0  }
0x20: {  	[sflag:s8] =	ssyncset.s32 @!p0 $0xFFFFF086;
	s6 =	sadd.s32 @!p0 s3, s7;
	s7 =	simm.s32 @!p0 $0x108  }
0x21: {  	s3 =	sadd.s32 s3, s9;
	s6 =	sadd.s32 @!p0 $0x88, s6;
	s7 =	simm.s32 @p2 $0x1082  }
0x22: {  	[simem:s7], [sflag:s8] =	dma.local @!p0 [hbm:s6], $0xF7A  }
0x23: {  	s9 =	sor.u32 $0xD0000000, s2;
	s6 =	simm.s32 $0x108;
	_ =	swait.ge @!p0 [sflag:s8], $0x0  }
0x24: {  	s3 =	sadd.s32 $0x88, s3;
	s6 =	simm.s32 @!p1 $0x1082;
	[sflag:s4] =	ssyncset.s32 $0xFFFFF086  }
0x25: {  	[simem:s6], [sflag:s4] =	dma.local [hbm:s3], $0xF7A  }
0x26: {  	[smem:$0x3F96] =	sst s1;
	(tag) =	ssettag s2;
	_ =	strace s9  }
0x27: {  	s1 =	sld [smem:$0x3FA6]  }
0x28: {  	s2 =	sld [smem:$0x3FA7]  }
0x29: {  	s4 =	sld [smem:$0x3FA9]  }
0x2a: {  	p0 =	seq.s32 s5, $0x0;
	s5 =	sld [smem:$0x3FAA]  }
0x2b: {  	s6 =	sld [smem:$0x3FAB]  }
0x2c: {  	s7 =	sld [smem:$0x3FAC]  }
0x2d: {  	s3 =	simm.s32 $0x108;
	s8 =	sld [smem:$0x3FAD]  }
0x2e: {  	s3 =	simm.s32 @!p0 $0x1082;
	s9 =	sld [smem:$0x3FAE]  }
0x2f: {  	lr =	sadd.s32 s0, s3;
	s0 =	sld [smem:$0x3FA5]  }
0x30: {  	s3 =	sld [smem:$0x3FA8]  }
0x31: {  	[smem:$0x3FB1] =	sst s10  }
0x32: {  	s10 =	sld [smem:$0x3FAF];
	_ =	sdelay $0x3  }
0x33: {  	p0 =	seq.s32 s10, $0x1;
	s10 =	sld [smem:$0x3FB1];
	_ =	sdelay $0x3  }
0x34: {  	[smem:$0x3FB1] =	sst s10  }
0x35: {  	s10 =	sld [smem:$0x3FB0];
	_ =	sdelay $0x3  }
0x36: {  	p1 =	seq.s32 s10, $0x1;
	s10 =	sld [smem:$0x3FB1];
	_ =	sdelay $0x3  }
0x37: {  	[smem:$0x3FB1] =	sst s10  }
0x38: {  	s10 =	sld [smem:$0x3FB2]  }
0x39: {  	_ = 	snop;
	(pc) =	sbr.ind lr, $3  }
0x3a: {  	_ = 	snop  }
0x3b: {  	_ = 	snop  }
0x3c: {  	p2 =	seq.s32 s10, $0x1;
	s10 =	sld [smem:$0x3FB1]  }
0x3d: {  	_ =	shalt  }
0x3e: {  	_ =	shalt  }
0x3f: {  	_ =	shalt  }
0x40: {  	_ =	shalt  }
0x41: {  	_ =	shalt  }
0x42: {  	_ =	shalt  }
0x43: {  	_ =	shalt  }
0x44: {  	_ =	shalt  }
0x45: {  	_ =	shalt  }
0x46: {  	_ =	shalt  }
0x47: {  	_ =	shalt  }
0x48: {  	_ =	shalt  }
0x49: {  	_ =	shalt  }
0x4a: {  	_ =	shalt  }
0x4b: {  	_ =	shalt  }
0x4c: {  	_ =	shalt  }
0x4d: {  	_ =	shalt  }
0x4e: {  	_ =	shalt  }
0x4f: {  	_ =	shalt  }
0x50: {  	_ =	shalt  }
0x51: {  	_ =	shalt  }
0x52: {  	_ =	shalt  }
0x53: {  	_ =	shalt  }
0x54: {  	_ =	shalt  }
0x55: {  	_ =	shalt  }
0x56: {  	_ =	shalt  }
0x57: {  	_ =	shalt  }
0x58: {  	_ =	shalt  }
0x59: {  	_ =	shalt  }
0x5a: {  	_ =	shalt  }
0x5b: {  	_ =	shalt  }
0x5c: {  	_ =	shalt  }
0x5d: {  	_ =	shalt  }
0x5e: {  	_ =	shalt  }
0x5f: {  	_ =	shalt  }
0x60: {  	_ =	shalt  }
0x61: {  	_ =	shalt  }
0x62: {  	_ =	shalt  }
0x63: {  	_ =	shalt  }
0x64: {  	_ =	shalt  }
0x65: {  	_ =	shalt  }
0x66: {  	_ =	shalt  }
0x67: {  	_ =	shalt  }
0x68: {  	_ =	shalt  }
0x69: {  	_ =	shalt  }
0x6a: {  	_ =	shalt  }
0x6b: {  	_ =	shalt  }
0x6c: {  	_ =	shalt  }
0x6d: {  	_ =	shalt  }
0x6e: {  	_ =	shalt  }
0x6f: {  	_ =	shalt  }
0x70: {  	_ =	shalt  }
0x71: {  	_ =	shalt  }
0x72: {  	_ =	shalt  }
0x73: {  	_ =	shalt  }
0x74: {  	_ =	shalt  }
0x75: {  	_ =	shalt  }
0x76: {  	_ =	shalt  }
0x77: {  	_ =	shalt  }
0x78: {  	_ =	shalt  }
0x79: {  	_ =	shalt  }
0x7a: {  	_ =	shalt  }
0x7b: {  	_ =	shalt  }
0x7c: {  	_ =	shalt  }
0x7d: {  	_ =	shalt  }
0x7e: {  	_ =	shalt  }
0x7f: {  	_ =	shalt  }
0x80: {  	_ =	shalt  }
0x81: {  	_ =	shalt  }
0x82: {  	_ =	shalt  }
0x83: {  	_ =	shalt  }
0x84: {  	_ =	shalt  }
0x85: {  	_ =	shalt  }
0x86: {  	_ =	shalt  }
0x87: {  	_ =	shalt  }
.Lfunc_end0:
.L_simem_size_0:
called_computation.1_lowered:
.L_overlay_start_0:
0x88: {  	s2 =	sld [smem:$0x3FD9]  }
0x89: {  	s3 =	sld [smem:$0x3FFE];
	_ =	sdelay $0x1  }
0x8a: {  	s1 =	srdreg.scid  }
0x8b: {  	s0 =	sand.u32 $0x1, s1  }
0x8c: {  	s17 =	sshll.u32 s0, $0xA;
	s2 =	sadd.s32 s3, s2  }
0x8d: {  	s2 =	sadd.s32 s2, s17  }
0x8e: {  	[smem:$0x3FBD] =	sst s2  }
0x8f: {  	_ = 	snop  }
0x90: {  	s2 =	sld [smem:$0x3FC9];
	(tm) =	ssettm $0x1  }
0x91: {  	s18 =	sld [smem:$0x3FFB];
	_ =	sdelay $0x3  }
0x92: {  	_ =	strace s18  }
0x93: {  	s3 =	sld [smem:$0x3FFC];
	_ =	sdelay $0x3  }
0x94: {  	_ =	strace s3  }
0x95: {  	s3 =	sld [smem:$0x3FFD];
	_ =	sdelay $0x3  }
0x96: {  	_ =	strace s3  }
0x97: {  	_ =	strace $0x8FFFFFFF  }
0x98: {  	s19 =	sld [smem:$0x3FDB];
	_ =	sdelay $0x1  }
0x99: {  	s4 =	simm.s32 $_scs_section_size  }
0x9a: {  	s5 =	simm.s32 $_size__tile_overlayer_lowered;
	s6 =	simm.s32 $_tile_overlayer_lowered  }
0x9b: {  	s22 =	simm.s32 $0x1BFF;
	s21 =	sshll.u32 s6, $0x1;
	s3 =	sadd.s32 s4, s19  }
0x9c: {  	s7 =	simm.s32 $0x0;
	s20 =	sshll.u32 s5, $0x1;
	s5 =	sadd.s32 s21, s3  }
0x9d: {  	[timem:s7], [sflag:s22] =	dma.local [hbm:s5], s20  }
0x9e: {  	_ =	swait.ge [sflag:s22], s20  }
0x9f: {  	s4 =	ssub.s32 $0x0, s20;
	[sflag:s22] =	ssyncset.done $0x0  }
0xa0: {  	[sflag:s22] =	ssyncadd.s32 s4;
	_ =	sdelay $0x1  }
0xa1: {  	s23 =	simm.s32 $0x1B8B  }
0xa2: {  	_ =	swait.ge [sflag:s23], $0x1  }
0xa3: {  	[sflag:s23] =	ssyncset.done $0x0  }
0xa4: {  	s25 =	simm.s32 $0x1B8E;
	s24 =	sld [smem:$0x3FFE];
	[sflag:s23] =	ssyncadd.s32 $0xFFFFFFFF  }
0xa5: {  	s26 =	simm.s32 $execute0_lowered;
	[smem:$0x3FD2] =	sst s25  }
0xa6: {  	s5 =	sshll.u32 s26, $0x1;
	_ =	strace $0x80000046;
	[dreg:$0x1] =	wrdreg $0xFFFFFFFF  }
0xa7: {  	s28 =	simm.s32 $_size_execute0_lowered;
	s3 =	sadd.s32 s3, s5;
	[dreg:$0x0] =	wrdreg $0x0  }
0xa8: {  	s5 =	sshll.u32 s28, $0x1;
	[dreg:$0x2] =	wrdreg s3  }
0xa9: {  	[dreg:$0x3] =	wrdreg s5  }
0xaa: {  	[dreg:$0x4] =	wrdreg $0xC0  }
0xab: {  	_ =	task [dreg:s7], $0x5FFFF  }
0xac: {  	[dreg:$0x1] =	wrdreg $0xFFFFFFFF  }
0xad: {  	[dreg:$0x0] =	wrdreg $0x60  }
0xae: {  	[dreg:$0x2] =	wrdreg s2  }
0xaf: {  	[dreg:$0x3] =	wrdreg s24  }
0xb0: {  	[dreg:$0x4] =	wrdreg $0x0  }
0xb1: {  	[dreg:$0x5] =	wrdreg $0xA  }
0xb2: {  	_ =	task.clear_ibuf [dreg:s7], $0x6FFFF;
	_ =	strace $0x90000046  }
0xb3: {  	s29 =	simm.s32 $0xA;
	_ =	strace $0x80000048  }
0xb4: {  	_ =	swait.ge [sflag:s29], $0x1  }
0xb5: {  	[sflag:s29] =	ssyncadd.s32 $0xFFFFFFFF  }
0xb6: {  	_ =	strace $0x90000048  }
0xb7: {  	_ =	sfence  }
0xb8: {  	s30 =	sld [smem:$0x0];
	_ =	sdelay $0x2  }
0xb9: {  	s31 =	sshll.u32 s1, $0xD;
	s1 =	sshrl.u32 s1, $0x2  }
0xba: {  	s3 =	sand.u32 $0x4000, s31;
	s1 =	sadd.s32 s1, s30  }
0xbb: {  	s0 =	sor.u32 s3, s0;
	s1 =	sshll.u32 s1, $0x11  }
0xbc: {  	s0 =	sor.u32 s1, s0  }
0xbd: {  	s0 =	sadd.s32 $0x8F2B, s0  }
0xbe: {  	[sflag:s0] =	ssyncadd.remote.s32 $0x1  }
0xbf: {  	_ =	sfence.sel $0xFFFF  }
0xc0: {  	[dreg:$0x0] =	wrdreg $0xFFFFFFFF;
	(pc) =	sbr.abs _section_cstart, $3  }
0xc1: {  	[dreg:$0x1] =	wrdreg $0xFFFFFFFF  }
0xc2: {  	_ =	task.clear_ibuf [dreg:s7], $0x2FFFF;
	_ =	strace $0x9FFFFFFF  }
0xc3: {  	(tm) =	ssettm $0x7FFFFFFF  }
tec
execute0_lowered:
.L_overlay_start_1:
0x0: {  	(tag) =	ssettag $0x1  }
0x1: {  	s0 =	srdreg.scid;
	s18 =	stileid.u32  }
0x2: {  	s6 =	rddreg [dreg:$0x1];
	s1 =	sand.u32 $0x1, s0;
	s5 =	smul.u32 $0x280, s18  }
0x3: {  	s9 =	sadd.s32 $0x2A400, s6;
	s26 =	sadd.s32 $0x16800, s6;
	s6 =	sadd.s32 $0x2C00, s6  }
0x4: {  	s0 =	sshll.u32 s1, $0x4;
	s28 =	ssub.s32 $0x2, s1;
	s8 =	smul.u32 $0x2800, s1  }
0x5: {  	s1 =	smul.u32 $0x9E00, s1;
	s2 =	sor.u32 s18, s0;
	s7 =	sshrl.u32 s28, $0x1  }
0x6: {  	s11 =	sadd.s32 $0x80, s5;
	s12 =	sadd.s32 $0xC0, s5;
	s3 =	smul.u32 $0x4F00, s2  }
0x7: {  	s22 =	sadd.s32 $0x200, s5;
	s4 =	smul.u32 $0x300, s2;
	s0 =	ssub.s32 s28, s7  }
0x8: {  	s29 =	sadd.s32 s8, s5;
	s7 =	sor.u32 $0x40, s5;
	s10 =	sadd.s32 s8, s11  }
0x9: {  	s13 =	sadd.s32 s8, s12;
	s23 =	sadd.s32 s8, s22;
	s2 =	smul.u32 $0x9E0, s2  }
0xa: {  	s12 =	sshll.u32 s12, $0x7;
	s30 =	sshll.u32 s29, $0x4;
	s31 =	sadd.s32 s8, s7  }
0xb: {  	s10 =	sshll.u32 s10, $0x4;
	s14 =	sshll.u32 s13, $0x4;
	s13 =	sadd.s32 $0x100, s5  }
0xc: {  	s24 =	sshll.u32 s23, $0x4;
	s29 =	smul.u32 $0x50000, s18;
	s0 =	smax.u32 s0, $0x1  }
0xd: {  	s3 =	sand.u32 $0xFFC00, s3;
	s4 =	sand.u32 $0x300, s4;
	s15 =	sadd.s32 s8, s13  }
0xe: {  	s2 =	sadd.s32 $0x9D0, s2;
	s3 =	sor.u32 s4, s3;
	s4 =	sadd.s32 s9, s30  }
0xf: {  	s13 =	sshll.u32 s13, $0x7;
	s30 =	sadd.s32 s26, s2;
	[dreg:$0x4] =	wrdreg s4  }
0x10: {  	s2 =	sadd.s32 s6, s2;
	s4 =	sshll.u32 s31, $0x4;
	[dreg:$0x10] =	wrdreg s30  }
0x11: {  	s3 =	sshrl.u32 s3, $0x3;
	[dreg:$0x11] =	wrdreg s2;
	s31 =	smul.u32 $0x9E0, s18  }
0x12: {  	s18 =	rddreg [dreg:$0x2];
	s4 =	sadd.s32 s9, s4;
	s28 =	sadd.s32 s26, s3  }
0x13: {  	s3 =	sadd.s32 s6, s3;
	s6 =	sadd.s32 s1, s6;
	[dreg:$0x5] =	wrdreg s4  }
0x14: {  	s1 =	sadd.s32 s1, s26;
	s4 =	sadd.s32 s9, s10;
	[dreg:$0xe] =	wrdreg s28  }
0x15: {  	s10 =	simm.s32 $0x0;
	[dreg:$0xf] =	wrdreg s3;
	s3 =	sshrl.u32 s29, $0x2  }
0x16: {  	s28 =	sshll.u32 s22, $0x7;
	s22 =	simm.s32 $0x16180;
	[dreg:$0x6] =	wrdreg s4  }
0x17: {  	s4 =	sadd.s32 s9, s14;
	s14 =	sadd.s32 $0x140, s5;
	[smem:$0x7FF] =	sst s10  }
0x18: {  	s29 =	sadd.s32 s28, s18;
	[dreg:$0x7] =	wrdreg s4;
	s4 =	sshll.u32 s15, $0x4  }
0x19: {  	s16 =	sadd.s32 s8, s14;
	s15 =	sadd.s32 $0x180, s5;
	s23 =	sshll.u32 s14, $0x7  }
0x1a: {  	s4 =	sadd.s32 s9, s4;
	s17 =	sshll.u32 s16, $0x4;
	s16 =	rddreg [dreg:$0x0]  }
0x1b: {  	s14 =	simm.s32 $0x40;
	s19 =	sadd.s32 s8, s15;
	[dreg:$0x8] =	wrdreg s4  }
0x1c: {  	s4 =	sadd.s32 s9, s17;
	s20 =	sshll.u32 s19, $0x4;
	s17 =	sadd.s32 $0x1C0, s5  }
0x1d: {  	s5 =	sadd.s32 $0x240, s5;
	s19 =	sadd.s32 s31, s6;
	[dreg:$0x9] =	wrdreg s4  }
0x1e: {  	s4 =	sadd.s32 s9, s20;
	s21 =	sadd.s32 s8, s17;
	s8 =	sadd.s32 s8, s5  }
0x1f: {  	s20 =	sadd.s32 s31, s1;
	s26 =	sshll.u32 s17, $0x7;
	s30 =	sshll.u32 s5, $0x7  }
0x20: {  	[dreg:$0xa] =	wrdreg s4;
	s4 =	sshll.u32 s21, $0x4;
	s25 =	sshll.u32 s8, $0x4  }
0x21: {  	s21 =	sadd.s32 s3, s18;
	s8 =	sshll.u32 s7, $0x7;
	s4 =	sadd.s32 s9, s4  }
0x22: {  	s31 =	sadd.s32 $0x2000, s21;
	s1 =	sadd.s32 $0x4000, s21;
	s2 =	sadd.s32 $0x6000, s21  }
0x23: {  	s3 =	sadd.s32 $0x8000, s21;
	[dreg:$0xb] =	wrdreg s4;
	s4 =	sadd.s32 s9, s24  }
0x24: {  	s5 =	sadd.s32 $0xC000, s21;
	[dreg:$0xc] =	wrdreg s4;
	s4 =	sadd.s32 s9, s25  }
0x25: {  	s6 =	sadd.s32 $0xE000, s21;
	s9 =	sshll.u32 s11, $0x7;
	[dreg:$0xd] =	wrdreg s4  }
0x26: {  	s11 =	sadd.s32 s9, s18;
	_ =	strace $0x80000047;
	[dreg:$0x12] =	wrdreg s0  }
0x27: {  	s7 =	sadd.s32 $0x10000, s21;
	s24 =	sadd.s32 s23, s18;
	[dreg:$0x14] =	wrdreg s11  }
0x28: {  	s23 =	simm.s32 $0x16200;
	s25 =	sshll.u32 s15, $0x7;
	[dreg:$0x17] =	wrdreg s24  }
0x29: {  	s15 =	simm.s32 $0x16100;
	s4 =	sadd.s32 $0xA000, s21;
	[dreg:$0x1a] =	wrdreg s29  }
0x2a: {  	s9 =	simm.s32 $0x14100;
	s0 =	sadd.s32 s8, s18;
	[dreg:$0x1c] =	wrdreg s31  }
0x2b: {  	s8 =	sadd.s32 $0x12000, s21;
	[dreg:$0x13] =	wrdreg s0;
	s0 =	sadd.s32 s12, s18  }
0x2c: {  	s11 =	simm.s32 $0x3;
	[dreg:$0x15] =	wrdreg s0;
	s0 =	sadd.s32 s13, s18  }
0x2d: {  	s24 =	simm.s32 $0x1;
	[dreg:$0x16] =	wrdreg s0;
	s0 =	sadd.s32 s25, s18  }
0x2e: {  	s12 =	simm.s32 $0x14000;
	[dreg:$0x18] =	wrdreg s0;
	s0 =	sadd.s32 s26, s18  }
0x2f: {  	s13 =	simm.s32 $0x14080;
	[dreg:$0x19] =	wrdreg s0;
	s0 =	sadd.s32 s30, s18  }
0x30: {  	v0 =	vimm.f32 $0.0e+00;
	s25 =	simm.s32 $0x2;
	s26 =	simm.s32 $0x0;
	[dreg:$0x1b] =	wrdreg s0  }
.LBB2_1:
0x31: {  	s28 =	simm.s32 $0x0;
	s29 =	simm.s32 $0x200  }
.LBB2_2:
0x32: {  	p0 =	sne.s32 s29, $0x7E00;
	[tilespmem:s28+$0x14170] =	vst v0  }
0x33: {  	[tilespmem:s28+$0x14100] =	vst v0  }
0x34: {  	[tilespmem:s28+$0x14110] =	vst v0  }
.Ltmp0:
0x35: {  	[tilespmem:s28+$0x14120] =	vst v0;
	(pc) =	sbr.rel @p0 .LBB2_2-.Ltmp0, $4  }
0x36: {  	[tilespmem:s28+$0x14130] =	vst v0  }
0x37: {  	[tilespmem:s28+$0x14140] =	vst v0  }
0x38: {  	[tilespmem:s28+$0x14150] =	vst v0  }
0x39: {  	[tilespmem:s28+$0x14160] =	vst v0;
	s28 =	sshra.s32 s29, $0x2;
	s29 =	sadd.s32 $0x200, s29  }
0x3a: {  	[tilespmem:s28+$0x14170] =	vst v0  }
0x3b: {  	[tilespmem:s28+$0x14100] =	vst v0  }
0x3c: {  	[tilespmem:s28+$0x14110] =	vst v0  }
0x3d: {  	[tilespmem:s28+$0x14120] =	vst v0  }
0x3e: {  	[tilespmem:s28+$0x14130] =	vst v0  }
0x3f: {  	[tilespmem:s28+$0x14140] =	vst v0  }
0x40: {  	[tilespmem:s28+$0x14150] =	vst v0  }
0x41: {  	[tilespmem:s28+$0x14160] =	vst v0  }
0x42: {  	[spmem:s21] =	stream.linear.scatter [tilespmem:s9], [sflag:$0x3], $0x2000, $0x38;
	[tilespmem:$0x18200] =	vst v63  }
0x43: {  	_ =	swait.ge [sflag:s11], $0x2000  }
0x44: {  	[sflag:s11] =	ssyncset.done $0x0  }
0x45: {  	s0 =	rddreg [dreg:$0x1c];
	[sflag:s11] =	ssyncadd.s32 $0xFFFFE000  }
0x46: {  	[spmem:s0] =	stream.linear.scatter [tilespmem:s9], [sflag:$0x3], $0x2000, $0x38;
	[tilespmem:$0x18200] =	vst v63  }
0x47: {  	_ =	swait.ge [sflag:s11], $0x2000  }
0x48: {  	[sflag:s11] =	ssyncset.done $0x0  }
0x49: {  	[sflag:s11] =	ssyncadd.s32 $0xFFFFE000  }
0x4a: {  	[spmem:s1] =	stream.linear.scatter [tilespmem:s9], [sflag:$0x3], $0x2000, $0x38;
	[tilespmem:$0x18200] =	vst v63  }
0x4b: {  	_ =	swait.ge [sflag:s11], $0x2000  }
0x4c: {  	[sflag:s11] =	ssyncset.done $0x0  }
0x4d: {  	[sflag:s11] =	ssyncadd.s32 $0xFFFFE000  }
0x4e: {  	[spmem:s2] =	stream.linear.scatter [tilespmem:s9], [sflag:$0x3], $0x2000, $0x38;
	[tilespmem:$0x18200] =	vst v63  }
0x4f: {  	_ =	swait.ge [sflag:s11], $0x2000  }
0x50: {  	[sflag:s11] =	ssyncset.done $0x0  }
0x51: {  	[sflag:s11] =	ssyncadd.s32 $0xFFFFE000  }
0x52: {  	[spmem:s3] =	stream.linear.scatter [tilespmem:s9], [sflag:$0x3], $0x2000, $0x38;
	[tilespmem:$0x18200] =	vst v63  }
0x53: {  	_ =	swait.ge [sflag:s11], $0x2000  }
0x54: {  	[sflag:s11] =	ssyncset.done $0x0  }
0x55: {  	[sflag:s11] =	ssyncadd.s32 $0xFFFFE000  }
0x56: {  	[spmem:s4] =	stream.linear.scatter [tilespmem:s9], [sflag:$0x3], $0x2000, $0x38;
	[tilespmem:$0x18200] =	vst v63  }
0x57: {  	_ =	swait.ge [sflag:s11], $0x2000  }
0x58: {  	[sflag:s11] =	ssyncset.done $0x0  }
0x59: {  	[sflag:s11] =	ssyncadd.s32 $0xFFFFE000  }
0x5a: {  	[spmem:s5] =	stream.linear.scatter [tilespmem:s9], [sflag:$0x3], $0x2000, $0x38;
	[tilespmem:$0x18200] =	vst v63  }
0x5b: {  	_ =	swait.ge [sflag:s11], $0x2000  }
0x5c: {  	[sflag:s11] =	ssyncset.done $0x0  }
0x5d: {  	[sflag:s11] =	ssyncadd.s32 $0xFFFFE000  }
0x5e: {  	[spmem:s6] =	stream.linear.scatter [tilespmem:s9], [sflag:$0x3], $0x2000, $0x38;
	[tilespmem:$0x18200] =	vst v63  }
0x5f: {  	_ =	swait.ge [sflag:s11], $0x2000  }
0x60: {  	[sflag:s11] =	ssyncset.done $0x0  }
0x61: {  	[sflag:s11] =	ssyncadd.s32 $0xFFFFE000  }
0x62: {  	[spmem:s7] =	stream.linear.scatter [tilespmem:s9], [sflag:$0x3], $0x2000, $0x38;
	[tilespmem:$0x18200] =	vst v63  }
0x63: {  	_ =	swait.ge [sflag:s11], $0x2000  }
0x64: {  	[sflag:s11] =	ssyncset.done $0x0  }
0x65: {  	[sflag:s11] =	ssyncadd.s32 $0xFFFFE000  }
0x66: {  	[spmem:s8] =	stream.linear.scatter [tilespmem:s9], [sflag:$0x3], $0x2000, $0x38;
	[tilespmem:$0x18200] =	vst v63  }
0x67: {  	_ =	swait.ge [sflag:s11], $0x2000  }
0x68: {  	[sflag:s11] =	ssyncset.done $0x0  }
0x69: {  	[sflag:s11] =	ssyncadd.s32 $0xFFFFE000  }
0x6a: {  	[bflag:$0x0] =	sbarrier.arrive $0xFFFF  }
0x6b: {  	s28 =	simm.s32 $0x0;
	s17 =	rddreg [dreg:$0xe]  }
0x6c: {  	[tilespmem:s12], [sflag:$0x3] =	stream.linear.gather [hbm4b:s17+s28], $0x80, $0x38;
	[tilespmem:$0x18200] =	vst v63  }
0x6d: {  	_ =	swait.ge [sflag:s11], $0x80  }
0x6e: {  	[sflag:s11] =	ssyncset.done $0x0  }
0x6f: {  	s31 =	rddreg [dreg:$0xf];
	[sflag:s11] =	ssyncadd.s32 $0xFFFFFF80  }
0x70: {  	[tilespmem:s13], [sflag:$0x3] =	stream.linear.gather [hbm4b:s31+s28], $0x80, $0x38;
	[tilespmem:$0x18200] =	vst v63  }
0x71: {  	_ =	swait.ge [sflag:s11], $0x80  }
0x72: {  	[sflag:s11] =	ssyncset.done $0x0  }
0x73: {  	s28 =	sadd.s32 $0x0, s20;
	[sflag:s11] =	ssyncadd.s32 $0xFFFFFF80  }
0x74: {  	[tilespmem:s9], [sflag:$0x1] =	stream.indirect.gather [hbm4b:s16+s14], $0x80, s12, s14, $0xb8;
	[tilespmem:$0x18200] =	vst v63  }
0x75: {  	s29 =	sadd.s32 $0x10, s28  }
0x76: {  	[tilespmem:s15], [sflag:$0x3] =	stream.linear.gather [hbm4b:s29+s10], $0x80, $0x38;
	[tilespmem:$0x18200] =	vst v63  }
0x77: {  	_ =	swait.ge [sflag:s11], $0x80  }
0x78: {  	s29 =	sadd.s32 $0x0, s19;
	[sflag:s11] =	ssyncset.done $0x0  }
0x79: {  	s30 =	sadd.s32 $0x10, s29;
	[sflag:s11] =	ssyncadd.s32 $0xFFFFFF80  }
0x7a: {  	[tilespmem:s22], [sflag:$0x3] =	stream.linear.gather [hbm4b:s30+s10], $0x80, $0x38;
	[tilespmem:$0x18200] =	vst v63  }
0x7b: {  	_ =	swait.ge [sflag:s11], $0x80  }
0x7c: {  	[sflag:s11] =	ssyncset.done $0x0  }
0x7d: {  	[sflag:s11] =	ssyncadd.s32 $0xFFFFFF80  }
0x7e: {  	[tilespmem:s23], [sflag:$0x2] =	stream.indirect.gather [hbm4b:s16+s14], $0x80, s15, s14, $0xb8;
	[tilespmem:$0x18200] =	vst v63  }
0x7f: {  	_ =	swait.ge [sflag:s24], $0x2000  }
0x80: {  	[sflag:s24] =	ssyncset.done $0x0  }
0x81: {  	[sflag:s24] =	ssyncadd.s32 $0xFFFFE000  }
0x82: {  	[spmem:s18] =	stream.indirect.scatter.add.f32 [tilespmem:s9], [sflag:$0x3], $0x80, s13, s14, $0xb8;
	[tilespmem:$0x18200] =	vst v63  }
0x83: {  	_ =	swait.ge [sflag:s11], $0x2000  }
0x84: {  	[sflag:s11] =	ssyncset.done $0x0  }
0x85: {  	s28 =	sadd.s32 $0x20, s28;
	[sflag:s11] =	ssyncadd.s32 $0xFFFFE000  }
0x86: {  	[tilespmem:s12], [sflag:$0x3] =	stream.linear.gather [hbm4b:s28+s10], $0x80, $0x38;
	[tilespmem:$0x18200] =	vst v63  }
0x87: {  	_ =	swait.ge [sflag:s11], $0x80  }
0x88: {  	[sflag:s11] =	ssyncset.done $0x0  }
0x89: {  	s28 =	sadd.s32 $0x20, s29;
	[sflag:s11] =	ssyncadd.s32 $0xFFFFFF80  }
0x8a: {  	[tilespmem:s13], [sflag:$0x3] =	stream.linear.gather [hbm4b:s28+s10], $0x80, $0x38;
	[tilespmem:$0x18200] =	vst v63  }
0x8b: {  	_ =	swait.ge [sflag:s11], $0x80  }
0x8c: {  	[sflag:s11] =	ssyncset.done $0x0  }
0x8d: {  	[sflag:s11] =	ssyncadd.s32 $0xFFFFFF80  }
0x8e: {  	[tilespmem:s9], [sflag:$0x1] =	stream.indirect.gather [hbm4b:s16+s14], $0x80, s12, s14, $0xb8;
	[tilespmem:$0x18200] =	vst v63  }
0x8f: {  	_ =	swait.ge [sflag:s25], $0x2000  }
0x90: {  	[sflag:s25] =	ssyncset.done $0x0  }
0x91: {  	[sflag:s25] =	ssyncadd.s32 $0xFFFFE000  }
0x92: {  	[spmem:s18] =	stream.indirect.scatter.add.f32 [tilespmem:s23], [sflag:$0x3], $0x80, s22, s14, $0xb8;
	[tilespmem:$0x18200] =	vst v63  }
0x93: {  	s30 =	sadd.s32 $0x20, s20;
	_ =	swait.ge [sflag:s11], $0x2000  }
0x94: {  	s29 =	simm.s32 $0x40;
	s28 =	simm.s32 $0x20;
	[sflag:s11] =	ssyncset.done $0x0  }
.LBB2_4:
0x95: {  	s17 =	sadd.s32 $0x10, s30  }
0x96: {  	[sflag:s11] =	ssyncadd.s32 $0xFFFFE000;
	s0 =	smov.u32 s29;
	s31 =	sadd.s32 $0x20, s29  }
0x97: {  	[tilespmem:s15], [sflag:$0x3] =	stream.linear.gather [hbm4b:s17+s10], $0x80, $0x38;
	[tilespmem:$0x18200] =	vst v63  }
0x98: {  	p0 =	sne.s32 s29, $0x9A0;
	_ =	swait.ge [sflag:s11], $0x80  }
0x99: {  	s17 =	sadd.s32 s28, s19;
	s28 =	smov.u32 s0;
	[sflag:s11] =	ssyncset.done $0x0  }
0x9a: {  	s0 =	sadd.s32 $0x10, s17;
	[sflag:s11] =	ssyncadd.s32 $0xFFFFFF80  }
0x9b: {  	[tilespmem:s22], [sflag:$0x3] =	stream.linear.gather [hbm4b:s0+s10], $0x80, $0x38;
	[tilespmem:$0x18200] =	vst v63  }
0x9c: {  	_ =	swait.ge [sflag:s11], $0x80  }
0x9d: {  	[sflag:s11] =	ssyncset.done $0x0  }
0x9e: {  	[sflag:s11] =	ssyncadd.s32 $0xFFFFFF80  }
0x9f: {  	[tilespmem:s23], [sflag:$0x2] =	stream.indirect.gather [hbm4b:s16+s14], $0x80, s15, s14, $0xb8;
	[tilespmem:$0x18200] =	vst v63  }
0xa0: {  	_ =	swait.ge [sflag:s24], $0x2000  }
0xa1: {  	[sflag:s24] =	ssyncset.done $0x0  }
0xa2: {  	[sflag:s24] =	ssyncadd.s32 $0xFFFFE000  }
0xa3: {  	[spmem:s18] =	stream.indirect.scatter.add.f32 [tilespmem:s9], [sflag:$0x3], $0x80, s13, s14, $0xb8;
	[tilespmem:$0x18200] =	vst v63  }
0xa4: {  	_ =	swait.ge [sflag:s11], $0x2000  }
0xa5: {  	[sflag:s11] =	ssyncset.done $0x0  }
0xa6: {  	s0 =	sadd.s32 $0x20, s30;
	[sflag:s11] =	ssyncadd.s32 $0xFFFFE000  }
0xa7: {  	[tilespmem:s12], [sflag:$0x3] =	stream.linear.gather [hbm4b:s0+s10], $0x80, $0x38;
	[tilespmem:$0x18200] =	vst v63  }
0xa8: {  	_ =	swait.ge [sflag:s11], $0x80  }
0xa9: {  	[sflag:s11] =	ssyncset.done $0x0  }
0xaa: {  	s0 =	sadd.s32 $0x20, s17;
	[sflag:s11] =	ssyncadd.s32 $0xFFFFFF80  }
0xab: {  	[tilespmem:s13], [sflag:$0x3] =	stream.linear.gather [hbm4b:s0+s10], $0x80, $0x38;
	[tilespmem:$0x18200] =	vst v63  }
0xac: {  	_ =	swait.ge [sflag:s11], $0x80  }
0xad: {  	[sflag:s11] =	ssyncset.done $0x0  }
0xae: {  	[sflag:s11] =	ssyncadd.s32 $0xFFFFFF80  }
0xaf: {  	[tilespmem:s9], [sflag:$0x1] =	stream.indirect.gather [hbm4b:s16+s14], $0x80, s12, s14, $0xb8;
	[tilespmem:$0x18200] =	vst v63  }
0xb0: {  	_ =	swait.ge [sflag:s25], $0x2000  }
.Ltmp1:
0xb1: {  	[sflag:s25] =	ssyncset.done $0x0;
	(pc) =	sbr.rel @p0 .LBB2_4-.Ltmp1, $4  }
0xb2: {  	[sflag:s25] =	ssyncadd.s32 $0xFFFFE000  }
0xb3: {  	[spmem:s18] =	stream.indirect.scatter.add.f32 [tilespmem:s23], [sflag:$0x3], $0x80, s22, s14, $0xb8;
	[tilespmem:$0x18200] =	vst v63  }
0xb4: {  	_ =	swait.ge [sflag:s11], $0x2000  }
0xb5: {  	s29 =	smov.u32 s31;
	s30 =	sadd.s32 s28, s20;
	[sflag:s11] =	ssyncset.done $0x0  }
0xb6: {  	s0 =	sadd.s32 $0x10, s30;
	[sflag:s11] =	ssyncadd.s32 $0xFFFFE000  }
0xb7: {  	[tilespmem:s15], [sflag:$0x3] =	stream.linear.gather [hbm4b:s0+s10], $0x80, $0x38;
	[tilespmem:$0x18200] =	vst v63  }
0xb8: {  	_ =	swait.ge [sflag:s11], $0x80  }
0xb9: {  	s28 =	sadd.s32 s28, s19;
	[sflag:s11] =	ssyncset.done $0x0  }
0xba: {  	s17 =	sadd.s32 $0x10, s28;
	[sflag:s11] =	ssyncadd.s32 $0xFFFFFF80  }
0xbb: {  	[tilespmem:s22], [sflag:$0x3] =	stream.linear.gather [hbm4b:s17+s10], $0x80, $0x38;
	[tilespmem:$0x18200] =	vst v63  }
0xbc: {  	_ =	swait.ge [sflag:s11], $0x80  }
0xbd: {  	[sflag:s11] =	ssyncset.done $0x0  }
0xbe: {  	[sflag:s11] =	ssyncadd.s32 $0xFFFFFF80  }
0xbf: {  	[tilespmem:s23], [sflag:$0x2] =	stream.indirect.gather [hbm4b:s16+s14], $0x80, s15, s14, $0xb8;
	[tilespmem:$0x18200] =	vst v63  }
0xc0: {  	_ =	swait.ge [sflag:s24], $0x2000  }
0xc1: {  	[sflag:s24] =	ssyncset.done $0x0  }
0xc2: {  	[sflag:s24] =	ssyncadd.s32 $0xFFFFE000  }
0xc3: {  	[spmem:s18] =	stream.indirect.scatter.add.f32 [tilespmem:s9], [sflag:$0x3], $0x80, s13, s14, $0xb8;
	[tilespmem:$0x18200] =	vst v63  }
0xc4: {  	_ =	swait.ge [sflag:s11], $0x2000  }
0xc5: {  	[sflag:s11] =	ssyncset.done $0x0  }
0xc6: {  	s29 =	sadd.s32 $0x20, s30;
	[sflag:s11] =	ssyncadd.s32 $0xFFFFE000  }
0xc7: {  	[tilespmem:s12], [sflag:$0x3] =	stream.linear.gather [hbm4b:s29+s10], $0x80, $0x38;
	[tilespmem:$0x18200] =	vst v63  }
0xc8: {  	_ =	swait.ge [sflag:s11], $0x80  }
0xc9: {  	[sflag:s11] =	ssyncset.done $0x0  }
0xca: {  	s0 =	sadd.s32 $0x20, s28;
	[sflag:s11] =	ssyncadd.s32 $0xFFFFFF80  }
0xcb: {  	[tilespmem:s13], [sflag:$0x3] =	stream.linear.gather [hbm4b:s0+s10], $0x80, $0x38;
	[tilespmem:$0x18200] =	vst v63  }
0xcc: {  	_ =	swait.ge [sflag:s11], $0x80  }
0xcd: {  	[sflag:s11] =	ssyncset.done $0x0  }
0xce: {  	[sflag:s11] =	ssyncadd.s32 $0xFFFFFF80  }
0xcf: {  	[tilespmem:s9], [sflag:$0x1] =	stream.indirect.gather [hbm4b:s16+s14], $0x80, s12, s14, $0xb8;
	[tilespmem:$0x18200] =	vst v63  }
0xd0: {  	_ =	swait.ge [sflag:s25], $0x2000  }
0xd1: {  	[sflag:s25] =	ssyncset.done $0x0  }
0xd2: {  	[sflag:s25] =	ssyncadd.s32 $0xFFFFE000  }
0xd3: {  	[spmem:s18] =	stream.indirect.scatter.add.f32 [tilespmem:s23], [sflag:$0x3], $0x80, s22, s14, $0xb8;
	[tilespmem:$0x18200] =	vst v63  }
0xd4: {  	_ =	swait.ge [sflag:s11], $0x2000  }
0xd5: {  	[sflag:s11] =	ssyncset.done $0x0  }
0xd6: {  	s30 =	rddreg [dreg:$0x10];
	[sflag:s11] =	ssyncadd.s32 $0xFFFFE000  }
0xd7: {  	[tilespmem:s15], [sflag:$0x3] =	stream.linear.gather [hbm4b:s30+s10], $0x80, $0x38;
	[tilespmem:$0x18200] =	vst v63  }
0xd8: {  	_ =	swait.ge [sflag:s11], $0x80  }
0xd9: {  	[sflag:s11] =	ssyncset.done $0x0  }
0xda: {  	s31 =	rddreg [dreg:$0x11];
	[sflag:s11] =	ssyncadd.s32 $0xFFFFFF80  }
0xdb: {  	[tilespmem:s22], [sflag:$0x3] =	stream.linear.gather [hbm4b:s31+s10], $0x80, $0x38;
	[tilespmem:$0x18200] =	vst v63  }
0xdc: {  	_ =	swait.ge [sflag:s11], $0x80  }
0xdd: {  	[sflag:s11] =	ssyncset.done $0x0  }
0xde: {  	[sflag:s11] =	ssyncadd.s32 $0xFFFFFF80  }
0xdf: {  	[tilespmem:s23], [sflag:$0x2] =	stream.indirect.gather [hbm4b:s16+s14], $0x80, s15, s14, $0xb8;
	[tilespmem:$0x18200] =	vst v63  }
0xe0: {  	_ =	swait.ge [sflag:s24], $0x2000  }
0xe1: {  	[sflag:s24] =	ssyncset.done $0x0  }
0xe2: {  	[sflag:s24] =	ssyncadd.s32 $0xFFFFE000  }
0xe3: {  	[spmem:s18] =	stream.indirect.scatter.add.f32 [tilespmem:s9], [sflag:$0x3], $0x80, s13, s14, $0xb8;
	[tilespmem:$0x18200] =	vst v63  }
0xe4: {  	_ =	swait.ge [sflag:s11], $0x2000  }
0xe5: {  	[sflag:s11] =	ssyncset.done $0x0  }
0xe6: {  	[sflag:s11] =	ssyncadd.s32 $0xFFFFE000  }
0xe7: {  	_ =	swait.ge [sflag:s25], $0x2000  }
0xe8: {  	[sflag:s25] =	ssyncset.done $0x0  }
0xe9: {  	[sflag:s25] =	ssyncadd.s32 $0xFFFFE000  }
0xea: {  	[spmem:s18] =	stream.indirect.scatter.add.f32 [tilespmem:s23], [sflag:$0x3], $0x80, s22, s14, $0xb8;
	[tilespmem:$0x18200] =	vst v63  }
0xeb: {  	_ =	swait.ge [sflag:s11], $0x2000  }
0xec: {  	[sflag:s11] =	ssyncset.done $0x0  }
0xed: {  	[sflag:s11] =	ssyncadd.s32 $0xFFFFE000  }
0xee: {  	[bflag:$0x0] =	sbarrier.arrive $0xFFFF  }
0xef: {  	[tilespmem:s9], [sflag:$0x3] =	stream.linear.gather [spmem:s21], $0x2000, $0x38;
	[tilespmem:$0x18200] =	vst v63  }
0xf0: {  	_ =	swait.ge [sflag:s11], $0x2000  }
0xf1: {  	[sflag:s11] =	ssyncset.done $0x0  }
0xf2: {  	s17 =	rddreg [dreg:$0x4];
	[sflag:s11] =	ssyncadd.s32 $0xFFFFE000  }
0xf3: {  	[hbm4b:s17+s10] =	stream.linear.scatter [tilespmem:s9], [sflag:$0x3], $0x2000, $0x38;
	[tilespmem:$0x18200] =	vst v63  }
0xf4: {  	_ =	swait.ge [sflag:s11], $0x2000  }
0xf5: {  	[sflag:s11] =	ssyncset.done $0x0  }
0xf6: {  	s28 =	rddreg [dreg:$0x13];
	[sflag:s11] =	ssyncadd.s32 $0xFFFFE000  }
0xf7: {  	[tilespmem:s9], [sflag:$0x3] =	stream.linear.gather [spmem:s28], $0x2000, $0x38;
	[tilespmem:$0x18200] =	vst v63  }
0xf8: {  	_ =	swait.ge [sflag:s11], $0x2000  }
0xf9: {  	[sflag:s11] =	ssyncset.done $0x0  }
0xfa: {  	s29 =	rddreg [dreg:$0x5];
	[sflag:s11] =	ssyncadd.s32 $0xFFFFE000  }
0xfb: {  	[hbm4b:s29+s10] =	stream.linear.scatter [tilespmem:s9], [sflag:$0x3], $0x2000, $0x38;
	[tilespmem:$0x18200] =	vst v63  }
0xfc: {  	_ =	swait.ge [sflag:s11], $0x2000  }
0xfd: {  	[sflag:s11] =	ssyncset.done $0x0  }
0xfe: {  	s30 =	rddreg [dreg:$0x14];
	[sflag:s11] =	ssyncadd.s32 $0xFFFFE000  }
0xff: {  	[tilespmem:s9], [sflag:$0x3] =	stream.linear.gather [spmem:s30], $0x2000, $0x38;
	[tilespmem:$0x18200] =	vst v63  }
0x100: {  	_ =	swait.ge [sflag:s11], $0x2000  }
0x101: {  	[sflag:s11] =	ssyncset.done $0x0  }
0x102: {  	s31 =	rddreg [dreg:$0x6];
	[sflag:s11] =	ssyncadd.s32 $0xFFFFE000  }
0x103: {  	[hbm4b:s31+s10] =	stream.linear.scatter [tilespmem:s9], [sflag:$0x3], $0x2000, $0x38;
	[tilespmem:$0x18200] =	vst v63  }
0x104: {  	_ =	swait.ge [sflag:s11], $0x2000  }
0x105: {  	[sflag:s11] =	ssyncset.done $0x0  }
0x106: {  	s17 =	rddreg [dreg:$0x15];
	[sflag:s11] =	ssyncadd.s32 $0xFFFFE000  }
0x107: {  	[tilespmem:s9], [sflag:$0x3] =	stream.linear.gather [spmem:s17], $0x2000, $0x38;
	[tilespmem:$0x18200] =	vst v63  }
0x108: {  	_ =	swait.ge [sflag:s11], $0x2000  }
0x109: {  	[sflag:s11] =	ssyncset.done $0x0  }
0x10a: {  	s28 =	rddreg [dreg:$0x7];
	[sflag:s11] =	ssyncadd.s32 $0xFFFFE000  }
0x10b: {  	[hbm4b:s28+s10] =	stream.linear.scatter [tilespmem:s9], [sflag:$0x3], $0x2000, $0x38;
	[tilespmem:$0x18200] =	vst v63  }
0x10c: {  	_ =	swait.ge [sflag:s11], $0x2000  }
0x10d: {  	[sflag:s11] =	ssyncset.done $0x0  }
0x10e: {  	s29 =	rddreg [dreg:$0x16];
	[sflag:s11] =	ssyncadd.s32 $0xFFFFE000  }
0x10f: {  	[tilespmem:s9], [sflag:$0x3] =	stream.linear.gather [spmem:s29], $0x2000, $0x38;
	[tilespmem:$0x18200] =	vst v63  }
0x110: {  	_ =	swait.ge [sflag:s11], $0x2000  }
0x111: {  	[sflag:s11] =	ssyncset.done $0x0  }
0x112: {  	s30 =	rddreg [dreg:$0x8];
	[sflag:s11] =	ssyncadd.s32 $0xFFFFE000  }
0x113: {  	[hbm4b:s30+s10] =	stream.linear.scatter [tilespmem:s9], [sflag:$0x3], $0x2000, $0x38;
	[tilespmem:$0x18200] =	vst v63  }
0x114: {  	_ =	swait.ge [sflag:s11], $0x2000  }
0x115: {  	[sflag:s11] =	ssyncset.done $0x0  }
0x116: {  	s31 =	rddreg [dreg:$0x17];
	[sflag:s11] =	ssyncadd.s32 $0xFFFFE000  }
0x117: {  	[tilespmem:s9], [sflag:$0x3] =	stream.linear.gather [spmem:s31], $0x2000, $0x38;
	[tilespmem:$0x18200] =	vst v63  }
0x118: {  	_ =	swait.ge [sflag:s11], $0x2000  }
0x119: {  	[sflag:s11] =	ssyncset.done $0x0  }
0x11a: {  	s17 =	rddreg [dreg:$0x9];
	[sflag:s11] =	ssyncadd.s32 $0xFFFFE000  }
0x11b: {  	[hbm4b:s17+s10] =	stream.linear.scatter [tilespmem:s9], [sflag:$0x3], $0x2000, $0x38;
	[tilespmem:$0x18200] =	vst v63  }
0x11c: {  	_ =	swait.ge [sflag:s11], $0x2000  }
0x11d: {  	[sflag:s11] =	ssyncset.done $0x0  }
0x11e: {  	s28 =	rddreg [dreg:$0x18];
	[sflag:s11] =	ssyncadd.s32 $0xFFFFE000  }
0x11f: {  	[tilespmem:s9], [sflag:$0x3] =	stream.linear.gather [spmem:s28], $0x2000, $0x38;
	[tilespmem:$0x18200] =	vst v63  }
0x120: {  	_ =	swait.ge [sflag:s11], $0x2000  }
0x121: {  	[sflag:s11] =	ssyncset.done $0x0  }
0x122: {  	s29 =	rddreg [dreg:$0xa];
	[sflag:s11] =	ssyncadd.s32 $0xFFFFE000  }
0x123: {  	[hbm4b:s29+s10] =	stream.linear.scatter [tilespmem:s9], [sflag:$0x3], $0x2000, $0x38;
	[tilespmem:$0x18200] =	vst v63  }
0x124: {  	_ =	swait.ge [sflag:s11], $0x2000  }
0x125: {  	[sflag:s11] =	ssyncset.done $0x0  }
0x126: {  	s30 =	rddreg [dreg:$0x19];
	[sflag:s11] =	ssyncadd.s32 $0xFFFFE000  }
0x127: {  	[tilespmem:s9], [sflag:$0x3] =	stream.linear.gather [spmem:s30], $0x2000, $0x38;
	[tilespmem:$0x18200] =	vst v63  }
0x128: {  	_ =	swait.ge [sflag:s11], $0x2000  }
0x129: {  	[sflag:s11] =	ssyncset.done $0x0  }
0x12a: {  	s31 =	rddreg [dreg:$0xb];
	[sflag:s11] =	ssyncadd.s32 $0xFFFFE000  }
0x12b: {  	[hbm4b:s31+s10] =	stream.linear.scatter [tilespmem:s9], [sflag:$0x3], $0x2000, $0x38;
	[tilespmem:$0x18200] =	vst v63  }
0x12c: {  	_ =	swait.ge [sflag:s11], $0x2000  }
0x12d: {  	[sflag:s11] =	ssyncset.done $0x0  }
0x12e: {  	s17 =	rddreg [dreg:$0x1a];
	[sflag:s11] =	ssyncadd.s32 $0xFFFFE000  }
0x12f: {  	[tilespmem:s9], [sflag:$0x3] =	stream.linear.gather [spmem:s17], $0x2000, $0x38;
	[tilespmem:$0x18200] =	vst v63  }
0x130: {  	_ =	swait.ge [sflag:s11], $0x2000  }
0x131: {  	[sflag:s11] =	ssyncset.done $0x0  }
0x132: {  	s28 =	rddreg [dreg:$0xc];
	[sflag:s11] =	ssyncadd.s32 $0xFFFFE000  }
0x133: {  	[hbm4b:s28+s10] =	stream.linear.scatter [tilespmem:s9], [sflag:$0x3], $0x2000, $0x38;
	[tilespmem:$0x18200] =	vst v63  }
0x134: {  	_ =	swait.ge [sflag:s11], $0x2000  }
0x135: {  	[sflag:s11] =	ssyncset.done $0x0  }
0x136: {  	s29 =	rddreg [dreg:$0x1b];
	[sflag:s11] =	ssyncadd.s32 $0xFFFFE000  }
0x137: {  	[tilespmem:s9], [sflag:$0x3] =	stream.linear.gather [spmem:s29], $0x2000, $0x38;
	[tilespmem:$0x18200] =	vst v63  }
0x138: {  	_ =	swait.ge [sflag:s11], $0x2000  }
0x139: {  	[sflag:s11] =	ssyncset.done $0x0  }
0x13a: {  	s30 =	rddreg [dreg:$0xd];
	[sflag:s11] =	ssyncadd.s32 $0xFFFFE000  }
0x13b: {  	[hbm4b:s30+s10] =	stream.linear.scatter [tilespmem:s9], [sflag:$0x3], $0x2000, $0x38;
	[tilespmem:$0x18200] =	vst v63  }
0x13c: {  	_ =	swait.ge [sflag:s11], $0x2000  }
0x13d: {  	s26 =	sadd.s32 $0x1, s26;
	s31 =	rddreg [dreg:$0x12]  }
0x13e: {  	p0 =	sne.s32 s26, s31  }
.Ltmp2:
0x13f: {  	_ = 	snop;
	(pc) =	sbr.rel @p0 .LBB2_1-.Ltmp2, $3  }
0x140: {  	_ =	sdelay $0x1  }
0x141: {  	[sflag:s11] =	ssyncset.done $0x0  }
0x142: {  	[sflag:s11] =	ssyncadd.s32 $0xFFFFE000  }
0x143: {  	_ =	sfence.sel $0x180000  }
0x144: {  	[bflag:$0x0] =	sbarrier.arrive $0xFFFF  }
0x145: {  	_ =	strace $0x90000047  }
0x146: {  	s0 =	stileid.u32;
	[bflag:$0x2] =	sbarrier.arrive $0xFFFF  }
0x147: {  	p0 =	sne.s32 s0, $0x0;
	s0 =	rddreg [dreg:$0x3]  }
0x148: {  	s0 =	sadd.s32 @!p0 $0x100000, s0  }
0x149: {  	[sflag:s0] =	ssyncadd.tile.s32 @!p0 $0x1;
	_ =	shalt  }
.Lfunc_end2:
_tile_overlayer_lowered:
.L_overlay_start_2:
0x14a: {  	(tag) =	ssettag $0x2  }
0x14b: {  	s0 =	rddreg [dreg:$0x0];
	s2 =	stileid.u32  }
0x14c: {  	s1 =	rddreg [dreg:$0x1];
	p0 =	sne.s32 s2, $0x0  }
0x14d: {  	s3 =	rddreg [dreg:$0x2];
	[bflag:$0x3] =	sbarrier.arrive $0xFFFF;
	s2 =	simm.s32 @!p0 $0x1C03  }
0x14e: {  	[timem:s3], [sflag:s2] =	dma.local @!p0 [hbm:s0], s1  }
0x14f: {  	s0 =	simm.s32 @!p0 $0x3  }
0x150: {  	_ =	swait.ge @!p0 [sflag:s0], s1  }
0x151: {  	s1 =	ssub.s32 @!p0 $0x0, s1;
	[sflag:s0] =	ssyncset.done @!p0 $0x0  }
0x152: {  	[sflag:s0] =	ssyncadd.s32 @!p0 s1  }
0x153: {  	[bflag:$0x3] =	sbarrier.arrive $0xFFFF  }
0x154: {  	_ =	shalt  }

// kernel: kernel.15.cloned.1.call-start
scs
__scs_entry_jumppad:
0x0: {  	(pc) =	sbr.rel $0x88, $3  }
0x1: {  	(tag) =	ssettag $0x0;
	lr =	simm.s32 $0x1  }
0x2: {  	[smem:$0x3F96] =	sst lr;
	_ =	strace $0xD0000000  }
0x3: {  	_ = 	snop  }
0x4: {  	_ = 	snop  }
0x5: {  	_ = 	snop  }
0x6: {  	_ = 	snop  }
0x7: {  	_ = 	snop  }
__scs_overlays_trampoline_lowered:
0x8: {  	[smem:$0x3FA5] =	sst s0  }
0x9: {  	[smem:$0x3FA6] =	sst s1  }
0xa: {  	[smem:$0x3FA7] =	sst s2  }
0xb: {  	[smem:$0x3FA8] =	sst s3  }
0xc: {  	[smem:$0x3FA9] =	sst s4  }
0xd: {  	[smem:$0x3FAA] =	sst s5  }
0xe: {  	[smem:$0x3FAB] =	sst s6  }
0xf: {  	[smem:$0x3FAC] =	sst s7  }
0x10: {  	[smem:$0x3FAD] =	sst s8  }
0x11: {  	[smem:$0x3FAE] =	sst s9;
	s0 =	simm.s32 @!p0 $0x0  }
0x12: {  	s1 =	sld [smem:$0x3F94];
	s0 =	simm.s32 @p0 $0x1  }
0x13: {  	[smem:$0x3FAF] =	sst s0;
	s0 =	simm.s32 @!p1 $0x0  }
0x14: {  	s2 =	sld [smem:$0x3F93];
	s0 =	simm.s32 @p1 $0x1  }
0x15: {  	[smem:$0x3FB0] =	sst s0;
	s0 =	simm.s32 @!p2 $0x0  }
0x16: {  	s3 =	sld [smem:$0x3FDB];
	s0 =	simm.s32 @p2 $0x1  }
0x17: {  	s4 =	simm.s32 $0x1BF5;
	[smem:$0x3FB2] =	sst s0  }
0x18: {  	s0 =	sld [smem:$0x3F95];
	_ =	swait.ge [sflag:s4], $0x0  }
0x19: {  	s7 =	sld [smem:$0x3F96]  }
0x1a: {  	s8 =	sadd.s32 $0xFFFFE003, lr  }
0x1b: {  	s9 =	sadd.s32 $0xFFFFFEF7, lr;
	s5 =	simm.s32 $0xFFFFFFFF;
	p2 =	slt.u32 s8, $0xFFFFF086  }
0x1c: {  	p1 =	slt.u32 s9, $0xF7A;
	s5 =	simm.s32 @!p2 $0x0  }
0x1d: {  	s5 =	simm.s32 @p1 $0x1;
	p0 =	seq.s32 s7, s2  }
0x1e: {  	s7 =	smul.u32 @!p0 $0xF7A, s2;
	p2 =	seq.s32 @!p0 s5, $0x0  }
0x1f: {  	s9 =	smul.u32 $0xF7A, s1;
	s8 =	simm.s32 @!p0 $0x1BF5;
	p2 =	por !p2, p0  }
0x20: {  	[sflag:s8] =	ssyncset.s32 @!p0 $0xFFFFF086;
	s6 =	sadd.s32 @!p0 s3, s7;
	s7 =	simm.s32 @!p0 $0x108  }
0x21: {  	s3 =	sadd.s32 s3, s9;
	s6 =	sadd.s32 @!p0 $0x88, s6;
	s7 =	simm.s32 @p2 $0x1082  }
0x22: {  	[simem:s7], [sflag:s8] =	dma.local @!p0 [hbm:s6], $0xF7A  }
0x23: {  	s9 =	sor.u32 $0xD0000000, s2;
	s6 =	simm.s32 $0x108;
	_ =	swait.ge @!p0 [sflag:s8], $0x0  }
0x24: {  	s3 =	sadd.s32 $0x88, s3;
	s6 =	simm.s32 @!p1 $0x1082;
	[sflag:s4] =	ssyncset.s32 $0xFFFFF086  }
0x25: {  	[simem:s6], [sflag:s4] =	dma.local [hbm:s3], $0xF7A  }
0x26: {  	[smem:$0x3F96] =	sst s1;
	(tag) =	ssettag s2;
	_ =	strace s9  }
0x27: {  	s1 =	sld [smem:$0x3FA6]  }
0x28: {  	s2 =	sld [smem:$0x3FA7]  }
0x29: {  	s4 =	sld [smem:$0x3FA9]  }
0x2a: {  	p0 =	seq.s32 s5, $0x0;
	s5 =	sld [smem:$0x3FAA]  }
0x2b: {  	s6 =	sld [smem:$0x3FAB]  }
0x2c: {  	s7 =	sld [smem:$0x3FAC]  }
0x2d: {  	s3 =	simm.s32 $0x108;
	s8 =	sld [smem:$0x3FAD]  }
0x2e: {  	s3 =	simm.s32 @!p0 $0x1082;
	s9 =	sld [smem:$0x3FAE]  }
0x2f: {  	lr =	sadd.s32 s0, s3;
	s0 =	sld [smem:$0x3FA5]  }
0x30: {  	s3 =	sld [smem:$0x3FA8]  }
0x31: {  	[smem:$0x3FB1] =	sst s10  }
0x32: {  	s10 =	sld [smem:$0x3FAF];
	_ =	sdelay $0x3  }
0x33: {  	p0 =	seq.s32 s10, $0x1;
	s10 =	sld [smem:$0x3FB1];
	_ =	sdelay $0x3  }
0x34: {  	[smem:$0x3FB1] =	sst s10  }
0x35: {  	s10 =	sld [smem:$0x3FB0];
	_ =	sdelay $0x3  }
0x36: {  	p1 =	seq.s32 s10, $0x1;
	s10 =	sld [smem:$0x3FB1];
	_ =	sdelay $0x3  }
0x37: {  	[smem:$0x3FB1] =	sst s10  }
0x38: {  	s10 =	sld [smem:$0x3FB2]  }
0x39: {  	_ = 	snop;
	(pc) =	sbr.ind lr, $3  }
0x3a: {  	_ = 	snop  }
0x3b: {  	_ = 	snop  }
0x3c: {  	p2 =	seq.s32 s10, $0x1;
	s10 =	sld [smem:$0x3FB1]  }
0x3d: {  	_ =	shalt  }
0x3e: {  	_ =	shalt  }
0x3f: {  	_ =	shalt  }
0x40: {  	_ =	shalt  }
0x41: {  	_ =	shalt  }
0x42: {  	_ =	shalt  }
0x43: {  	_ =	shalt  }
0x44: {  	_ =	shalt  }
0x45: {  	_ =	shalt  }
0x46: {  	_ =	shalt  }
0x47: {  	_ =	shalt  }
0x48: {  	_ =	shalt  }
0x49: {  	_ =	shalt  }
0x4a: {  	_ =	shalt  }
0x4b: {  	_ =	shalt  }
0x4c: {  	_ =	shalt  }
0x4d: {  	_ =	shalt  }
0x4e: {  	_ =	shalt  }
0x4f: {  	_ =	shalt  }
0x50: {  	_ =	shalt  }
0x51: {  	_ =	shalt  }
0x52: {  	_ =	shalt  }
0x53: {  	_ =	shalt  }
0x54: {  	_ =	shalt  }
0x55: {  	_ =	shalt  }
0x56: {  	_ =	shalt  }
0x57: {  	_ =	shalt  }
0x58: {  	_ =	shalt  }
0x59: {  	_ =	shalt  }
0x5a: {  	_ =	shalt  }
0x5b: {  	_ =	shalt  }
0x5c: {  	_ =	shalt  }
0x5d: {  	_ =	shalt  }
0x5e: {  	_ =	shalt  }
0x5f: {  	_ =	shalt  }
0x60: {  	_ =	shalt  }
0x61: {  	_ =	shalt  }
0x62: {  	_ =	shalt  }
0x63: {  	_ =	shalt  }
0x64: {  	_ =	shalt  }
0x65: {  	_ =	shalt  }
0x66: {  	_ =	shalt  }
0x67: {  	_ =	shalt  }
0x68: {  	_ =	shalt  }
0x69: {  	_ =	shalt  }
0x6a: {  	_ =	shalt  }
0x6b: {  	_ =	shalt  }
0x6c: {  	_ =	shalt  }
0x6d: {  	_ =	shalt  }
0x6e: {  	_ =	shalt  }
0x6f: {  	_ =	shalt  }
0x70: {  	_ =	shalt  }
0x71: {  	_ =	shalt  }
0x72: {  	_ =	shalt  }
0x73: {  	_ =	shalt  }
0x74: {  	_ =	shalt  }
0x75: {  	_ =	shalt  }
0x76: {  	_ =	shalt  }
0x77: {  	_ =	shalt  }
0x78: {  	_ =	shalt  }
0x79: {  	_ =	shalt  }
0x7a: {  	_ =	shalt  }
0x7b: {  	_ =	shalt  }
0x7c: {  	_ =	shalt  }
0x7d: {  	_ =	shalt  }
0x7e: {  	_ =	shalt  }
0x7f: {  	_ =	shalt  }
0x80: {  	_ =	shalt  }
0x81: {  	_ =	shalt  }
0x82: {  	_ =	shalt  }
0x83: {  	_ =	shalt  }
0x84: {  	_ =	shalt  }
0x85: {  	_ =	shalt  }
0x86: {  	_ =	shalt  }
0x87: {  	_ =	shalt  }
.Lfunc_end0:
.L_simem_size_0:
called_computation.2_lowered:
.L_overlay_start_0:
0x88: {  	s2 =	sld [smem:$0x3FD9]  }
0x89: {  	s3 =	sld [smem:$0x3FFE];
	_ =	sdelay $0x1  }
0x8a: {  	s1 =	srdreg.scid  }
0x8b: {  	s0 =	sand.u32 $0x1, s1  }
0x8c: {  	s16 =	sshll.u32 s0, $0xA;
	s2 =	sadd.s32 s3, s2  }
0x8d: {  	s2 =	sadd.s32 s2, s16  }
0x8e: {  	[smem:$0x3FBD] =	sst s2  }
0x8f: {  	_ = 	snop  }
0x90: {  	(tm) =	ssettm $0x1  }
0x91: {  	s17 =	sld [smem:$0x3FFB];
	_ =	sdelay $0x3  }
0x92: {  	_ =	strace s17  }
0x93: {  	s2 =	sld [smem:$0x3FFC];
	_ =	sdelay $0x3  }
0x94: {  	_ =	strace s2  }
0x95: {  	s2 =	sld [smem:$0x3FFD];
	_ =	sdelay $0x3  }
0x96: {  	_ =	strace s2  }
0x97: {  	_ =	strace $0x8FFFFFFF  }
0x98: {  	s18 =	sld [smem:$0x3FDB];
	_ =	sdelay $0x1  }
0x99: {  	s19 =	simm.s32 $_scs_section_size  }
0x9a: {  	s4 =	simm.s32 $_size__tile_overlayer_lowered;
	s5 =	simm.s32 $_tile_overlayer_lowered  }
0x9b: {  	s22 =	simm.s32 $0x1BFF;
	s21 =	sshll.u32 s5, $0x1;
	s2 =	sadd.s32 s19, s18  }
0x9c: {  	s6 =	simm.s32 $0x0;
	s20 =	sshll.u32 s4, $0x1;
	s4 =	sadd.s32 s21, s2  }
0x9d: {  	[timem:s6], [sflag:s22] =	dma.local [hbm:s4], s20  }
0x9e: {  	_ =	swait.ge [sflag:s22], s20  }
0x9f: {  	s3 =	ssub.s32 $0x0, s20;
	[sflag:s22] =	ssyncset.done $0x0  }
0xa0: {  	[sflag:s22] =	ssyncadd.s32 s3;
	_ =	sdelay $0x1  }
0xa1: {  	s23 =	simm.s32 $0x1B8B  }
0xa2: {  	_ =	swait.ge [sflag:s23], $0x1  }
0xa3: {  	[sflag:s23] =	ssyncset.done $0x0  }
0xa4: {  	s25 =	simm.s32 $0x1B8E;
	s24 =	sld [smem:$0x3FFE];
	[sflag:s23] =	ssyncadd.s32 $0xFFFFFFFF  }
0xa5: {  	s26 =	simm.s32 $execute0_lowered;
	[smem:$0x3FD2] =	sst s25  }
0xa6: {  	s4 =	sshll.u32 s26, $0x1;
	_ =	strace $0x8000004C;
	[dreg:$0x1] =	wrdreg $0xFFFFFFFF  }
0xa7: {  	s28 =	simm.s32 $_size_execute0_lowered;
	s2 =	sadd.s32 s2, s4;
	[dreg:$0x0] =	wrdreg $0x0  }
0xa8: {  	s4 =	sshll.u32 s28, $0x1;
	[dreg:$0x2] =	wrdreg s2  }
0xa9: {  	[dreg:$0x3] =	wrdreg s4  }
0xaa: {  	[dreg:$0x4] =	wrdreg $0xC0  }
0xab: {  	_ =	task [dreg:s6], $0x5FFFF  }
0xac: {  	[dreg:$0x1] =	wrdreg $0xFFFFFFFF  }
0xad: {  	[dreg:$0x0] =	wrdreg $0x60  }
0xae: {  	[dreg:$0x2] =	wrdreg s24  }
0xaf: {  	[dreg:$0x3] =	wrdreg $0x0  }
0xb0: {  	[dreg:$0x4] =	wrdreg $0x9  }
0xb1: {  	_ =	task.clear_ibuf [dreg:s6], $0x5FFFF;
	_ =	strace $0x9000004C  }
0xb2: {  	s29 =	simm.s32 $0x9;
	_ =	strace $0x8000004E  }
0xb3: {  	_ =	swait.ge [sflag:s29], $0x1  }
0xb4: {  	[sflag:s29] =	ssyncadd.s32 $0xFFFFFFFF  }
0xb5: {  	_ =	strace $0x9000004E  }
0xb6: {  	_ =	sfence  }
0xb7: {  	s30 =	sld [smem:$0x0];
	_ =	sdelay $0x2  }
0xb8: {  	s31 =	sshll.u32 s1, $0xD;
	s1 =	sshrl.u32 s1, $0x2  }
0xb9: {  	s3 =	sand.u32 $0x4000, s31;
	s1 =	sadd.s32 s1, s30  }
0xba: {  	s0 =	sor.u32 s3, s0;
	s1 =	sshll.u32 s1, $0x11  }
0xbb: {  	s0 =	sor.u32 s1, s0  }
0xbc: {  	s0 =	sadd.s32 $0x8F2B, s0  }
0xbd: {  	[sflag:s0] =	ssyncadd.remote.s32 $0x1  }
0xbe: {  	_ =	sfence.sel $0xFFFF  }
0xbf: {  	[dreg:$0x0] =	wrdreg $0xFFFFFFFF;
	(pc) =	sbr.abs _section_cstart, $3  }
0xc0: {  	[dreg:$0x1] =	wrdreg $0xFFFFFFFF  }
0xc1: {  	_ =	task.clear_ibuf [dreg:s6], $0x2FFFF;
	_ =	strace $0x9FFFFFFF  }
0xc2: {  	(tm) =	ssettm $0x7FFFFFFF  }
0xc3: {  	_ =	shalt  }
tec
execute0_lowered:
.L_overlay_start_1:
0x0: {  	(tag) =	ssettag $0x1  }
0x1: {  	s17 =	stileid.u32  }
0x2: {  	s6 =	smul.u32 $0x280, s17  }
0x3: {  	s0 =	srdreg.scid;
	s29 =	smul.u32 $0x9E0, s17  }
0x4: {  	s2 =	sand.u32 $0x1, s0;
	s31 =	smul.u32 $0x50000, s17  }
0x5: {  	s0 =	sshll.u32 s2, $0x4;
	s8 =	smul.u32 $0x2800, s2  }
0x6: {  	s1 =	ssub.s32 $0x2, s2;
	s2 =	smul.u32 $0x9E00, s2;
	s3 =	sor.u32 s17, s0  }
0x7: {  	s0 =	rddreg [dreg:$0x0];
	s7 =	sshrl.u32 s1, $0x1;
	s4 =	smul.u32 $0x4F00, s3  }
0x8: {  	s22 =	sadd.s32 $0x200, s6;
	s5 =	smul.u32 $0x300, s3;
	s10 =	sadd.s32 $0xCA400, s0  }
0x9: {  	s1 =	ssub.s32 s1, s7;
	s9 =	sadd.s32 s8, s6;
	s7 =	sor.u32 $0x40, s6  }
0xa: {  	s3 =	smul.u32 $0x9E0, s3;
	s21 =	sadd.s32 s8, s22;
	s24 =	sadd.s32 $0x16800, s0  }
0xb: {  	s25 =	sadd.s32 $0x2C00, s0;
	s11 =	sshll.u32 s9, $0x4;
	s12 =	sadd.s32 s8, s7  }
0xc: {  	s30 =	sadd.s32 s2, s25;
	s2 =	sadd.s32 s2, s24;
	s4 =	sand.u32 $0xFFC00, s4  }
0xd: {  	s5 =	sand.u32 $0x300, s5;
	s3 =	sadd.s32 $0x9D0, s3;
	s17 =	sadd.s32 s29, s30  }
0xe: {  	s4 =	sor.u32 s5, s4;
	s5 =	sadd.s32 s10, s11;
	s11 =	sadd.s32 $0x80, s6  }
0xf: {  	s28 =	sadd.s32 s24, s3;
	s3 =	sadd.s32 s25, s3;
	[dreg:$0x3] =	wrdreg s5  }
0x10: {  	s5 =	sshll.u32 s12, $0x4;
	s12 =	sadd.s32 $0xC0, s6;
	[dreg:$0xf] =	wrdreg s28  }
0x11: {  	s13 =	sadd.s32 s8, s11;
	s4 =	sshrl.u32 s4, $0x3;
	[dreg:$0x10] =	wrdreg s3  }
0x12: {  	s28 =	sshll.u32 s22, $0x7;
	s22 =	simm.s32 $0x16180;
	s5 =	sadd.s32 s10, s5  }
0x13: {  	s9 =	sadd.s32 s8, s12;
	s26 =	sadd.s32 s24, s4;
	s4 =	sadd.s32 s25, s4  }
0x14: {  	s12 =	sshll.u32 s12, $0x7;
	[dreg:$0x4] =	wrdreg s5;
	s5 =	sshll.u32 s13, $0x4  }
0x15: {  	s9 =	sshll.u32 s9, $0x4;
	s13 =	sadd.s32 $0x100, s6;
	[dreg:$0xd] =	wrdreg s26  }
0x16: {  	[dreg:$0xe] =	wrdreg s4;
	s4 =	sshrl.u32 s31, $0x2;
	s5 =	sadd.s32 s10, s5  }
0x17: {  	s14 =	sadd.s32 s10, s9;
	s15 =	sadd.s32 s8, s13;
	[dreg:$0x5] =	wrdreg s5  }
0x18: {  	s13 =	sshll.u32 s13, $0x7;
	[dreg:$0x6] =	wrdreg s14;
	s5 =	sshll.u32 s15, $0x4  }
0x19: {  	s14 =	sadd.s32 $0x140, s6;
	s15 =	sadd.s32 $0x180, s6;
	s5 =	sadd.s32 s10, s5  }
0x1a: {  	s16 =	sadd.s32 s8, s14;
	s18 =	sadd.s32 s8, s15;
	s25 =	sshll.u32 s15, $0x7  }
0x1b: {  	s15 =	simm.s32 $0x16100;
	[dreg:$0x7] =	wrdreg s5;
	s5 =	sshll.u32 s16, $0x4  }
0x1c: {  	s9 =	sshll.u32 s18, $0x4;
	s16 =	sadd.s32 $0x1C0, s6;
	s6 =	sadd.s32 $0x240, s6  }
0x1d: {  	s18 =	rddreg [dreg:$0x1];
	s5 =	sadd.s32 s10, s5;
	s19 =	sadd.s32 s10, s9  }
0x1e: {  	s20 =	sadd.s32 s8, s16;
	s8 =	sadd.s32 s8, s6;
	s9 =	simm.s32 $0x0  }
0x1f: {  	s26 =	sshll.u32 s16, $0x7;
	s30 =	sshll.u32 s6, $0x7;
	[dreg:$0x8] =	wrdreg s5  }
0x20: {  	[dreg:$0x9] =	wrdreg s19;
	s5 =	sshll.u32 s20, $0x4;
	s8 =	sshll.u32 s8, $0x4  }
0x21: {  	[smem:$0x7FF] =	sst s9;
	s19 =	sadd.s32 s29, s2;
	s20 =	sadd.s32 $0x2A400, s0  }
0x22: {  	s29 =	sadd.s32 s28, s18;
	s5 =	sadd.s32 s10, s5;
	s23 =	sadd.s32 s10, s8  }
0x23: {  	s8 =	sshll.u32 s7, $0x7;
	[dreg:$0xa] =	wrdreg s5;
	s5 =	sshll.u32 s21, $0x4  }
0x24: {  	[dreg:$0xc] =	wrdreg s23;
	s21 =	sadd.s32 s4, s18;
	s0 =	sadd.s32 s8, s18  }
0x25: {  	s23 =	sshll.u32 s14, $0x7;
	s14 =	simm.s32 $0x40;
	s5 =	sadd.s32 s10, s5  }
0x26: {  	s10 =	sshll.u32 s11, $0x7;
	s24 =	sadd.s32 s23, s18;
	s31 =	sadd.s32 $0x2000, s21  }
0x27: {  	s2 =	sadd.s32 $0x6000, s21;
	[dreg:$0xb] =	wrdreg s5;
	s5 =	smax.u32 s1, $0x1  }
0x28: {  	s3 =	sadd.s32 $0x8000, s21;
	_ =	strace $0x8000004D;
	[dreg:$0x11] =	wrdreg s5  }
0x29: {  	s4 =	sadd.s32 $0xA000, s21;
	s11 =	sadd.s32 s10, s18;
	[dreg:$0x12] =	wrdreg s0  }
0x2a: {  	s6 =	sadd.s32 $0xE000, s21;
	s7 =	sadd.s32 $0x10000, s21;
	[dreg:$0x13] =	wrdreg s11  }
0x2b: {  	s8 =	sadd.s32 $0x12000, s21;
	s23 =	simm.s32 $0x16200;
	[dreg:$0x16] =	wrdreg s24  }
0x2c: {  	s1 =	sadd.s32 $0x4000, s21;
	s10 =	simm.s32 $0x14100;
	[dreg:$0x19] =	wrdreg s29  }
0x2d: {  	s0 =	sadd.s32 s12, s18;
	[dreg:$0x1b] =	wrdreg s31;
	s5 =	sadd.s32 $0xC000, s21  }
0x2e: {  	s11 =	simm.s32 $0x3;
	[dreg:$0x14] =	wrdreg s0;
	s0 =	sadd.s32 s13, s18  }
0x2f: {  	s12 =	simm.s32 $0x14000;
	[dreg:$0x15] =	wrdreg s0;
	s0 =	sadd.s32 s25, s18  }
0x30: {  	s24 =	simm.s32 $0x1;
	[dreg:$0x17] =	wrdreg s0;
	s0 =	sadd.s32 s26, s18  }
0x31: {  	s13 =	simm.s32 $0x14080;
	[dreg:$0x18] =	wrdreg s0;
	s0 =	sadd.s32 s30, s18  }
0x32: {  	v0 =	vimm.f32 $0.0e+00;
	s25 =	simm.s32 $0x2;
	s26 =	simm.s32 $0x0;
	[dreg:$0x1a] =	wrdreg s0  }
.LBB2_1:
0x33: {  	s28 =	simm.s32 $0x0;
	s29 =	simm.s32 $0x200  }
.LBB2_2:
0x34: {  	p0 =	sne.s32 s29, $0x7E00;
	[tilespmem:s28+$0x14170] =	vst v0  }
0x35: {  	[tilespmem:s28+$0x14100] =	vst v0  }
0x36: {  	[tilespmem:s28+$0x14110] =	vst v0  }
.Ltmp0:
0x37: {  	[tilespmem:s28+$0x14120] =	vst v0;
	(pc) =	sbr.rel @p0 .LBB2_2-.Ltmp0, $4  }
0x38: {  	[tilespmem:s28+$0x14130] =	vst v0  }
0x39: {  	[tilespmem:s28+$0x14140] =	vst v0  }
0x3a: {  	[tilespmem:s28+$0x14150] =	vst v0  }
0x3b: {  	[tilespmem:s28+$0x14160] =	vst v0;
	s28 =	sshra.s32 s29, $0x2;
	s29 =	sadd.s32 $0x200, s29  }
0x3c: {  	[tilespmem:s28+$0x14170] =	vst v0  }
0x3d: {  	[tilespmem:s28+$0x14100] =	vst v0  }
0x3e: {  	[tilespmem:s28+$0x14110] =	vst v0  }
0x3f: {  	[tilespmem:s28+$0x14120] =	vst v0  }
0x40: {  	[tilespmem:s28+$0x14130] =	vst v0  }
0x41: {  	[tilespmem:s28+$0x14140] =	vst v0  }
0x42: {  	[tilespmem:s28+$0x14150] =	vst v0  }
0x43: {  	[tilespmem:s28+$0x14160] =	vst v0  }
0x44: {  	[spmem:s21] =	stream.linear.scatter [tilespmem:s10], [sflag:$0x3], $0x2000, $0x38;
	[tilespmem:$0x18200] =	vst v63  }
0x45: {  	_ =	swait.ge [sflag:s11], $0x2000  }
0x46: {  	[sflag:s11] =	ssyncset.done $0x0  }
0x47: {  	s0 =	rddreg [dreg:$0x1b];
	[sflag:s11] =	ssyncadd.s32 $0xFFFFE000  }
0x48: {  	[spmem:s0] =	stream.linear.scatter [tilespmem:s10], [sflag:$0x3], $0x2000, $0x38;
	[tilespmem:$0x18200] =	vst v63  }
0x49: {  	_ =	swait.ge [sflag:s11], $0x2000  }
0x4a: {  	[sflag:s11] =	ssyncset.done $0x0  }
0x4b: {  	[sflag:s11] =	ssyncadd.s32 $0xFFFFE000  }
0x4c: {  	[spmem:s1] =	stream.linear.scatter [tilespmem:s10], [sflag:$0x3], $0x2000, $0x38;
	[tilespmem:$0x18200] =	vst v63  }
0x4d: {  	_ =	swait.ge [sflag:s11], $0x2000  }
0x4e: {  	[sflag:s11] =	ssyncset.done $0x0  }
0x4f: {  	[sflag:s11] =	ssyncadd.s32 $0xFFFFE000  }
0x50: {  	[spmem:s2] =	stream.linear.scatter [tilespmem:s10], [sflag:$0x3], $0x2000, $0x38;
	[tilespmem:$0x18200] =	vst v63  }
0x51: {  	_ =	swait.ge [sflag:s11], $0x2000  }
0x52: {  	[sflag:s11] =	ssyncset.done $0x0  }
0x53: {  	[sflag:s11] =	ssyncadd.s32 $0xFFFFE000  }
0x54: {  	[spmem:s3] =	stream.linear.scatter [tilespmem:s10], [sflag:$0x3], $0x2000, $0x38;
	[tilespmem:$0x18200] =	vst v63  }
0x55: {  	_ =	swait.ge [sflag:s11], $0x2000  }
0x56: {  	[sflag:s11] =	ssyncset.done $0x0  }
0x57: {  	[sflag:s11] =	ssyncadd.s32 $0xFFFFE000  }
0x58: {  	[spmem:s4] =	stream.linear.scatter [tilespmem:s10], [sflag:$0x3], $0x2000, $0x38;
	[tilespmem:$0x18200] =	vst v63  }
0x59: {  	_ =	swait.ge [sflag:s11], $0x2000  }
0x5a: {  	[sflag:s11] =	ssyncset.done $0x0  }
0x5b: {  	[sflag:s11] =	ssyncadd.s32 $0xFFFFE000  }
0x5c: {  	[spmem:s5] =	stream.linear.scatter [tilespmem:s10], [sflag:$0x3], $0x2000, $0x38;
	[tilespmem:$0x18200] =	vst v63  }
0x5d: {  	_ =	swait.ge [sflag:s11], $0x2000  }
0x5e: {  	[sflag:s11] =	ssyncset.done $0x0  }
0x5f: {  	[sflag:s11] =	ssyncadd.s32 $0xFFFFE000  }
0x60: {  	[spmem:s6] =	stream.linear.scatter [tilespmem:s10], [sflag:$0x3], $0x2000, $0x38;
	[tilespmem:$0x18200] =	vst v63  }
0x61: {  	_ =	swait.ge [sflag:s11], $0x2000  }
0x62: {  	[sflag:s11] =	ssyncset.done $0x0  }
0x63: {  	[sflag:s11] =	ssyncadd.s32 $0xFFFFE000  }
0x64: {  	[spmem:s7] =	stream.linear.scatter [tilespmem:s10], [sflag:$0x3], $0x2000, $0x38;
	[tilespmem:$0x18200] =	vst v63  }
0x65: {  	_ =	swait.ge [sflag:s11], $0x2000  }
0x66: {  	[sflag:s11] =	ssyncset.done $0x0  }
0x67: {  	[sflag:s11] =	ssyncadd.s32 $0xFFFFE000  }
0x68: {  	[spmem:s8] =	stream.linear.scatter [tilespmem:s10], [sflag:$0x3], $0x2000, $0x38;
	[tilespmem:$0x18200] =	vst v63  }
0x69: {  	_ =	swait.ge [sflag:s11], $0x2000  }
0x6a: {  	[sflag:s11] =	ssyncset.done $0x0  }
0x6b: {  	[sflag:s11] =	ssyncadd.s32 $0xFFFFE000  }
0x6c: {  	[bflag:$0x0] =	sbarrier.arrive $0xFFFF  }
0x6d: {  	s28 =	simm.s32 $0x0;
	s16 =	rddreg [dreg:$0xd]  }
0x6e: {  	[tilespmem:s12], [sflag:$0x3] =	stream.linear.gather [hbm4b:s16+s28], $0x80, $0x38;
	[tilespmem:$0x18200] =	vst v63  }
0x6f: {  	_ =	swait.ge [sflag:s11], $0x80  }
0x70: {  	[sflag:s11] =	ssyncset.done $0x0  }
0x71: {  	s31 =	rddreg [dreg:$0xe];
	[sflag:s11] =	ssyncadd.s32 $0xFFFFFF80  }
0x72: {  	[tilespmem:s13], [sflag:$0x3] =	stream.linear.gather [hbm4b:s31+s28], $0x80, $0x38;
	[tilespmem:$0x18200] =	vst v63  }
0x73: {  	_ =	swait.ge [sflag:s11], $0x80  }
0x74: {  	[sflag:s11] =	ssyncset.done $0x0  }
0x75: {  	s28 =	sadd.s32 $0x0, s19;
	[sflag:s11] =	ssyncadd.s32 $0xFFFFFF80  }
0x76: {  	[tilespmem:s10], [sflag:$0x1] =	stream.indirect.gather [hbm4b:s20+s14], $0x80, s12, s14, $0xb8;
	[tilespmem:$0x18200] =	vst v63  }
0x77: {  	s29 =	sadd.s32 $0x10, s28  }
0x78: {  	[tilespmem:s15], [sflag:$0x3] =	stream.linear.gather [hbm4b:s29+s9], $0x80, $0x38;
	[tilespmem:$0x18200] =	vst v63  }
0x79: {  	_ =	swait.ge [sflag:s11], $0x80  }
0x7a: {  	s29 =	sadd.s32 $0x0, s17;
	[sflag:s11] =	ssyncset.done $0x0  }
0x7b: {  	s30 =	sadd.s32 $0x10, s29;
	[sflag:s11] =	ssyncadd.s32 $0xFFFFFF80  }
0x7c: {  	[tilespmem:s22], [sflag:$0x3] =	stream.linear.gather [hbm4b:s30+s9], $0x80, $0x38;
	[tilespmem:$0x18200] =	vst v63  }
0x7d: {  	_ =	swait.ge [sflag:s11], $0x80  }
0x7e: {  	[sflag:s11] =	ssyncset.done $0x0  }
0x7f: {  	[sflag:s11] =	ssyncadd.s32 $0xFFFFFF80  }
0x80: {  	[tilespmem:s23], [sflag:$0x2] =	stream.indirect.gather [hbm4b:s20+s14], $0x80, s15, s14, $0xb8;
	[tilespmem:$0x18200] =	vst v63  }
0x81: {  	_ =	swait.ge [sflag:s24], $0x2000  }
0x82: {  	[sflag:s24] =	ssyncset.done $0x0  }
0x83: {  	[sflag:s24] =	ssyncadd.s32 $0xFFFFE000  }
0x84: {  	[spmem:s18] =	stream.indirect.scatter.add.f32 [tilespmem:s10], [sflag:$0x3], $0x80, s13, s14, $0xb8;
	[tilespmem:$0x18200] =	vst v63  }
0x85: {  	_ =	swait.ge [sflag:s11], $0x2000  }
0x86: {  	[sflag:s11] =	ssyncset.done $0x0  }
0x87: {  	s28 =	sadd.s32 $0x20, s28;
	[sflag:s11] =	ssyncadd.s32 $0xFFFFE000  }
0x88: {  	[tilespmem:s12], [sflag:$0x3] =	stream.linear.gather [hbm4b:s28+s9], $0x80, $0x38;
	[tilespmem:$0x18200] =	vst v63  }
0x89: {  	_ =	swait.ge [sflag:s11], $0x80  }
0x8a: {  	[sflag:s11] =	ssyncset.done $0x0  }
0x8b: {  	s28 =	sadd.s32 $0x20, s29;
	[sflag:s11] =	ssyncadd.s32 $0xFFFFFF80  }
0x8c: {  	[tilespmem:s13], [sflag:$0x3] =	stream.linear.gather [hbm4b:s28+s9], $0x80, $0x38;
	[tilespmem:$0x18200] =	vst v63  }
0x8d: {  	_ =	swait.ge [sflag:s11], $0x80  }
0x8e: {  	[sflag:s11] =	ssyncset.done $0x0  }
0x8f: {  	[sflag:s11] =	ssyncadd.s32 $0xFFFFFF80  }
0x90: {  	[tilespmem:s10], [sflag:$0x1] =	stream.indirect.gather [hbm4b:s20+s14], $0x80, s12, s14, $0xb8;
	[tilespmem:$0x18200] =	vst v63  }
0x91: {  	_ =	swait.ge [sflag:s25], $0x2000  }
0x92: {  	[sflag:s25] =	ssyncset.done $0x0  }
0x93: {  	[sflag:s25] =	ssyncadd.s32 $0xFFFFE000  }
0x94: {  	[spmem:s18] =	stream.indirect.scatter.add.f32 [tilespmem:s23], [sflag:$0x3], $0x80, s22, s14, $0xb8;
	[tilespmem:$0x18200] =	vst v63  }
0x95: {  	s30 =	sadd.s32 $0x20, s19;
	_ =	swait.ge [sflag:s11], $0x2000  }
0x96: {  	s29 =	simm.s32 $0x40;
	s28 =	simm.s32 $0x20;
	[sflag:s11] =	ssyncset.done $0x0  }
.LBB2_4:
0x97: {  	s16 =	sadd.s32 $0x10, s30  }
0x98: {  	[sflag:s11] =	ssyncadd.s32 $0xFFFFE000;
	s0 =	smov.u32 s29;
	s31 =	sadd.s32 $0x20, s29  }
0x99: {  	[tilespmem:s15], [sflag:$0x3] =	stream.linear.gather [hbm4b:s16+s9], $0x80, $0x38;
	[tilespmem:$0x18200] =	vst v63  }
0x9a: {  	p0 =	sne.s32 s29, $0x9A0;
	_ =	swait.ge [sflag:s11], $0x80  }
0x9b: {  	s16 =	sadd.s32 s28, s17;
	s28 =	smov.u32 s0;
	[sflag:s11] =	ssyncset.done $0x0  }
0x9c: {  	s0 =	sadd.s32 $0x10, s16;
	[sflag:s11] =	ssyncadd.s32 $0xFFFFFF80  }
0x9d: {  	[tilespmem:s22], [sflag:$0x3] =	stream.linear.gather [hbm4b:s0+s9], $0x80, $0x38;
	[tilespmem:$0x18200] =	vst v63  }
0x9e: {  	_ =	swait.ge [sflag:s11], $0x80  }
0x9f: {  	[sflag:s11] =	ssyncset.done $0x0  }
0xa0: {  	[sflag:s11] =	ssyncadd.s32 $0xFFFFFF80  }
0xa1: {  	[tilespmem:s23], [sflag:$0x2] =	stream.indirect.gather [hbm4b:s20+s14], $0x80, s15, s14, $0xb8;
	[tilespmem:$0x18200] =	vst v63  }
0xa2: {  	_ =	swait.ge [sflag:s24], $0x2000  }
0xa3: {  	[sflag:s24] =	ssyncset.done $0x0  }
0xa4: {  	[sflag:s24] =	ssyncadd.s32 $0xFFFFE000  }
0xa5: {  	[spmem:s18] =	stream.indirect.scatter.add.f32 [tilespmem:s10], [sflag:$0x3], $0x80, s13, s14, $0xb8;
	[tilespmem:$0x18200] =	vst v63  }
0xa6: {  	_ =	swait.ge [sflag:s11], $0x2000  }
0xa7: {  	[sflag:s11] =	ssyncset.done $0x0  }
0xa8: {  	s0 =	sadd.s32 $0x20, s30;
	[sflag:s11] =	ssyncadd.s32 $0xFFFFE000  }
0xa9: {  	[tilespmem:s12], [sflag:$0x3] =	stream.linear.gather [hbm4b:s0+s9], $0x80, $0x38;
	[tilespmem:$0x18200] =	vst v63  }
0xaa: {  	_ =	swait.ge [sflag:s11], $0x80  }
0xab: {  	[sflag:s11] =	ssyncset.done $0x0  }
0xac: {  	s0 =	sadd.s32 $0x20, s16;
	[sflag:s11] =	ssyncadd.s32 $0xFFFFFF80  }
0xad: {  	[tilespmem:s13], [sflag:$0x3] =	stream.linear.gather [hbm4b:s0+s9], $0x80, $0x38;
	[tilespmem:$0x18200] =	vst v63  }
0xae: {  	_ =	swait.ge [sflag:s11], $0x80  }
0xaf: {  	[sflag:s11] =	ssyncset.done $0x0  }
0xb0: {  	[sflag:s11] =	ssyncadd.s32 $0xFFFFFF80  }
0xb1: {  	[tilespmem:s10], [sflag:$0x1] =	stream.indirect.gather [hbm4b:s20+s14], $0x80, s12, s14, $0xb8;
	[tilespmem:$0x18200] =	vst v63  }
0xb2: {  	_ =	swait.ge [sflag:s25], $0x2000  }
.Ltmp1:
0xb3: {  	[sflag:s25] =	ssyncset.done $0x0;
	(pc) =	sbr.rel @p0 .LBB2_4-.Ltmp1, $4  }
0xb4: {  	[sflag:s25] =	ssyncadd.s32 $0xFFFFE000  }
0xb5: {  	[spmem:s18] =	stream.indirect.scatter.add.f32 [tilespmem:s23], [sflag:$0x3], $0x80, s22, s14, $0xb8;
	[tilespmem:$0x18200] =	vst v63  }
0xb6: {  	_ =	swait.ge [sflag:s11], $0x2000  }
0xb7: {  	s29 =	smov.u32 s31;
	s30 =	sadd.s32 s28, s19;
	[sflag:s11] =	ssyncset.done $0x0  }
0xb8: {  	s0 =	sadd.s32 $0x10, s30;
	[sflag:s11] =	ssyncadd.s32 $0xFFFFE000  }
0xb9: {  	[tilespmem:s15], [sflag:$0x3] =	stream.linear.gather [hbm4b:s0+s9], $0x80, $0x38;
	[tilespmem:$0x18200] =	vst v63  }
0xba: {  	_ =	swait.ge [sflag:s11], $0x80  }
0xbb: {  	s28 =	sadd.s32 s28, s17;
	[sflag:s11] =	ssyncset.done $0x0  }
0xbc: {  	s16 =	sadd.s32 $0x10, s28;
	[sflag:s11] =	ssyncadd.s32 $0xFFFFFF80  }
0xbd: {  	[tilespmem:s22], [sflag:$0x3] =	stream.linear.gather [hbm4b:s16+s9], $0x80, $0x38;
	[tilespmem:$0x18200] =	vst v63  }
0xbe: {  	_ =	swait.ge [sflag:s11], $0x80  }
0xbf: {  	[sflag:s11] =	ssyncset.done $0x0  }
0xc0: {  	[sflag:s11] =	ssyncadd.s32 $0xFFFFFF80  }
0xc1: {  	[tilespmem:s23], [sflag:$0x2] =	stream.indirect.gather [hbm4b:s20+s14], $0x80, s15, s14, $0xb8;
	[tilespmem:$0x18200] =	vst v63  }
0xc2: {  	_ =	swait.ge [sflag:s24], $0x2000  }
0xc3: {  	[sflag:s24] =	ssyncset.done $0x0  }
0xc4: {  	[sflag:s24] =	ssyncadd.s32 $0xFFFFE000  }
0xc5: {  	[spmem:s18] =	stream.indirect.scatter.add.f32 [tilespmem:s10], [sflag:$0x3], $0x80, s13, s14, $0xb8;
	[tilespmem:$0x18200] =	vst v63  }
0xc6: {  	_ =	swait.ge [sflag:s11], $0x2000  }
0xc7: {  	[sflag:s11] =	ssyncset.done $0x0  }
0xc8: {  	s29 =	sadd.s32 $0x20, s30;
	[sflag:s11] =	ssyncadd.s32 $0xFFFFE000  }
0xc9: {  	[tilespmem:s12], [sflag:$0x3] =	stream.linear.gather [hbm4b:s29+s9], $0x80, $0x38;
	[tilespmem:$0x18200] =	vst v63  }
0xca: {  	_ =	swait.ge [sflag:s11], $0x80  }
0xcb: {  	[sflag:s11] =	ssyncset.done $0x0  }
0xcc: {  	s0 =	sadd.s32 $0x20, s28;
	[sflag:s11] =	ssyncadd.s32 $0xFFFFFF80  }
0xcd: {  	[tilespmem:s13], [sflag:$0x3] =	stream.linear.gather [hbm4b:s0+s9], $0x80, $0x38;
	[tilespmem:$0x18200] =	vst v63  }
0xce: {  	_ =	swait.ge [sflag:s11], $0x80  }
0xcf: {  	[sflag:s11] =	ssyncset.done $0x0  }
0xd0: {  	[sflag:s11] =	ssyncadd.s32 $0xFFFFFF80  }
0xd1: {  	[tilespmem:s10], [sflag:$0x1] =	stream.indirect.gather [hbm4b:s20+s14], $0x80, s12, s14, $0xb8;
	[tilespmem:$0x18200] =	vst v63  }
0xd2: {  	_ =	swait.ge [sflag:s25], $0x2000  }
0xd3: {  	[sflag:s25] =	ssyncset.done $0x0  }
0xd4: {  	[sflag:s25] =	ssyncadd.s32 $0xFFFFE000  }
0xd5: {  	[spmem:s18] =	stream.indirect.scatter.add.f32 [tilespmem:s23], [sflag:$0x3], $0x80, s22, s14, $0xb8;
	[tilespmem:$0x18200] =	vst v63  }
0xd6: {  	_ =	swait.ge [sflag:s11], $0x2000  }
0xd7: {  	[sflag:s11] =	ssyncset.done $0x0  }
0xd8: {  	s30 =	rddreg [dreg:$0xf];
	[sflag:s11] =	ssyncadd.s32 $0xFFFFE000  }
0xd9: {  	[tilespmem:s15], [sflag:$0x3] =	stream.linear.gather [hbm4b:s30+s9], $0x80, $0x38;
	[tilespmem:$0x18200] =	vst v63  }
0xda: {  	_ =	swait.ge [sflag:s11], $0x80  }
0xdb: {  	[sflag:s11] =	ssyncset.done $0x0  }
0xdc: {  	s31 =	rddreg [dreg:$0x10];
	[sflag:s11] =	ssyncadd.s32 $0xFFFFFF80  }
0xdd: {  	[tilespmem:s22], [sflag:$0x3] =	stream.linear.gather [hbm4b:s31+s9], $0x80, $0x38;
	[tilespmem:$0x18200] =	vst v63  }
0xde: {  	_ =	swait.ge [sflag:s11], $0x80  }
0xdf: {  	[sflag:s11] =	ssyncset.done $0x0  }
0xe0: {  	[sflag:s11] =	ssyncadd.s32 $0xFFFFFF80  }
0xe1: {  	[tilespmem:s23], [sflag:$0x2] =	stream.indirect.gather [hbm4b:s20+s14], $0x80, s15, s14, $0xb8;
	[tilespmem:$0x18200] =	vst v63  }
0xe2: {  	_ =	swait.ge [sflag:s24], $0x2000  }
0xe3: {  	[sflag:s24] =	ssyncset.done $0x0  }
0xe4: {  	[sflag:s24] =	ssyncadd.s32 $0xFFFFE000  }
0xe5: {  	[spmem:s18] =	stream.indirect.scatter.add.f32 [tilespmem:s10], [sflag:$0x3], $0x80, s13, s14, $0xb8;
	[tilespmem:$0x18200] =	vst v63  }
0xe6: {  	_ =	swait.ge [sflag:s11], $0x2000  }
0xe7: {  	[sflag:s11] =	ssyncset.done $0x0  }
0xe8: {  	[sflag:s11] =	ssyncadd.s32 $0xFFFFE000  }
0xe9: {  	_ =	swait.ge [sflag:s25], $0x2000  }
0xea: {  	[sflag:s25] =	ssyncset.done $0x0  }
0xeb: {  	[sflag:s25] =	ssyncadd.s32 $0xFFFFE000  }
0xec: {  	[spmem:s18] =	stream.indirect.scatter.add.f32 [tilespmem:s23], [sflag:$0x3], $0x80, s22, s14, $0xb8;
	[tilespmem:$0x18200] =	vst v63  }
0xed: {  	_ =	swait.ge [sflag:s11], $0x2000  }
0xee: {  	[sflag:s11] =	ssyncset.done $0x0  }
0xef: {  	[sflag:s11] =	ssyncadd.s32 $0xFFFFE000  }
0xf0: {  	[bflag:$0x0] =	sbarrier.arrive $0xFFFF  }
0xf1: {  	[tilespmem:s10], [sflag:$0x3] =	stream.linear.gather [spmem:s21], $0x2000, $0x38;
	[tilespmem:$0x18200] =	vst v63  }
0xf2: {  	_ =	swait.ge [sflag:s11], $0x2000  }
0xf3: {  	[sflag:s11] =	ssyncset.done $0x0  }
0xf4: {  	s16 =	rddreg [dreg:$0x3];
	[sflag:s11] =	ssyncadd.s32 $0xFFFFE000  }
0xf5: {  	[hbm4b:s16+s9] =	stream.linear.scatter [tilespmem:s10], [sflag:$0x3], $0x2000, $0x38;
	[tilespmem:$0x18200] =	vst v63  }
0xf6: {  	_ =	swait.ge [sflag:s11], $0x2000  }
0xf7: {  	[sflag:s11] =	ssyncset.done $0x0  }
0xf8: {  	s28 =	rddreg [dreg:$0x12];
	[sflag:s11] =	ssyncadd.s32 $0xFFFFE000  }
0xf9: {  	[tilespmem:s10], [sflag:$0x3] =	stream.linear.gather [spmem:s28], $0x2000, $0x38;
	[tilespmem:$0x18200] =	vst v63  }
0xfa: {  	_ =	swait.ge [sflag:s11], $0x2000  }
0xfb: {  	[sflag:s11] =	ssyncset.done $0x0  }
0xfc: {  	s29 =	rddreg [dreg:$0x4];
	[sflag:s11] =	ssyncadd.s32 $0xFFFFE000  }
0xfd: {  	[hbm4b:s29+s9] =	stream.linear.scatter [tilespmem:s10], [sflag:$0x3], $0x2000, $0x38;
	[tilespmem:$0x18200] =	vst v63  }
0xfe: {  	_ =	swait.ge [sflag:s11], $0x2000  }
0xff: {  	[sflag:s11] =	ssyncset.done $0x0  }
0x100: {  	s30 =	rddreg [dreg:$0x13];
	[sflag:s11] =	ssyncadd.s32 $0xFFFFE000  }
0x101: {  	[tilespmem:s10], [sflag:$0x3] =	stream.linear.gather [spmem:s30], $0x2000, $0x38;
	[tilespmem:$0x18200] =	vst v63  }
0x102: {  	_ =	swait.ge [sflag:s11], $0x2000  }
0x103: {  	[sflag:s11] =	ssyncset.done $0x0  }
0x104: {  	s31 =	rddreg [dreg:$0x5];
	[sflag:s11] =	ssyncadd.s32 $0xFFFFE000  }
0x105: {  	[hbm4b:s31+s9] =	stream.linear.scatter [tilespmem:s10], [sflag:$0x3], $0x2000, $0x38;
	[tilespmem:$0x18200] =	vst v63  }
0x106: {  	_ =	swait.ge [sflag:s11], $0x2000  }
0x107: {  	[sflag:s11] =	ssyncset.done $0x0  }
0x108: {  	s16 =	rddreg [dreg:$0x14];
	[sflag:s11] =	ssyncadd.s32 $0xFFFFE000  }
0x109: {  	[tilespmem:s10], [sflag:$0x3] =	stream.linear.gather [spmem:s16], $0x2000, $0x38;
	[tilespmem:$0x18200] =	vst v63  }
0x10a: {  	_ =	swait.ge [sflag:s11], $0x2000  }
0x10b: {  	[sflag:s11] =	ssyncset.done $0x0  }
0x10c: {  	s28 =	rddreg [dreg:$0x6];
	[sflag:s11] =	ssyncadd.s32 $0xFFFFE000  }
0x10d: {  	[hbm4b:s28+s9] =	stream.linear.scatter [tilespmem:s10], [sflag:$0x3], $0x2000, $0x38;
	[tilespmem:$0x18200] =	vst v63  }
0x10e: {  	_ =	swait.ge [sflag:s11], $0x2000  }
0x10f: {  	[sflag:s11] =	ssyncset.done $0x0  }
0x110: {  	s29 =	rddreg [dreg:$0x15];
	[sflag:s11] =	ssyncadd.s32 $0xFFFFE000  }
0x111: {  	[tilespmem:s10], [sflag:$0x3] =	stream.linear.gather [spmem:s29], $0x2000, $0x38;
	[tilespmem:$0x18200] =	vst v63  }
0x112: {  	_ =	swait.ge [sflag:s11], $0x2000  }
0x113: {  	[sflag:s11] =	ssyncset.done $0x0  }
0x114: {  	s30 =	rddreg [dreg:$0x7];
	[sflag:s11] =	ssyncadd.s32 $0xFFFFE000  }
0x115: {  	[hbm4b:s30+s9] =	stream.linear.scatter [tilespmem:s10], [sflag:$0x3], $0x2000, $0x38;
	[tilespmem:$0x18200] =	vst v63  }
0x116: {  	_ =	swait.ge [sflag:s11], $0x2000  }
0x117: {  	[sflag:s11] =	ssyncset.done $0x0  }
0x118: {  	s31 =	rddreg [dreg:$0x16];
	[sflag:s11] =	ssyncadd.s32 $0xFFFFE000  }
0x119: {  	[tilespmem:s10], [sflag:$0x3] =	stream.linear.gather [spmem:s31], $0x2000, $0x38;
	[tilespmem:$0x18200] =	vst v63  }
0x11a: {  	_ =	swait.ge [sflag:s11], $0x2000  }
0x11b: {  	[sflag:s11] =	ssyncset.done $0x0  }
0x11c: {  	s16 =	rddreg [dreg:$0x8];
	[sflag:s11] =	ssyncadd.s32 $0xFFFFE000  }
0x11d: {  	[hbm4b:s16+s9] =	stream.linear.scatter [tilespmem:s10], [sflag:$0x3], $0x2000, $0x38;
	[tilespmem:$0x18200] =	vst v63  }
0x11e: {  	_ =	swait.ge [sflag:s11], $0x2000  }
0x11f: {  	[sflag:s11] =	ssyncset.done $0x0  }
0x120: {  	s28 =	rddreg [dreg:$0x17];
	[sflag:s11] =	ssyncadd.s32 $0xFFFFE000  }
0x121: {  	[tilespmem:s10], [sflag:$0x3] =	stream.linear.gather [spmem:s28], $0x2000, $0x38;
	[tilespmem:$0x18200] =	vst v63  }
0x122: {  	_ =	swait.ge [sflag:s11], $0x2000  }
0x123: {  	[sflag:s11] =	ssyncset.done $0x0  }
0x124: {  	s29 =	rddreg [dreg:$0x9];
	[sflag:s11] =	ssyncadd.s32 $0xFFFFE000  }
0x125: {  	[hbm4b:s29+s9] =	stream.linear.scatter [tilespmem:s10], [sflag:$0x3], $0x2000, $0x38;
	[tilespmem:$0x18200] =	vst v63  }
0x126: {  	_ =	swait.ge [sflag:s11], $0x2000  }
0x127: {  	[sflag:s11] =	ssyncset.done $0x0  }
0x128: {  	s30 =	rddreg [dreg:$0x18];
	[sflag:s11] =	ssyncadd.s32 $0xFFFFE000  }
0x129: {  	[tilespmem:s10], [sflag:$0x3] =	stream.linear.gather [spmem:s30], $0x2000, $0x38;
	[tilespmem:$0x18200] =	vst v63  }
0x12a: {  	_ =	swait.ge [sflag:s11], $0x2000  }
0x12b: {  	[sflag:s11] =	ssyncset.done $0x0  }
0x12c: {  	s31 =	rddreg [dreg:$0xa];
	[sflag:s11] =	ssyncadd.s32 $0xFFFFE000  }
0x12d: {  	[hbm4b:s31+s9] =	stream.linear.scatter [tilespmem:s10], [sflag:$0x3], $0x2000, $0x38;
	[tilespmem:$0x18200] =	vst v63  }
0x12e: {  	_ =	swait.ge [sflag:s11], $0x2000  }
0x12f: {  	[sflag:s11] =	ssyncset.done $0x0  }
0x130: {  	s16 =	rddreg [dreg:$0x19];
	[sflag:s11] =	ssyncadd.s32 $0xFFFFE000  }
0x131: {  	[tilespmem:s10], [sflag:$0x3] =	stream.linear.gather [spmem:s16], $0x2000, $0x38;
	[tilespmem:$0x18200] =	vst v63  }
0x132: {  	_ =	swait.ge [sflag:s11], $0x2000  }
0x133: {  	[sflag:s11] =	ssyncset.done $0x0  }
0x134: {  	s28 =	rddreg [dreg:$0xb];
	[sflag:s11] =	ssyncadd.s32 $0xFFFFE000  }
0x135: {  	[hbm4b:s28+s9] =	stream.linear.scatter [tilespmem:s10], [sflag:$0x3], $0x2000, $0x38;
	[tilespmem:$0x18200] =	vst v63  }
0x136: {  	_ =	swait.ge [sflag:s11], $0x2000  }
0x137: {  	[sflag:s11] =	ssyncset.done $0x0  }
0x138: {  	s29 =	rddreg [dreg:$0x1a];
	[sflag:s11] =	ssyncadd.s32 $0xFFFFE000  }
0x139: {  	[tilespmem:s10], [sflag:$0x3] =	stream.linear.gather [spmem:s29], $0x2000, $0x38;
	[tilespmem:$0x18200] =	vst v63  }
0x13a: {  	_ =	swait.ge [sflag:s11], $0x2000  }
0x13b: {  	[sflag:s11] =	ssyncset.done $0x0  }
0x13c: {  	s30 =	rddreg [dreg:$0xc];
	[sflag:s11] =	ssyncadd.s32 $0xFFFFE000  }
0x13d: {  	[hbm4b:s30+s9] =	stream.linear.scatter [tilespmem:s10], [sflag:$0x3], $0x2000, $0x38;
	[tilespmem:$0x18200] =	vst v63  }
0x13e: {  	_ =	swait.ge [sflag:s11], $0x2000  }
0x13f: {  	s26 =	sadd.s32 $0x1, s26;
	s31 =	rddreg [dreg:$0x11]  }
0x140: {  	p0 =	sne.s32 s26, s31  }
.Ltmp2:
0x141: {  	_ = 	snop;
	(pc) =	sbr.rel @p0 .LBB2_1-.Ltmp2, $3  }
0x142: {  	_ =	sdelay $0x1  }
0x143: {  	[sflag:s11] =	ssyncset.done $0x0  }
0x144: {  	[sflag:s11] =	ssyncadd.s32 $0xFFFFE000  }
0x145: {  	_ =	sfence.sel $0x180000  }
0x146: {  	[bflag:$0x0] =	sbarrier.arrive $0xFFFF  }
0x147: {  	_ =	strace $0x9000004D  }
0x148: {  	s0 =	stileid.u32;
	[bflag:$0x2] =	sbarrier.arrive $0xFFFF  }
0x149: {  	p0 =	sne.s32 s0, $0x0;
	s0 =	rddreg [dreg:$0x2]  }
0x14a: {  	s0 =	sadd.s32 @!p0 $0x100000, s0  }
0x14b: {  	[sflag:s0] =	ssyncadd.tile.s32 @!p0 $0x1;
	_ =	shalt  }
.Lfunc_end2:
_tile_overlayer_lowered:
.L_overlay_start_2:
0x14c: {  	(tag) =	ssettag $0x2  }
0x14d: {  	s0 =	rddreg [dreg:$0x0];
	s2 =	stileid.u32  }
0x14e: {  	s1 =	rddreg [dreg:$0x1];
	p0 =	sne.s32 s2, $0x0  }
0x14f: {  	s3 =	rddreg [dreg:$0x2];
	[bflag:$0x3] =	sbarrier.arrive $0xFFFF;
	s2 =	simm.s32 @!p0 $0x1C03  }
0x150: {  	[timem:s3], [sflag:s2] =	dma.local @!p0 [hbm:s0], s1  }
0x151: {  	s0 =	simm.s32 @!p0 $0x3  }
0x152: {  	_ =	swait.ge @!p0 [sflag:s0], s1  }
0x153: {  	s1 =	ssub.s32 @!p0 $0x0, s1;
	[sflag:s0] =	ssyncset.done @!p0 $0x0  }
0x154: {  	[sflag:s0] =	ssyncadd.s32 @!p0 s1  }
0x155: {  	[bflag:$0x3] =	sbarrier.arrive $0xFFFF  }
0x156: {  	_ =	shalt  }

// kernel: kernel.18.cloned.1.call-start
scs
__scs_entry_jumppad:
0x0: {  	(pc) =	sbr.rel $0x88, $3  }
0x1: {  	(tag) =	ssettag $0x0;
	lr =	simm.s32 $0x1  }
0x2: {  	[smem:$0x3F96] =	sst lr;
	_ =	strace $0xD0000000  }
0x3: {  	_ = 	snop  }
0x4: {  	_ = 	snop  }
0x5: {  	_ = 	snop  }
0x6: {  	_ = 	snop  }
0x7: {  	_ = 	snop  }
__scs_overlays_trampoline_lowered:
0x8: {  	[smem:$0x3FA5] =	sst s0  }
0x9: {  	[smem:$0x3FA6] =	sst s1  }
0xa: {  	[smem:$0x3FA7] =	sst s2  }
0xb: {  	[smem:$0x3FA8] =	sst s3  }
0xc: {  	[smem:$0x3FA9] =	sst s4  }
0xd: {  	[smem:$0x3FAA] =	sst s5  }
0xe: {  	[smem:$0x3FAB] =	sst s6  }
0xf: {  	[smem:$0x3FAC] =	sst s7  }
0x10: {  	[smem:$0x3FAD] =	sst s8  }
0x11: {  	[smem:$0x3FAE] =	sst s9;
	s0 =	simm.s32 @!p0 $0x0  }
0x12: {  	s1 =	sld [smem:$0x3F94];
	s0 =	simm.s32 @p0 $0x1  }
0x13: {  	[smem:$0x3FAF] =	sst s0;
	s0 =	simm.s32 @!p1 $0x0  }
0x14: {  	s2 =	sld [smem:$0x3F93];
	s0 =	simm.s32 @p1 $0x1  }
0x15: {  	[smem:$0x3FB0] =	sst s0;
	s0 =	simm.s32 @!p2 $0x0  }
0x16: {  	s3 =	sld [smem:$0x3FDB];
	s0 =	simm.s32 @p2 $0x1  }
0x17: {  	s4 =	simm.s32 $0x1BF5;
	[smem:$0x3FB2] =	sst s0  }
0x18: {  	s0 =	sld [smem:$0x3F95];
	_ =	swait.ge [sflag:s4], $0x0  }
0x19: {  	s7 =	sld [smem:$0x3F96]  }
0x1a: {  	s8 =	sadd.s32 $0xFFFFE003, lr  }
0x1b: {  	s9 =	sadd.s32 $0xFFFFFEF7, lr;
	s5 =	simm.s32 $0xFFFFFFFF;
	p2 =	slt.u32 s8, $0xFFFFF086  }
0x1c: {  	p1 =	slt.u32 s9, $0xF7A;
	s5 =	simm.s32 @!p2 $0x0  }
0x1d: {  	s5 =	simm.s32 @p1 $0x1;
	p0 =	seq.s32 s7, s2  }
0x1e: {  	s7 =	smul.u32 @!p0 $0xF7A, s2;
	p2 =	seq.s32 @!p0 s5, $0x0  }
0x1f: {  	s9 =	smul.u32 $0xF7A, s1;
	s8 =	simm.s32 @!p0 $0x1BF5;
	p2 =	por !p2, p0  }
0x20: {  	[sflag:s8] =	ssyncset.s32 @!p0 $0xFFFFF086;
	s6 =	sadd.s32 @!p0 s3, s7;
	s7 =	simm.s32 @!p0 $0x108  }
0x21: {  	s3 =	sadd.s32 s3, s9;
	s6 =	sadd.s32 @!p0 $0x88, s6;
	s7 =	simm.s32 @p2 $0x1082  }
0x22: {  	[simem:s7], [sflag:s8] =	dma.local @!p0 [hbm:s6], $0xF7A  }
0x23: {  	s9 =	sor.u32 $0xD0000000, s2;
	s6 =	simm.s32 $0x108;
	_ =	swait.ge @!p0 [sflag:s8], $0x0  }
0x24: {  	s3 =	sadd.s32 $0x88, s3;
	s6 =	simm.s32 @!p1 $0x1082;
	[sflag:s4] =	ssyncset.s32 $0xFFFFF086  }
0x25: {  	[simem:s6], [sflag:s4] =	dma.local [hbm:s3], $0xF7A  }
0x26: {  	[smem:$0x3F96] =	sst s1;
	(tag) =	ssettag s2;
	_ =	strace s9  }
0x27: {  	s1 =	sld [smem:$0x3FA6]  }
0x28: {  	s2 =	sld [smem:$0x3FA7]  }
0x29: {  	s4 =	sld [smem:$0x3FA9]  }
0x2a: {  	p0 =	seq.s32 s5, $0x0;
	s5 =	sld [smem:$0x3FAA]  }
0x2b: {  	s6 =	sld [smem:$0x3FAB]  }
0x2c: {  	s7 =	sld [smem:$0x3FAC]  }
0x2d: {  	s3 =	simm.s32 $0x108;
	s8 =	sld [smem:$0x3FAD]  }
0x2e: {  	s3 =	simm.s32 @!p0 $0x1082;
	s9 =	sld [smem:$0x3FAE]  }
0x2f: {  	lr =	sadd.s32 s0, s3;
	s0 =	sld [smem:$0x3FA5]  }
0x30: {  	s3 =	sld [smem:$0x3FA8]  }
0x31: {  	[smem:$0x3FB1] =	sst s10  }
0x32: {  	s10 =	sld [smem:$0x3FAF];
	_ =	sdelay $0x3  }
0x33: {  	p0 =	seq.s32 s10, $0x1;
	s10 =	sld [smem:$0x3FB1];
	_ =	sdelay $0x3  }
0x34: {  	[smem:$0x3FB1] =	sst s10  }
0x35: {  	s10 =	sld [smem:$0x3FB0];
	_ =	sdelay $0x3  }
0x36: {  	p1 =	seq.s32 s10, $0x1;
	s10 =	sld [smem:$0x3FB1];
	_ =	sdelay $0x3  }
0x37: {  	[smem:$0x3FB1] =	sst s10  }
0x38: {  	s10 =	sld [smem:$0x3FB2]  }
0x39: {  	_ = 	snop;
	(pc) =	sbr.ind lr, $3  }
0x3a: {  	_ = 	snop  }
0x3b: {  	_ = 	snop  }
0x3c: {  	p2 =	seq.s32 s10, $0x1;
	s10 =	sld [smem:$0x3FB1]  }
0x3d: {  	_ =	shalt  }
0x3e: {  	_ =	shalt  }
0x3f: {  	_ =	shalt  }
0x40: {  	_ =	shalt  }
0x41: {  	_ =	shalt  }
0x42: {  	_ =	shalt  }
0x43: {  	_ =	shalt  }
0x44: {  	_ =	shalt  }
0x45: {  	_ =	shalt  }
0x46: {  	_ =	shalt  }
0x47: {  	_ =	shalt  }
0x48: {  	_ =	shalt  }
0x49: {  	_ =	shalt  }
0x4a: {  	_ =	shalt  }
0x4b: {  	_ =	shalt  }
0x4c: {  	_ =	shalt  }
0x4d: {  	_ =	shalt  }
0x4e: {  	_ =	shalt  }
0x4f: {  	_ =	shalt  }
0x50: {  	_ =	shalt  }
0x51: {  	_ =	shalt  }
0x52: {  	_ =	shalt  }
0x53: {  	_ =	shalt  }
0x54: {  	_ =	shalt  }
0x55: {  	_ =	shalt  }
0x56: {  	_ =	shalt  }
0x57: {  	_ =	shalt  }
0x58: {  	_ =	shalt  }
0x59: {  	_ =	shalt  }
0x5a: {  	_ =	shalt  }
0x5b: {  	_ =	shalt  }
0x5c: {  	_ =	shalt  }
0x5d: {  	_ =	shalt  }
0x5e: {  	_ =	shalt  }
0x5f: {  	_ =	shalt  }
0x60: {  	_ =	shalt  }
0x61: {  	_ =	shalt  }
0x62: {  	_ =	shalt  }
0x63: {  	_ =	shalt  }
0x64: {  	_ =	shalt  }
0x65: {  	_ =	shalt  }
0x66: {  	_ =	shalt  }
0x67: {  	_ =	shalt  }
0x68: {  	_ =	shalt  }
0x69: {  	_ =	shalt  }
0x6a: {  	_ =	shalt  }
0x6b: {  	_ =	shalt  }
0x6c: {  	_ =	shalt  }
0x6d: {  	_ =	shalt  }
0x6e: {  	_ =	shalt  }
0x6f: {  	_ =	shalt  }
0x70: {  	_ =	shalt  }
0x71: {  	_ =	shalt  }
0x72: {  	_ =	shalt  }
0x73: {  	_ =	shalt  }
0x74: {  	_ =	shalt  }
0x75: {  	_ =	shalt  }
0x76: {  	_ =	shalt  }
0x77: {  	_ =	shalt  }
0x78: {  	_ =	shalt  }
0x79: {  	_ =	shalt  }
0x7a: {  	_ =	shalt  }
0x7b: {  	_ =	shalt  }
0x7c: {  	_ =	shalt  }
0x7d: {  	_ =	shalt  }
0x7e: {  	_ =	shalt  }
0x7f: {  	_ =	shalt  }
0x80: {  	_ =	shalt  }
0x81: {  	_ =	shalt  }
0x82: {  	_ =	shalt  }
0x83: {  	_ =	shalt  }
0x84: {  	_ =	shalt  }
0x85: {  	_ =	shalt  }
0x86: {  	_ =	shalt  }
0x87: {  	_ =	shalt  }
.Lfunc_end0:
.L_simem_size_0:
called_computation.3_lowered:
.L_overlay_start_0:
0x88: {  	s2 =	sld [smem:$0x3FD9]  }
0x89: {  	s3 =	sld [smem:$0x3FFE];
	_ =	sdelay $0x1  }
0x8a: {  	s1 =	srdreg.scid  }
0x8b: {  	s0 =	sand.u32 $0x1, s1  }
0x8c: {  	s17 =	sshll.u32 s0, $0xA;
	s2 =	sadd.s32 s3, s2  }
0x8d: {  	s2 =	sadd.s32 s2, s17  }
0x8e: {  	[smem:$0x3FBD] =	sst s2  }
0x8f: {  	_ = 	snop  }
0x90: {  	s2 =	sld [smem:$0x3FC7];
	(tm) =	ssettm $0x1  }
0x91: {  	s18 =	sld [smem:$0x3FFB];
	_ =	sdelay $0x3  }
0x92: {  	_ =	strace s18  }
0x93: {  	s3 =	sld [smem:$0x3FFC];
	_ =	sdelay $0x3  }
0x94: {  	_ =	strace s3  }
0x95: {  	s3 =	sld [smem:$0x3FFD];
	_ =	sdelay $0x3  }
0x96: {  	_ =	strace s3  }
0x97: {  	_ =	strace $0x8FFFFFFF  }
0x98: {  	s19 =	sld [smem:$0x3FDB];
	_ =	sdelay $0x1  }
0x99: {  	s4 =	simm.s32 $_scs_section_size  }
0x9a: {  	s5 =	simm.s32 $_size__tile_overlayer_lowered;
	s6 =	simm.s32 $_tile_overlayer_lowered  }
0x9b: {  	s22 =	simm.s32 $0x1BFF;
	s21 =	sshll.u32 s6, $0x1;
	s3 =	sadd.s32 s4, s19  }
0x9c: {  	s7 =	simm.s32 $0x0;
	s20 =	sshll.u32 s5, $0x1;
	s5 =	sadd.s32 s21, s3  }
0x9d: {  	[timem:s7], [sflag:s22] =	dma.local [hbm:s5], s20  }
0x9e: {  	_ =	swait.ge [sflag:s22], s20  }
0x9f: {  	s4 =	ssub.s32 $0x0, s20;
	[sflag:s22] =	ssyncset.done $0x0  }
0xa0: {  	[sflag:s22] =	ssyncadd.s32 s4;
	_ =	sdelay $0x1  }
0xa1: {  	s23 =	simm.s32 $0x1B8B  }
0xa2: {  	_ =	swait.ge [sflag:s23], $0x1  }
0xa3: {  	[sflag:s23] =	ssyncset.done $0x0  }
0xa4: {  	s25 =	simm.s32 $0x1B8E;
	s24 =	sld [smem:$0x3FFE];
	[sflag:s23] =	ssyncadd.s32 $0xFFFFFFFF  }
0xa5: {  	s26 =	simm.s32 $execute0_lowered;
	[smem:$0x3FD2] =	sst s25  }
0xa6: {  	s5 =	sshll.u32 s26, $0x1;
	_ =	strace $0x8000004F;
	[dreg:$0x1] =	wrdreg $0xFFFFFFFF  }
0xa7: {  	s28 =	simm.s32 $_size_execute0_lowered;
	s3 =	sadd.s32 s3, s5;
	[dreg:$0x0] =	wrdreg $0x0  }
0xa8: {  	s5 =	sshll.u32 s28, $0x1;
	[dreg:$0x2] =	wrdreg s3  }
0xa9: {  	[dreg:$0x3] =	wrdreg s5  }
0xaa: {  	[dreg:$0x4] =	wrdreg $0xC0  }
0xab: {  	_ =	task [dreg:s7], $0x5FFFF  }
0xac: {  	[dreg:$0x1] =	wrdreg $0xFFFFFFFF  }
0xad: {  	[dreg:$0x0] =	wrdreg $0x60  }
0xae: {  	[dreg:$0x2] =	wrdreg s24  }
0xaf: {  	[dreg:$0x3] =	wrdreg s2  }
0xb0: {  	[dreg:$0x4] =	wrdreg $0x9  }
0xb1: {  	_ =	task.clear_ibuf [dreg:s7], $0x5FFFF;
	_ =	strace $0x9000004F  }
0xb2: {  	s29 =	simm.s32 $0x9;
	_ =	strace $0x80000051  }
0xb3: {  	_ =	swait.ge [sflag:s29], $0x1  }
0xb4: {  	[sflag:s29] =	ssyncadd.s32 $0xFFFFFFFF  }
0xb5: {  	_ =	strace $0x90000051  }
0xb6: {  	_ =	sfence  }
0xb7: {  	s30 =	sld [smem:$0x0];
	_ =	sdelay $0x2  }
0xb8: {  	s31 =	sshll.u32 s1, $0xD;
	s1 =	sshrl.u32 s1, $0x2  }
0xb9: {  	s3 =	sand.u32 $0x4000, s31;
	s1 =	sadd.s32 s1, s30  }
0xba: {  	s0 =	sor.u32 s3, s0;
	s1 =	sshll.u32 s1, $0x11  }
0xbb: {  	s0 =	sor.u32 s1, s0  }
0xbc: {  	s0 =	sadd.s32 $0x8F2B, s0  }
0xbd: {  	[sflag:s0] =	ssyncadd.remote.s32 $0x1  }
0xbe: {  	_ =	sfence.sel $0xFFFF  }
0xbf: {  	[dreg:$0x0] =	wrdreg $0xFFFFFFFF;
	(pc) =	sbr.abs _section_cstart, $3  }
0xc0: {  	[dreg:$0x1] =	wrdreg $0xFFFFFFFF  }
0xc1: {  	_ =	task.clear_ibuf [dreg:s7], $0x2FFFF;
	_ =	strace $0x9FFFFFFF  }
0xc2: {  	(tm) =	ssettm $0x7FFFFFFF  }
0xc3: {  	_ =	shalt  }
tec
execute0_lowered:
.L_overlay_start_1:
0x0: {  	(tag) =	ssettag $0x1  }
0x1: {  	s1 =	srdreg.scid;
	s9 =	rddreg [dreg:$0x0]  }
0x2: {  	s0 =	stileid.u32;
	s3 =	rddreg [dreg:$0x1]  }
0x3: {  	s2 =	simm.s32 $0x0;
	s7 =	simm.s32 $0x80;
	s6 =	sand.u32 $0x1, s1  }
0x4: {  	s5 =	sshll.u32 s0, $0x5;
	s1 =	rddreg [dreg:$0x2];
	s4 =	sshll.u32 s6, $0x9  }
0x5: {  	s8 =	simm.s32 $0x1;
	[smem:$0x7FF] =	sst s2;
	s10 =	sor.u32 s5, s4  }
0x6: {  	_ =	strace $0x80000050;
	s11 =	ssub.s32 $0x2, s6;
	s4 =	sshrl.u32 s10, $0x3  }
0x7: {  	s6 =	simm.s32 $0x20;
	s4 =	sadd.s32 s3, s4;
	s3 =	simm.s32 $0x2  }
0x8: {  	[tilespmem:s2], [sflag:$0x2] =	stream.linear.gather [hbm4b:s4+s2], $0x20, $0x38;
	[tilespmem:$0x1080] =	vst v63  }
0x9: {  	s5 =	sadd.s32 $0x2C00, s9;
	s12 =	sshrl.u32 s11, $0x1;
	_ =	swait.ge [sflag:s3], $0x20  }
0xa: {  	s10 =	sshll.u32 s10, $0x4;
	s31 =	ssub.s32 s11, s12;
	[sflag:s3] =	ssyncset.done $0x0  }
0xb: {  	s9 =	sadd.s32 s10, s9;
	s10 =	smax.u32 s31, $0x1;
	[sflag:s3] =	ssyncadd.s32 $0xFFFFFFE0  }
0xc: {  	[tilespmem:s7], [sflag:$0x1] =	stream.indirect.gather [hbm4b:s5+s6], $0x80, s2, s6, $0xb8;
	[tilespmem:$0x1080] =	vst v63  }
0xd: {  	p0 =	sne.s32 s10, $0x1;
	_ =	swait.ge [sflag:s8], $0x1000  }
.Ltmp0:
0xe: {  	[sflag:s8] =	ssyncset.done $0x0;
	(pc) =	sbr.rel @!p0 .LBB2_2-.Ltmp0, $4  }
0xf: {  	s9 =	sadd.s32 $0x29E00, s9;
	[sflag:s8] =	ssyncadd.s32 $0xFFFFF000  }
0x10: {  	[hbm4b:s9+s2] =	stream.linear.scatter [tilespmem:s7], [sflag:$0x2], $0x1000, $0x38;
	[tilespmem:$0x1080] =	vst v63  }
0x11: {  	_ =	swait.ge [sflag:s3], $0x1000  }
0x12: {  	s10 =	sadd.s32 $0xFFFFFFFF, s10;
	[sflag:s3] =	ssyncset.done $0x0  }
.LBB2_1:
0x13: {  	p0 =	sne.s32 s10, $0x1;
	s10 =	sadd.s32 $0xFFFFFFFF, s10;
	[sflag:s3] =	ssyncadd.s32 $0xFFFFF000  }
0x14: {  	[tilespmem:s2], [sflag:$0x2] =	stream.linear.gather [hbm4b:s4+s2], $0x20, $0x38;
	[tilespmem:$0x1080] =	vst v63  }
0x15: {  	_ =	swait.ge [sflag:s3], $0x20  }
0x16: {  	[sflag:s3] =	ssyncset.done $0x0  }
0x17: {  	[sflag:s3] =	ssyncadd.s32 $0xFFFFFFE0  }
0x18: {  	[tilespmem:s7], [sflag:$0x1] =	stream.indirect.gather [hbm4b:s5+s6], $0x80, s2, s6, $0xb8;
	[tilespmem:$0x1080] =	vst v63  }
0x19: {  	_ =	swait.ge [sflag:s8], $0x1000  }
.Ltmp1:
0x1a: {  	[sflag:s8] =	ssyncset.done $0x0;
	(pc) =	sbr.rel @p0 .LBB2_1-.Ltmp1, $4  }
0x1b: {  	[sflag:s8] =	ssyncadd.s32 $0xFFFFF000  }
0x1c: {  	[hbm4b:s9+s2] =	stream.linear.scatter [tilespmem:s7], [sflag:$0x2], $0x1000, $0x38;
	[tilespmem:$0x1080] =	vst v63  }
0x1d: {  	_ =	swait.ge [sflag:s3], $0x1000  }
0x1e: {  	[sflag:s3] =	ssyncset.done $0x0  }
.LBB2_2:
0x1f: {  	[sflag:s3] =	ssyncadd.s32 $0xFFFFF000  }
0x20: {  	_ =	sfence.sel $0x180000  }
0x21: {  	[bflag:$0x0] =	sbarrier.arrive $0xFFFF  }
0x22: {  	p0 =	sne.s32 s0, $0x0;
	_ =	strace $0x90000050  }
0x23: {  	s0 =	sadd.s32 @!p0 $0x100000, s1;
	[bflag:$0x2] =	sbarrier.arrive $0xFFFF  }
0x24: {  	[sflag:s0] =	ssyncadd.tile.s32 @!p0 $0x1;
	_ =	shalt  }
.Lfunc_end2:
_tile_overlayer_lowered:
.L_overlay_start_2:
0x25: {  	(tag) =	ssettag $0x2  }
0x26: {  	s0 =	rddreg [dreg:$0x0];
	s2 =	stileid.u32  }
0x27: {  	s1 =	rddreg [dreg:$0x1];
	p0 =	sne.s32 s2, $0x0  }
0x28: {  	s3 =	rddreg [dreg:$0x2];
	[bflag:$0x3] =	sbarrier.arrive $0xFFFF;
	s2 =	simm.s32 @!p0 $0x1C02  }
0x29: {  	[timem:s3], [sflag:s2] =	dma.local @!p0 [hbm:s0], s1  }
0x2a: {  	s0 =	simm.s32 @!p0 $0x2  }
0x2b: {  	_ =	swait.ge @!p0 [sflag:s0], s1  }
0x2c: {  	s1 =	ssub.s32 @!p0 $0x0, s1;
	[sflag:s0] =	ssyncset.done @!p0 $0x0  }
0x2d: {  	[sflag:s0] =	ssyncadd.s32 @!p0 s1  }
0x2e: {  	[bflag:$0x3] =	sbarrier.arrive $0xFFFF  }
0x2f: {  	_ =	shalt  }

// kernel: kernel.9.cloned.1.call-start
scs
__scs_entry_jumppad:
0x0: {  	(pc) =	sbr.rel $0x88, $3  }
0x1: {  	(tag) =	ssettag $0x0;
	lr =	simm.s32 $0x1  }
0x2: {  	[smem:$0x3F96] =	sst lr;
	_ =	strace $0xD0000000  }
0x3: {  	_ = 	snop  }
0x4: {  	_ = 	snop  }
0x5: {  	_ = 	snop  }
0x6: {  	_ = 	snop  }
0x7: {  	_ = 	snop  }
__scs_overlays_trampoline_lowered:
0x8: {  	[smem:$0x3FA5] =	sst s0  }
0x9: {  	[smem:$0x3FA6] =	sst s1  }
0xa: {  	[smem:$0x3FA7] =	sst s2  }
0xb: {  	[smem:$0x3FA8] =	sst s3  }
0xc: {  	[smem:$0x3FA9] =	sst s4  }
0xd: {  	[smem:$0x3FAA] =	sst s5  }
0xe: {  	[smem:$0x3FAB] =	sst s6  }
0xf: {  	[smem:$0x3FAC] =	sst s7  }
0x10: {  	[smem:$0x3FAD] =	sst s8  }
0x11: {  	[smem:$0x3FAE] =	sst s9;
	s0 =	simm.s32 @!p0 $0x0  }
0x12: {  	s1 =	sld [smem:$0x3F94];
	s0 =	simm.s32 @p0 $0x1  }
0x13: {  	[smem:$0x3FAF] =	sst s0;
	s0 =	simm.s32 @!p1 $0x0  }
0x14: {  	s2 =	sld [smem:$0x3F93];
	s0 =	simm.s32 @p1 $0x1  }
0x15: {  	[smem:$0x3FB0] =	sst s0;
	s0 =	simm.s32 @!p2 $0x0  }
0x16: {  	s3 =	sld [smem:$0x3FDB];
	s0 =	simm.s32 @p2 $0x1  }
0x17: {  	s4 =	simm.s32 $0x1BF5;
	[smem:$0x3FB2] =	sst s0  }
0x18: {  	s0 =	sld [smem:$0x3F95];
	_ =	swait.ge [sflag:s4], $0x0  }
0x19: {  	s7 =	sld [smem:$0x3F96]  }
0x1a: {  	s8 =	sadd.s32 $0xFFFFE003, lr  }
0x1b: {  	s9 =	sadd.s32 $0xFFFFFEF7, lr;
	s5 =	simm.s32 $0xFFFFFFFF;
	p2 =	slt.u32 s8, $0xFFFFF086  }
0x1c: {  	p1 =	slt.u32 s9, $0xF7A;
	s5 =	simm.s32 @!p2 $0x0  }
0x1d: {  	s5 =	simm.s32 @p1 $0x1;
	p0 =	seq.s32 s7, s2  }
0x1e: {  	s7 =	smul.u32 @!p0 $0xF7A, s2;
	p2 =	seq.s32 @!p0 s5, $0x0  }
0x1f: {  	s9 =	smul.u32 $0xF7A, s1;
	s8 =	simm.s32 @!p0 $0x1BF5;
	p2 =	por !p2, p0  }
0x20: {  	[sflag:s8] =	ssyncset.s32 @!p0 $0xFFFFF086;
	s6 =	sadd.s32 @!p0 s3, s7;
	s7 =	simm.s32 @!p0 $0x108  }
0x21: {  	s3 =	sadd.s32 s3, s9;
	s6 =	sadd.s32 @!p0 $0x88, s6;
	s7 =	simm.s32 @p2 $0x1082  }
0x22: {  	[simem:s7], [sflag:s8] =	dma.local @!p0 [hbm:s6], $0xF7A  }
0x23: {  	s9 =	sor.u32 $0xD0000000, s2;
	s6 =	simm.s32 $0x108;
	_ =	swait.ge @!p0 [sflag:s8], $0x0  }
0x24: {  	s3 =	sadd.s32 $0x88, s3;
	s6 =	simm.s32 @!p1 $0x1082;
	[sflag:s4] =	ssyncset.s32 $0xFFFFF086  }
0x25: {  	[simem:s6], [sflag:s4] =	dma.local [hbm:s3], $0xF7A  }
0x26: {  	[smem:$0x3F96] =	sst s1;
	(tag) =	ssettag s2;
	_ =	strace s9  }
0x27: {  	s1 =	sld [smem:$0x3FA6]  }
0x28: {  	s2 =	sld [smem:$0x3FA7]  }
0x29: {  	s4 =	sld [smem:$0x3FA9]  }
0x2a: {  	p0 =	seq.s32 s5, $0x0;
	s5 =	sld [smem:$0x3FAA]  }
0x2b: {  	s6 =	sld [smem:$0x3FAB]  }
0x2c: {  	s7 =	sld [smem:$0x3FAC]  }
0x2d: {  	s3 =	simm.s32 $0x108;
	s8 =	sld [smem:$0x3FAD]  }
0x2e: {  	s3 =	simm.s32 @!p0 $0x1082;
	s9 =	sld [smem:$0x3FAE]  }
0x2f: {  	lr =	sadd.s32 s0, s3;
	s0 =	sld [smem:$0x3FA5]  }
0x30: {  	s3 =	sld [smem:$0x3FA8]  }
0x31: {  	[smem:$0x3FB1] =	sst s10  }
0x32: {  	s10 =	sld [smem:$0x3FAF];
	_ =	sdelay $0x3  }
0x33: {  	p0 =	seq.s32 s10, $0x1;
	s10 =	sld [smem:$0x3FB1];
	_ =	sdelay $0x3  }
0x34: {  	[smem:$0x3FB1] =	sst s10  }
0x35: {  	s10 =	sld [smem:$0x3FB0];
	_ =	sdelay $0x3  }
0x36: {  	p1 =	seq.s32 s10, $0x1;
	s10 =	sld [smem:$0x3FB1];
	_ =	sdelay $0x3  }
0x37: {  	[smem:$0x3FB1] =	sst s10  }
0x38: {  	s10 =	sld [smem:$0x3FB2]  }
0x39: {  	_ = 	snop;
	(pc) =	sbr.ind lr, $3  }
0x3a: {  	_ = 	snop  }
0x3b: {  	_ = 	snop  }
0x3c: {  	p2 =	seq.s32 s10, $0x1;
	s10 =	sld [smem:$0x3FB1]  }
0x3d: {  	_ =	shalt  }
0x3e: {  	_ =	shalt  }
0x3f: {  	_ =	shalt  }
0x40: {  	_ =	shalt  }
0x41: {  	_ =	shalt  }
0x42: {  	_ =	shalt  }
0x43: {  	_ =	shalt  }
0x44: {  	_ =	shalt  }
0x45: {  	_ =	shalt  }
0x46: {  	_ =	shalt  }
0x47: {  	_ =	shalt  }
0x48: {  	_ =	shalt  }
0x49: {  	_ =	shalt  }
0x4a: {  	_ =	shalt  }
0x4b: {  	_ =	shalt  }
0x4c: {  	_ =	shalt  }
0x4d: {  	_ =	shalt  }
0x4e: {  	_ =	shalt  }
0x4f: {  	_ =	shalt  }
0x50: {  	_ =	shalt  }
0x51: {  	_ =	shalt  }
0x52: {  	_ =	shalt  }
0x53: {  	_ =	shalt  }
0x54: {  	_ =	shalt  }
0x55: {  	_ =	shalt  }
0x56: {  	_ =	shalt  }
0x57: {  	_ =	shalt  }
0x58: {  	_ =	shalt  }
0x59: {  	_ =	shalt  }
0x5a: {  	_ =	shalt  }
0x5b: {  	_ =	shalt  }
0x5c: {  	_ =	shalt  }
0x5d: {  	_ =	shalt  }
0x5e: {  	_ =	shalt  }
0x5f: {  	_ =	shalt  }
0x60: {  	_ =	shalt  }
0x61: {  	_ =	shalt  }
0x62: {  	_ =	shalt  }
0x63: {  	_ =	shalt  }
0x64: {  	_ =	shalt  }
0x65: {  	_ =	shalt  }
0x66: {  	_ =	shalt  }
0x67: {  	_ =	shalt  }
0x68: {  	_ =	shalt  }
0x69: {  	_ =	shalt  }
0x6a: {  	_ =	shalt  }
0x6b: {  	_ =	shalt  }
0x6c: {  	_ =	shalt  }
0x6d: {  	_ =	shalt  }
0x6e: {  	_ =	shalt  }
0x6f: {  	_ =	shalt  }
0x70: {  	_ =	shalt  }
0x71: {  	_ =	shalt  }
0x72: {  	_ =	shalt  }
0x73: {  	_ =	shalt  }
0x74: {  	_ =	shalt  }
0x75: {  	_ =	shalt  }
0x76: {  	_ =	shalt  }
0x77: {  	_ =	shalt  }
0x78: {  	_ =	shalt  }
0x79: {  	_ =	shalt  }
0x7a: {  	_ =	shalt  }
0x7b: {  	_ =	shalt  }
0x7c: {  	_ =	shalt  }
0x7d: {  	_ =	shalt  }
0x7e: {  	_ =	shalt  }
0x7f: {  	_ =	shalt  }
0x80: {  	_ =	shalt  }
0x81: {  	_ =	shalt  }
0x82: {  	_ =	shalt  }
0x83: {  	_ =	shalt  }
0x84: {  	_ =	shalt  }
0x85: {  	_ =	shalt  }
0x86: {  	_ =	shalt  }
0x87: {  	_ =	shalt  }
.Lfunc_end0:
.L_simem_size_0:
called_computation_lowered:
.L_overlay_start_0:
0x88: {  	s2 =	sld [smem:$0x3FD9]  }
0x89: {  	s3 =	sld [smem:$0x3FFE];
	_ =	sdelay $0x1  }
0x8a: {  	s1 =	srdreg.scid  }
0x8b: {  	s0 =	sand.u32 $0x1, s1  }
0x8c: {  	s17 =	sshll.u32 s0, $0xA;
	s2 =	sadd.s32 s3, s2  }
0x8d: {  	s2 =	sadd.s32 s2, s17  }
0x8e: {  	[smem:$0x3FBD] =	sst s2  }
0x8f: {  	_ = 	snop  }
0x90: {  	(tm) =	ssettm $0x1  }
0x91: {  	s18 =	sld [smem:$0x3FFB];
	_ =	sdelay $0x3  }
0x92: {  	_ =	strace s18  }
0x93: {  	s2 =	sld [smem:$0x3FFC];
	_ =	sdelay $0x3  }
0x94: {  	_ =	strace s2  }
0x95: {  	s2 =	sld [smem:$0x3FFD];
	_ =	sdelay $0x3  }
0x96: {  	_ =	strace s2  }
0x97: {  	_ =	strace $0x8FFFFFFF  }
0x98: {  	s19 =	sld [smem:$0x3FDB];
	_ =	sdelay $0x1  }
0x99: {  	s20 =	simm.s32 $_scs_section_size  }
0x9a: {  	s4 =	simm.s32 $_size__tile_overlayer_lowered;
	s5 =	simm.s32 $_tile_overlayer_lowered  }
0x9b: {  	s6 =	simm.s32 $0x1BFF;
	s21 =	sshll.u32 s5, $0x1;
	s3 =	sadd.s32 s20, s19  }
0x9c: {  	s22 =	simm.s32 $0x0;
	s4 =	sshll.u32 s4, $0x1;
	s5 =	sadd.s32 s21, s3  }
0x9d: {  	[timem:s22], [sflag:s6] =	dma.local [hbm:s5], s4  }
0x9e: {  	_ =	swait.ge [sflag:s6], s4  }
0x9f: {  	s4 =	ssub.s32 $0x0, s4;
	[sflag:s6] =	ssyncset.done $0x0  }
0xa0: {  	[sflag:s6] =	ssyncadd.s32 s4;
	_ =	sdelay $0x1  }
0xa1: {  	s23 =	simm.s32 $0x1B8B  }
0xa2: {  	_ =	swait.ge [sflag:s23], $0x1  }
0xa3: {  	[sflag:s23] =	ssyncset.done $0x0  }
0xa4: {  	[sflag:s23] =	ssyncadd.s32 $0xFFFFFFFF  }
0xa5: {  	s4 =	sld [smem:$0x0]  }
0xa6: {  	s5 =	sand.u32 $0xFFFFFFFE, s1  }
0xa7: {  	p0 =	sne.s32 s1, s5  }
0xa8: {  	s5 =	sshll.u32 @p0 s5, $0xE  }
0xa9: {  	s5 =	sadd.s32 @p0 $0x11B8D, s5;
	s6 =	sshll.u32 @p0 s4, $0x11  }
0xaa: {  	s5 =	sor.u32 @p0 s6, s5  }
0xab: {  	[sflag:s5] =	ssyncadd.remote.s32 @p0 $0x1;
	_ =	sdelay $0x1  }
0xac: {  	s5 =	simm.s32 @p0 $0x1B8D  }
0xad: {  	_ =	swait.eq @p0 [sflag:s5], $0x1  }
0xae: {  	[sflag:s5] =	ssyncadd.s32 @p0 $0xFFFFFFFF  }
0xaf: {  	s6 =	sshll.u32 @!p0 s1, $0xE  }
0xb0: {  	s6 =	sor.u32 @!p0 $0x4000, s6;
	s5 =	simm.s32 @!p0 $0x1B8D  }
0xb1: {  	s4 =	sshll.u32 @!p0 s4, $0x11;
	s6 =	sadd.s32 @!p0 $0x11B8D, s6;
	_ =	swait.eq @!p0 [sflag:s5], $0x1  }
0xb2: {  	s4 =	sor.u32 @!p0 s4, s6;
	[sflag:s5] =	ssyncadd.s32 @!p0 $0xFFFFFFFF  }
0xb3: {  	s25 =	simm.s32 $0x1B8E;
	s24 =	sld [smem:$0x3FFE];
	[sflag:s4] =	ssyncadd.remote.s32 @!p0 $0x1  }
0xb4: {  	s26 =	simm.s32 $execute0_lowered;
	[smem:$0x3FD2] =	sst s25  }
0xb5: {  	s5 =	sshll.u32 s26, $0x1;
	_ =	strace $0x80000049;
	[dreg:$0x1] =	wrdreg $0xFFFFFFFF  }
0xb6: {  	s28 =	simm.s32 $_size_execute0_lowered;
	s3 =	sadd.s32 s3, s5;
	[dreg:$0x0] =	wrdreg $0x0  }
0xb7: {  	s5 =	sshll.u32 s28, $0x1;
	[dreg:$0x2] =	wrdreg s3  }
0xb8: {  	[dreg:$0x3] =	wrdreg s5  }
0xb9: {  	[dreg:$0x4] =	wrdreg $0xC0  }
0xba: {  	_ =	task [dreg:s22], $0x5FFFF  }
0xbb: {  	[dreg:$0x1] =	wrdreg $0xFFFFFFFF  }
0xbc: {  	[dreg:$0x0] =	wrdreg $0x60  }
0xbd: {  	[dreg:$0x2] =	wrdreg s24  }
0xbe: {  	[dreg:$0x3] =	wrdreg $0x0  }
0xbf: {  	[dreg:$0x4] =	wrdreg $0x9  }
0xc0: {  	_ =	task.clear_ibuf [dreg:s22], $0x5FFFF;
	_ =	strace $0x90000049  }
0xc1: {  	s29 =	simm.s32 $0x9;
	_ =	strace $0x8000004B  }
0xc2: {  	_ =	swait.ge [sflag:s29], $0x1  }
0xc3: {  	[sflag:s29] =	ssyncadd.s32 $0xFFFFFFFF  }
0xc4: {  	_ =	strace $0x9000004B  }
0xc5: {  	_ =	sfence  }
0xc6: {  	s30 =	sld [smem:$0x0];
	_ =	sdelay $0x2  }
0xc7: {  	s31 =	sshll.u32 s1, $0xD;
	s1 =	sshrl.u32 s1, $0x2  }
0xc8: {  	s4 =	sand.u32 $0x4000, s31;
	s1 =	sadd.s32 s1, s30  }
0xc9: {  	s0 =	sor.u32 s4, s0;
	s1 =	sshll.u32 s1, $0x11  }
0xca: {  	s0 =	sor.u32 s1, s0  }
0xcb: {  	s0 =	sadd.s32 $0x8F2B, s0  }
0xcc: {  	[sflag:s0] =	ssyncadd.remote.s32 $0x1  }
0xcd: {  	_ =	sfence.sel $0xFFFF  }
0xce: {  	[dreg:$0x0] =	wrdreg $0xFFFFFFFF;
	(pc) =	sbr.abs _section_cstart, $3  }
0xcf: {  	[dreg:$0x1] =	wrdreg $0xFFFFFFFF  }
0xd0: {  	_ =	task.clear_ibuf [dreg:s22], $0x2FFFF;
	_ =	strace $0x9FFFFFFF  }
0xd1: {  	(tm) =	ssettm $0x7FFFFFFF  }
tec
execute0_lowered:
.L_overlay_start_1:
0x0: {  	(tag) =	ssettag $0x1  }
0x1: {  	s13 =	stileid.u32  }
0x2: {  	s0 =	srdreg.scid;
	s3 =	smul.u32 $0x280, s13  }
0x3: {  	s4 =	rddreg [dreg:$0x0];
	s0 =	sand.u32 $0x1, s0;
	s7 =	smul.u32 $0x50000, s13  }
0x4: {  	s1 =	rddreg [dreg:$0x1];
	s2 =	smul.u32 $0x9E00, s0;
	s5 =	ssub.s32 $0x2, s0  }
0x5: {  	s0 =	smul.u32 $0x2800, s0;
	s6 =	sshrl.u32 s5, $0x1;
	s8 =	sor.u32 $0x40, s3  }
0x6: {  	s9 =	sadd.s32 $0x80, s3;
	s11 =	sadd.s32 $0xC0, s3;
	s19 =	sadd.s32 $0x140, s3  }
0x7: {  	s20 =	sadd.s32 $0x180, s3;
	s22 =	sadd.s32 $0x1C0, s3;
	s23 =	sadd.s32 $0x200, s3  }
0x8: {  	s2 =	sadd.s32 s2, s4;
	s4 =	sadd.s32 $0x7A400, s4;
	s5 =	ssub.s32 s5, s6  }
0x9: {  	s25 =	sadd.s32 s0, s3;
	s26 =	sadd.s32 s0, s8;
	s10 =	sadd.s32 s0, s9  }
0xa: {  	s12 =	sadd.s32 s0, s11;
	s17 =	sadd.s32 s0, s20;
	s21 =	sadd.s32 s0, s22  }
0xb: {  	s24 =	sadd.s32 s0, s23;
	s8 =	sshll.u32 s8, $0x7;
	s9 =	sshll.u32 s9, $0x7  }
0xc: {  	s6 =	sshll.u32 s25, $0x4;
	s10 =	sshll.u32 s10, $0x4;
	s14 =	sshll.u32 s12, $0x4  }
0xd: {  	s12 =	sadd.s32 s0, s19;
	s18 =	sshll.u32 s17, $0x4;
	s6 =	sadd.s32 s4, s6  }
0xe: {  	s25 =	sshll.u32 s24, $0x4;
	s17 =	sadd.s32 s9, s1;
	[dreg:$0x3] =	wrdreg s6  }
0xf: {  	s6 =	sshll.u32 s26, $0x4;
	s26 =	smul.u32 $0x9E0, s13;
	s13 =	simm.s32 $0x0  }
0x10: {  	s24 =	sshll.u32 s20, $0x7;
	s6 =	sadd.s32 s4, s6;
	[smem:$0x7FF] =	sst s13  }
0x11: {  	s16 =	sshll.u32 s12, $0x4;
	s12 =	sshll.u32 s11, $0x7;
	[dreg:$0x4] =	wrdreg s6  }
0x12: {  	s6 =	sadd.s32 s4, s10;
	s10 =	sadd.s32 $0x100, s3;
	s3 =	sadd.s32 $0x240, s3  }
0x13: {  	[dreg:$0x5] =	wrdreg s6;
	s6 =	sadd.s32 s4, s14;
	s15 =	sadd.s32 s0, s10  }
0x14: {  	s0 =	sadd.s32 s0, s3;
	[dreg:$0x6] =	wrdreg s6;
	s6 =	sshll.u32 s15, $0x4  }
0x15: {  	s3 =	sshll.u32 s3, $0x7;
	s0 =	sshll.u32 s0, $0x4;
	s6 =	sadd.s32 s4, s6  }
0x16: {  	s15 =	sshll.u32 s10, $0x7;
	s0 =	sadd.s32 s4, s0;
	[dreg:$0x7] =	wrdreg s6  }
0x17: {  	s6 =	sadd.s32 s4, s16;
	[dreg:$0xc] =	wrdreg s0;
	s0 =	sadd.s32 s26, s2  }
0x18: {  	s16 =	sadd.s32 s8, s1;
	s26 =	sshll.u32 s23, $0x7;
	s8 =	simm.s32 $0x0  }
0x19: {  	[dreg:$0x8] =	wrdreg s6;
	s6 =	sadd.s32 s4, s18;
	s18 =	sadd.s32 s12, s1  }
0x1a: {  	s23 =	sadd.s32 s26, s1;
	[dreg:$0x9] =	wrdreg s6;
	s6 =	sshll.u32 s21, $0x4  }
0x1b: {  	s21 =	sshll.u32 s19, $0x7;
	s19 =	sadd.s32 s15, s1;
	s6 =	sadd.s32 s4, s6  }
0x1c: {  	s20 =	sadd.s32 s21, s1;
	s21 =	sadd.s32 s24, s1;
	s24 =	sadd.s32 s3, s1  }
0x1d: {  	[dreg:$0xa] =	wrdreg s6;
	s6 =	sadd.s32 s4, s25;
	s25 =	sshll.u32 s22, $0x7  }
0x1e: {  	s4 =	simm.s32 $0x14080;
	[dreg:$0xb] =	wrdreg s6;
	s6 =	sshrl.u32 s7, $0x2  }
0x1f: {  	s7 =	smax.u32 s5, $0x1;
	s22 =	sadd.s32 s25, s1;
	s25 =	sadd.s32 $0x2C00, s0  }
0x20: {  	s5 =	simm.s32 $0x1;
	_ =	strace $0x8000004A;
	s14 =	sadd.s32 s6, s1  }
0x21: {  	[dreg:$0xd] =	wrdreg s7;
	s6 =	simm.s32 $0x14000;
	s7 =	simm.s32 $0x40  }
0x22: {  	s26 =	sadd.s32 $0x2000, s14;
	s28 =	sadd.s32 $0x4000, s14;
	s29 =	sadd.s32 $0x6000, s14  }
0x23: {  	s30 =	sadd.s32 $0x8000, s14;
	s31 =	sadd.s32 $0xA000, s14;
	s10 =	sadd.s32 $0xC000, s14  }
0x24: {  	v0 =	vimm.f32 $0.0e+00;
	v1 =	vimm.f32 $1.000000000e+00;
	s0 =	sadd.s32 $0xE000, s14;
	s2 =	sadd.s32 $0x10000, s14;
	s3 =	sadd.s32 $0x12000, s14  }
.LBB2_1:
0x25: {  	s9 =	simm.s32 $0x0;
	s11 =	simm.s32 $0x200  }
.LBB2_2:
0x26: {  	p0 =	sne.s32 s11, $0x7E00;
	[tilespmem:s9+$0x140F0] =	vst v0  }
0x27: {  	[tilespmem:s9+$0x14080] =	vst v0  }
0x28: {  	[tilespmem:s9+$0x14090] =	vst v0  }
.Ltmp0:
0x29: {  	[tilespmem:s9+$0x140A0] =	vst v0;
	(pc) =	sbr.rel @p0 .LBB2_2-.Ltmp0, $4  }
0x2a: {  	[tilespmem:s9+$0x140B0] =	vst v0  }
0x2b: {  	[tilespmem:s9+$0x140C0] =	vst v0  }
0x2c: {  	[tilespmem:s9+$0x140D0] =	vst v0  }
0x2d: {  	[tilespmem:s9+$0x140E0] =	vst v0;
	s9 =	sshra.s32 s11, $0x2;
	s11 =	sadd.s32 $0x200, s11  }
0x2e: {  	[tilespmem:s9+$0x140F0] =	vst v0  }
0x2f: {  	[tilespmem:s9+$0x14080] =	vst v0  }
0x30: {  	[tilespmem:s9+$0x14090] =	vst v0  }
0x31: {  	[tilespmem:s9+$0x140A0] =	vst v0  }
0x32: {  	[tilespmem:s9+$0x140B0] =	vst v0  }
0x33: {  	[tilespmem:s9+$0x140C0] =	vst v0  }
0x34: {  	[tilespmem:s9+$0x140D0] =	vst v0  }
0x35: {  	[tilespmem:s9+$0x140E0] =	vst v0  }
0x36: {  	[spmem:s14] =	stream.linear.scatter [tilespmem:s4], [sflag:$0x1], $0x2000, $0x38;
	[tilespmem:$0x16080] =	vst v63  }
0x37: {  	_ =	swait.ge [sflag:s5], $0x2000  }
0x38: {  	[sflag:s5] =	ssyncset.done $0x0  }
0x39: {  	[sflag:s5] =	ssyncadd.s32 $0xFFFFE000  }
0x3a: {  	[spmem:s26] =	stream.linear.scatter [tilespmem:s4], [sflag:$0x1], $0x2000, $0x38;
	[tilespmem:$0x16080] =	vst v63  }
0x3b: {  	_ =	swait.ge [sflag:s5], $0x2000  }
0x3c: {  	[sflag:s5] =	ssyncset.done $0x0  }
0x3d: {  	[sflag:s5] =	ssyncadd.s32 $0xFFFFE000  }
0x3e: {  	[spmem:s28] =	stream.linear.scatter [tilespmem:s4], [sflag:$0x1], $0x2000, $0x38;
	[tilespmem:$0x16080] =	vst v63  }
0x3f: {  	_ =	swait.ge [sflag:s5], $0x2000  }
0x40: {  	[sflag:s5] =	ssyncset.done $0x0  }
0x41: {  	[sflag:s5] =	ssyncadd.s32 $0xFFFFE000  }
0x42: {  	[spmem:s29] =	stream.linear.scatter [tilespmem:s4], [sflag:$0x1], $0x2000, $0x38;
	[tilespmem:$0x16080] =	vst v63  }
0x43: {  	_ =	swait.ge [sflag:s5], $0x2000  }
0x44: {  	[sflag:s5] =	ssyncset.done $0x0  }
0x45: {  	[sflag:s5] =	ssyncadd.s32 $0xFFFFE000  }
0x46: {  	[spmem:s30] =	stream.linear.scatter [tilespmem:s4], [sflag:$0x1], $0x2000, $0x38;
	[tilespmem:$0x16080] =	vst v63  }
0x47: {  	_ =	swait.ge [sflag:s5], $0x2000  }
0x48: {  	[sflag:s5] =	ssyncset.done $0x0  }
0x49: {  	[sflag:s5] =	ssyncadd.s32 $0xFFFFE000  }
0x4a: {  	[spmem:s31] =	stream.linear.scatter [tilespmem:s4], [sflag:$0x1], $0x2000, $0x38;
	[tilespmem:$0x16080] =	vst v63  }
0x4b: {  	_ =	swait.ge [sflag:s5], $0x2000  }
0x4c: {  	[sflag:s5] =	ssyncset.done $0x0  }
0x4d: {  	[sflag:s5] =	ssyncadd.s32 $0xFFFFE000  }
0x4e: {  	[spmem:s10] =	stream.linear.scatter [tilespmem:s4], [sflag:$0x1], $0x2000, $0x38;
	[tilespmem:$0x16080] =	vst v63  }
0x4f: {  	_ =	swait.ge [sflag:s5], $0x2000  }
0x50: {  	[sflag:s5] =	ssyncset.done $0x0  }
0x51: {  	[sflag:s5] =	ssyncadd.s32 $0xFFFFE000  }
0x52: {  	[spmem:s0] =	stream.linear.scatter [tilespmem:s4], [sflag:$0x1], $0x2000, $0x38;
	[tilespmem:$0x16080] =	vst v63  }
0x53: {  	_ =	swait.ge [sflag:s5], $0x2000  }
0x54: {  	[sflag:s5] =	ssyncset.done $0x0  }
0x55: {  	[sflag:s5] =	ssyncadd.s32 $0xFFFFE000  }
0x56: {  	[spmem:s2] =	stream.linear.scatter [tilespmem:s4], [sflag:$0x1], $0x2000, $0x38;
	[tilespmem:$0x16080] =	vst v63  }
0x57: {  	_ =	swait.ge [sflag:s5], $0x2000  }
0x58: {  	[sflag:s5] =	ssyncset.done $0x0  }
0x59: {  	[sflag:s5] =	ssyncadd.s32 $0xFFFFE000  }
0x5a: {  	[spmem:s3] =	stream.linear.scatter [tilespmem:s4], [sflag:$0x1], $0x2000, $0x38;
	[tilespmem:$0x16080] =	vst v63  }
0x5b: {  	_ =	swait.ge [sflag:s5], $0x2000  }
0x5c: {  	[sflag:s5] =	ssyncset.done $0x0  }
0x5d: {  	s9 =	simm.s32 $0x0;
	s11 =	simm.s32 $0x200;
	[sflag:s5] =	ssyncadd.s32 $0xFFFFE000  }
.LBB2_4:
0x5e: {  	p0 =	sne.s32 s11, $0x7E00;
	[tilespmem:s9+$0x140F0] =	vst v1  }
0x5f: {  	[tilespmem:s9+$0x14080] =	vst v1  }
0x60: {  	[tilespmem:s9+$0x14090] =	vst v1  }
.Ltmp1:
0x61: {  	[tilespmem:s9+$0x140A0] =	vst v1;
	(pc) =	sbr.rel @p0 .LBB2_4-.Ltmp1, $4  }
0x62: {  	[tilespmem:s9+$0x140B0] =	vst v1  }
0x63: {  	[tilespmem:s9+$0x140C0] =	vst v1  }
0x64: {  	[tilespmem:s9+$0x140D0] =	vst v1  }
0x65: {  	[tilespmem:s9+$0x140E0] =	vst v1;
	s9 =	sshra.s32 s11, $0x2;
	s11 =	sadd.s32 $0x200, s11  }
0x66: {  	[tilespmem:s9+$0x140F0] =	vst v1  }
0x67: {  	[tilespmem:s9+$0x14080] =	vst v1  }
0x68: {  	[tilespmem:s9+$0x14090] =	vst v1  }
0x69: {  	[tilespmem:s9+$0x140A0] =	vst v1  }
0x6a: {  	[tilespmem:s9+$0x140B0] =	vst v1  }
0x6b: {  	[tilespmem:s9+$0x140C0] =	vst v1  }
0x6c: {  	[tilespmem:s9+$0x140D0] =	vst v1  }
0x6d: {  	[tilespmem:s9+$0x140E0] =	vst v1  }
0x6e: {  	s15 =	sadd.s32 $0x0, s25;
	[bflag:$0x0] =	sbarrier.arrive $0xFFFF  }
0x6f: {  	[tilespmem:s6], [sflag:$0x1] =	stream.linear.gather [hbm4b:s15+s13], $0x80, $0x38;
	[tilespmem:$0x16080] =	vst v63  }
0x70: {  	_ =	swait.ge [sflag:s5], $0x80  }
0x71: {  	[sflag:s5] =	ssyncset.done $0x0  }
0x72: {  	[sflag:s5] =	ssyncadd.s32 $0xFFFFFF80  }
0x73: {  	[spmem:s1] =	stream.indirect.scatter.add.f32 [tilespmem:s4], [sflag:$0x1], $0x80, s6, s7, $0xb8;
	[tilespmem:$0x16080] =	vst v63  }
0x74: {  	_ =	swait.ge [sflag:s5], $0x2000  }
0x75: {  	s9 =	simm.s32 $0x10;
	s11 =	simm.s32 $0x20;
	[sflag:s5] =	ssyncset.done $0x0  }
.LBB2_6:
0x76: {  	s12 =	sadd.s32 s9, s25  }
0x77: {  	[sflag:s5] =	ssyncadd.s32 $0xFFFFE000;
	s9 =	smov.u32 s11;
	s15 =	sadd.s32 $0x10, s11  }
0x78: {  	[tilespmem:s6], [sflag:$0x1] =	stream.linear.gather [hbm4b:s12+s13], $0x80, $0x38;
	[tilespmem:$0x16080] =	vst v63  }
0x79: {  	p0 =	sne.s32 s11, $0x9D0;
	_ =	swait.ge [sflag:s5], $0x80  }
.Ltmp2:
0x7a: {  	[sflag:s5] =	ssyncset.done $0x0;
	(pc) =	sbr.rel @p0 .LBB2_6-.Ltmp2, $4  }
0x7b: {  	[sflag:s5] =	ssyncadd.s32 $0xFFFFFF80  }
0x7c: {  	[spmem:s1] =	stream.indirect.scatter.add.f32 [tilespmem:s4], [sflag:$0x1], $0x80, s6, s7, $0xb8;
	[tilespmem:$0x16080] =	vst v63  }
0x7d: {  	_ =	swait.ge [sflag:s5], $0x2000  }
0x7e: {  	s11 =	smov.u32 s15;
	[sflag:s5] =	ssyncset.done $0x0  }
0x7f: {  	s9 =	sadd.s32 s9, s25;
	[sflag:s5] =	ssyncadd.s32 $0xFFFFE000  }
0x80: {  	[tilespmem:s6], [sflag:$0x1] =	stream.linear.gather [hbm4b:s9+s13], $0x80, $0x38;
	[tilespmem:$0x16080] =	vst v63  }
0x81: {  	_ =	swait.ge [sflag:s5], $0x80  }
0x82: {  	[sflag:s5] =	ssyncset.done $0x0  }
0x83: {  	[sflag:s5] =	ssyncadd.s32 $0xFFFFFF80  }
0x84: {  	[spmem:s1] =	stream.indirect.scatter.add.f32 [tilespmem:s4], [sflag:$0x1], $0x80, s6, s7, $0xb8;
	[tilespmem:$0x16080] =	vst v63  }
0x85: {  	_ =	swait.ge [sflag:s5], $0x2000  }
0x86: {  	[sflag:s5] =	ssyncset.done $0x0  }
0x87: {  	[sflag:s5] =	ssyncadd.s32 $0xFFFFE000  }
0x88: {  	[bflag:$0x0] =	sbarrier.arrive $0xFFFF  }
0x89: {  	[tilespmem:s4], [sflag:$0x1] =	stream.linear.gather [spmem:s14], $0x2000, $0x38;
	[tilespmem:$0x16080] =	vst v63  }
0x8a: {  	_ =	swait.ge [sflag:s5], $0x2000  }
0x8b: {  	[sflag:s5] =	ssyncset.done $0x0  }
0x8c: {  	s12 =	rddreg [dreg:$0x3];
	[sflag:s5] =	ssyncadd.s32 $0xFFFFE000  }
0x8d: {  	[hbm4b:s12+s13] =	stream.linear.scatter [tilespmem:s4], [sflag:$0x1], $0x2000, $0x38;
	[tilespmem:$0x16080] =	vst v63  }
0x8e: {  	_ =	swait.ge [sflag:s5], $0x2000  }
0x8f: {  	[sflag:s5] =	ssyncset.done $0x0  }
0x90: {  	[sflag:s5] =	ssyncadd.s32 $0xFFFFE000  }
0x91: {  	[tilespmem:s4], [sflag:$0x1] =	stream.linear.gather [spmem:s16], $0x2000, $0x38;
	[tilespmem:$0x16080] =	vst v63  }
0x92: {  	_ =	swait.ge [sflag:s5], $0x2000  }
0x93: {  	[sflag:s5] =	ssyncset.done $0x0  }
0x94: {  	s15 =	rddreg [dreg:$0x4];
	[sflag:s5] =	ssyncadd.s32 $0xFFFFE000  }
0x95: {  	[hbm4b:s15+s13] =	stream.linear.scatter [tilespmem:s4], [sflag:$0x1], $0x2000, $0x38;
	[tilespmem:$0x16080] =	vst v63  }
0x96: {  	_ =	swait.ge [sflag:s5], $0x2000  }
0x97: {  	[sflag:s5] =	ssyncset.done $0x0  }
0x98: {  	[sflag:s5] =	ssyncadd.s32 $0xFFFFE000  }
0x99: {  	[tilespmem:s4], [sflag:$0x1] =	stream.linear.gather [spmem:s17], $0x2000, $0x38;
	[tilespmem:$0x16080] =	vst v63  }
0x9a: {  	_ =	swait.ge [sflag:s5], $0x2000  }
0x9b: {  	[sflag:s5] =	ssyncset.done $0x0  }
0x9c: {  	s11 =	rddreg [dreg:$0x5];
	[sflag:s5] =	ssyncadd.s32 $0xFFFFE000  }
0x9d: {  	[hbm4b:s11+s13] =	stream.linear.scatter [tilespmem:s4], [sflag:$0x1], $0x2000, $0x38;
	[tilespmem:$0x16080] =	vst v63  }
0x9e: {  	_ =	swait.ge [sflag:s5], $0x2000  }
0x9f: {  	[sflag:s5] =	ssyncset.done $0x0  }
0xa0: {  	[sflag:s5] =	ssyncadd.s32 $0xFFFFE000  }
0xa1: {  	[tilespmem:s4], [sflag:$0x1] =	stream.linear.gather [spmem:s18], $0x2000, $0x38;
	[tilespmem:$0x16080] =	vst v63  }
0xa2: {  	_ =	swait.ge [sflag:s5], $0x2000  }
0xa3: {  	[sflag:s5] =	ssyncset.done $0x0  }
0xa4: {  	s12 =	rddreg [dreg:$0x6];
	[sflag:s5] =	ssyncadd.s32 $0xFFFFE000  }
0xa5: {  	[hbm4b:s12+s13] =	stream.linear.scatter [tilespmem:s4], [sflag:$0x1], $0x2000, $0x38;
	[tilespmem:$0x16080] =	vst v63  }
0xa6: {  	_ =	swait.ge [sflag:s5], $0x2000  }
0xa7: {  	[sflag:s5] =	ssyncset.done $0x0  }
0xa8: {  	[sflag:s5] =	ssyncadd.s32 $0xFFFFE000  }
0xa9: {  	[tilespmem:s4], [sflag:$0x1] =	stream.linear.gather [spmem:s19], $0x2000, $0x38;
	[tilespmem:$0x16080] =	vst v63  }
0xaa: {  	_ =	swait.ge [sflag:s5], $0x2000  }
0xab: {  	[sflag:s5] =	ssyncset.done $0x0  }
0xac: {  	s15 =	rddreg [dreg:$0x7];
	[sflag:s5] =	ssyncadd.s32 $0xFFFFE000  }
0xad: {  	[hbm4b:s15+s13] =	stream.linear.scatter [tilespmem:s4], [sflag:$0x1], $0x2000, $0x38;
	[tilespmem:$0x16080] =	vst v63  }
0xae: {  	_ =	swait.ge [sflag:s5], $0x2000  }
0xaf: {  	[sflag:s5] =	ssyncset.done $0x0  }
0xb0: {  	[sflag:s5] =	ssyncadd.s32 $0xFFFFE000  }
0xb1: {  	[tilespmem:s4], [sflag:$0x1] =	stream.linear.gather [spmem:s20], $0x2000, $0x38;
	[tilespmem:$0x16080] =	vst v63  }
0xb2: {  	_ =	swait.ge [sflag:s5], $0x2000  }
0xb3: {  	[sflag:s5] =	ssyncset.done $0x0  }
0xb4: {  	s11 =	rddreg [dreg:$0x8];
	[sflag:s5] =	ssyncadd.s32 $0xFFFFE000  }
0xb5: {  	[hbm4b:s11+s13] =	stream.linear.scatter [tilespmem:s4], [sflag:$0x1], $0x2000, $0x38;
	[tilespmem:$0x16080] =	vst v63  }
0xb6: {  	_ =	swait.ge [sflag:s5], $0x2000  }
0xb7: {  	[sflag:s5] =	ssyncset.done $0x0  }
0xb8: {  	[sflag:s5] =	ssyncadd.s32 $0xFFFFE000  }
0xb9: {  	[tilespmem:s4], [sflag:$0x1] =	stream.linear.gather [spmem:s21], $0x2000, $0x38;
	[tilespmem:$0x16080] =	vst v63  }
0xba: {  	_ =	swait.ge [sflag:s5], $0x2000  }
0xbb: {  	[sflag:s5] =	ssyncset.done $0x0  }
0xbc: {  	s12 =	rddreg [dreg:$0x9];
	[sflag:s5] =	ssyncadd.s32 $0xFFFFE000  }
0xbd: {  	[hbm4b:s12+s13] =	stream.linear.scatter [tilespmem:s4], [sflag:$0x1], $0x2000, $0x38;
	[tilespmem:$0x16080] =	vst v63  }
0xbe: {  	_ =	swait.ge [sflag:s5], $0x2000  }
0xbf: {  	[sflag:s5] =	ssyncset.done $0x0  }
0xc0: {  	[sflag:s5] =	ssyncadd.s32 $0xFFFFE000  }
0xc1: {  	[tilespmem:s4], [sflag:$0x1] =	stream.linear.gather [spmem:s22], $0x2000, $0x38;
	[tilespmem:$0x16080] =	vst v63  }
0xc2: {  	_ =	swait.ge [sflag:s5], $0x2000  }
0xc3: {  	[sflag:s5] =	ssyncset.done $0x0  }
0xc4: {  	s15 =	rddreg [dreg:$0xa];
	[sflag:s5] =	ssyncadd.s32 $0xFFFFE000  }
0xc5: {  	[hbm4b:s15+s13] =	stream.linear.scatter [tilespmem:s4], [sflag:$0x1], $0x2000, $0x38;
	[tilespmem:$0x16080] =	vst v63  }
0xc6: {  	_ =	swait.ge [sflag:s5], $0x2000  }
0xc7: {  	[sflag:s5] =	ssyncset.done $0x0  }
0xc8: {  	[sflag:s5] =	ssyncadd.s32 $0xFFFFE000  }
0xc9: {  	[tilespmem:s4], [sflag:$0x1] =	stream.linear.gather [spmem:s23], $0x2000, $0x38;
	[tilespmem:$0x16080] =	vst v63  }
0xca: {  	_ =	swait.ge [sflag:s5], $0x2000  }
0xcb: {  	[sflag:s5] =	ssyncset.done $0x0  }
0xcc: {  	s11 =	rddreg [dreg:$0xb];
	[sflag:s5] =	ssyncadd.s32 $0xFFFFE000  }
0xcd: {  	[hbm4b:s11+s13] =	stream.linear.scatter [tilespmem:s4], [sflag:$0x1], $0x2000, $0x38;
	[tilespmem:$0x16080] =	vst v63  }
0xce: {  	_ =	swait.ge [sflag:s5], $0x2000  }
0xcf: {  	[sflag:s5] =	ssyncset.done $0x0  }
0xd0: {  	[sflag:s5] =	ssyncadd.s32 $0xFFFFE000  }
0xd1: {  	[tilespmem:s4], [sflag:$0x1] =	stream.linear.gather [spmem:s24], $0x2000, $0x38;
	[tilespmem:$0x16080] =	vst v63  }
0xd2: {  	_ =	swait.ge [sflag:s5], $0x2000  }
0xd3: {  	[sflag:s5] =	ssyncset.done $0x0  }
0xd4: {  	s12 =	rddreg [dreg:$0xc];
	[sflag:s5] =	ssyncadd.s32 $0xFFFFE000  }
0xd5: {  	[hbm4b:s12+s13] =	stream.linear.scatter [tilespmem:s4], [sflag:$0x1], $0x2000, $0x38;
	[tilespmem:$0x16080] =	vst v63  }
0xd6: {  	_ =	swait.ge [sflag:s5], $0x2000  }
0xd7: {  	s8 =	sadd.s32 $0x1, s8;
	s15 =	rddreg [dreg:$0xd]  }
0xd8: {  	p0 =	sne.s32 s8, s15  }
.Ltmp3:
0xd9: {  	_ = 	snop;
	(pc) =	sbr.rel @p0 .LBB2_1-.Ltmp3, $3  }
0xda: {  	_ =	sdelay $0x1  }
0xdb: {  	[sflag:s5] =	ssyncset.done $0x0  }
0xdc: {  	[sflag:s5] =	ssyncadd.s32 $0xFFFFE000  }
0xdd: {  	_ =	sfence.sel $0x180000  }
0xde: {  	[bflag:$0x0] =	sbarrier.arrive $0xFFFF  }
0xdf: {  	_ =	strace $0x9000004A  }
0xe0: {  	s0 =	stileid.u32;
	[bflag:$0x2] =	sbarrier.arrive $0xFFFF  }
0xe1: {  	p0 =	sne.s32 s0, $0x0;
	s0 =	rddreg [dreg:$0x2]  }
0xe2: {  	s0 =	sadd.s32 @!p0 $0x100000, s0  }
0xe3: {  	[sflag:s0] =	ssyncadd.tile.s32 @!p0 $0x1;
	_ =	shalt  }
.Lfunc_end2:
_tile_overlayer_lowered:
.L_overlay_start_2:
0xe4: {  	(tag) =	ssettag $0x2  }
0xe5: {  	s0 =	rddreg [dreg:$0x0];
	s2 =	stileid.u32  }
0xe6: {  	s1 =	rddreg [dreg:$0x1];
	p0 =	sne.s32 s2, $0x0  }
0xe7: {  	s3 =	rddreg [dreg:$0x2];
	[bflag:$0x3] =	sbarrier.arrive $0xFFFF;
	s2 =	simm.s32 @!p0 $0x1C01  }
0xe8: {  	[timem:s3], [sflag:s2] =	dma.local @!p0 [hbm:s0], s1  }
0xe9: {  	s0 =	simm.s32 @!p0 $0x1  }
0xea: {  	_ =	swait.ge @!p0 [sflag:s0], s1  }
0xeb: {  	s1 =	ssub.s32 @!p0 $0x0, s1;
	[sflag:s0] =	ssyncset.done @!p0 $0x0  }
0xec: {  	[sflag:s0] =	ssyncadd.s32 @!p0 s1  }
0xed: {  	[bflag:$0x3] =	sbarrier.arrive $0xFFFF  }
0xee: {  	_ =	shalt  }

</sc_bundles>
